<compile_context>
chip_gen: v7x
topology: tpu7x:2x2x1
jax: 0.10.2.dev20260603
libtpu: 0.0.44.dev20260713+nightly
codegen_flags: <defaults>
</compile_context>

<pallas_src>
import functools

import jax
import jax.numpy as jnp
from jax import lax
from jax.experimental import pallas as pl
from jax.experimental.pallas import tpu as pltpu
from jax.experimental.pallas import tpu_sc as plsc

H = W = 200
C = 128
N = 1024
OH, OW = 8, 32
S = OH * OW
NWORKERS = 32
BOXES_PER_WORKER = N // NWORKERS
CHUNK = 128
NCH = S // CHUNK


_PACK_R = 400


def _pack_body(a_ref, b_ref, t_ref):
    a = a_ref[...]
    nxt = jnp.concatenate([a[1:], b_ref[0:1]], axis=0)
    lo = lax.bitcast_convert_type(a.astype(jnp.bfloat16),
                                  jnp.uint16).astype(jnp.uint32)
    hi = lax.bitcast_convert_type(nxt.astype(jnp.bfloat16),
                                  jnp.uint16).astype(jnp.uint32)
    t_ref[...] = lax.bitcast_convert_type(lo | (hi << 16), jnp.float32)


def _make_packed_table(t2d):
    g = (H * W) // _PACK_R
    return pl.pallas_call(
        _pack_body,
        grid=(g,),
        in_specs=[
            pl.BlockSpec((_PACK_R, C), lambda i: (i, 0)),
            pl.BlockSpec((_PACK_R, C), lambda i: (jnp.minimum(i + 1, g - 1), 0)),
        ],
        out_specs=pl.BlockSpec((_PACK_R, C), lambda i: (i, 0)),
        out_shape=jax.ShapeDtypeStruct((H * W, C), jnp.float32),
    )(t2d, t2d)


def _coords_body(boxes_ref, idx_ref, w_ref):
    b = boxes_ref[...]
    left = b[:, 0:1]
    top = b[:, 1:2]
    right = b[:, 2:3]
    bottom = b[:, 3:4]
    width = right - left
    height = bottom - top
    ratio = (OW / OH) * height / width
    update = ratio > 1.0
    pad = width * (ratio - 1.0) * 0.5
    nl = jnp.where(update, left - pad, left)
    nr = jnp.where(update, right + pad, right)
    bw = (nr - nl) / OW
    bh = height / OH

    col = lax.broadcasted_iota(jnp.int32, (N, S), 1)
    ow = (col % OW).astype(jnp.float32)
    oh = (col // OW).astype(jnp.float32)
    xs = nl + (ow + 0.5) * bw
    ys = top + (oh + 0.5) * bh
    x0f = jnp.floor(xs)
    y0f = jnp.floor(ys)
    lx = xs - x0f
    ly = ys - y0f
    x0 = jnp.clip(x0f.astype(jnp.int32), 0, W - 1)
    x1 = jnp.minimum(x0 + 1, W - 1)
    y0 = jnp.clip(y0f.astype(jnp.int32), 0, H - 1)
    y1 = jnp.minimum(y0 + 1, H - 1)
    i00 = y0 * W + x0
    i10 = y1 * W + x0

    dp = (ratio - 1.0) / ratio * (OW / 2)
    keep = (ow >= dp) & (ow < (OW - dp))
    m = jnp.where(update & ~keep, 0.0, 1.0)
    w00 = (1.0 - ly) * (1.0 - lx) * m
    w01 = (1.0 - ly) * lx * m
    w10 = ly * (1.0 - lx) * m
    w11 = ly * lx * m
    clipped = x1 == x0
    w00 = jnp.where(clipped, w00 + w01, w00)
    w01 = jnp.where(clipped, 0.0, w01)
    w10 = jnp.where(clipped, w10 + w11, w10)
    w11 = jnp.where(clipped, 0.0, w11)

    def packw(lo, hi):
        lo_u = lax.bitcast_convert_type(lo.astype(jnp.bfloat16),
                                        jnp.uint16).astype(jnp.uint32)
        hi_u = lax.bitcast_convert_type(hi.astype(jnp.bfloat16),
                                        jnp.uint16).astype(jnp.uint32)
        return lax.bitcast_convert_type(lo_u | (hi_u << 16), jnp.float32)

    wa = packw(w00, w01)
    wb = packw(w10, w11)

    for j in range(8):
        half = slice((j % 2) * 128, (j % 2 + 1) * 128)
        idx_ref[:, j, :] = (i00, i10)[(j // 2) % 2][:, half]
        w_ref[:, j, :] = (wa, wb)[(j // 2) % 2][:, half]


def _make_coords(boxes):
    return pl.pallas_call(
        _coords_body,
        out_shape=(
            jax.ShapeDtypeStruct((N, 8, 128), jnp.int32),
            jax.ShapeDtypeStruct((N, 8, 128), jnp.float32),
        ),
    )(boxes)


def _sc_body(idx_hbm, w_hbm, table_hbm, out_hbm,
             w_v, idx_v, ga0, ga1, gb0, gb1, obuf,
             gsem_a, gsem_b, wsem, osem):
    wid = lax.axis_index("s") * 2 + lax.axis_index("c")
    gsets = ((ga0, ga1, gsem_a), (gb0, gb1, gsem_b))
    b0 = wid * BOXES_PER_WORKER

    def issue(slot, ch, gset):
        for c2 in range(2):
            pltpu.async_copy(table_hbm.at[idx_v.at[slot, c2 * 2 + ch]],
                             gset[c2], gset[2])

    def drain_gathers(gset):
        for c2 in range(2):
            pltpu.make_async_copy(table_hbm.at[pl.ds(0, CHUNK)],
                                  gset[c2], gset[2]).wait()

    for j in range(4):
        pltpu.sync_copy(w_hbm.at[b0, j], w_v.at[pl.ds(j * 128, 128)])
    pltpu.sync_copy(idx_hbm.at[b0], idx_v.at[0])
    issue(0, 0, gsets[0])

    @pl.loop(0, BOXES_PER_WORKER)
    def _box(k):
        b = b0 + k
        nb = lax.rem(k, 2)
        nbn = lax.rem(k + 1, 2)

        bn = jnp.minimum(b + 1, N - 1)
        for j in range(4):
            pltpu.async_copy(w_hbm.at[bn, j],
                             w_v.at[pl.ds(nbn * 512 + j * 128, 128)], wsem)
        pltpu.async_copy(idx_hbm.at[bn], idx_v.at[nbn], wsem)

        for ch in range(NCH):
            if ch == 0:
                issue(nb, 1, gsets[1])
            else:
                for j in range(4):
                    pltpu.make_async_copy(
                        w_hbm.at[b, j], w_v.at[pl.ds(j * 128, 128)], wsem).wait()
                pltpu.make_async_copy(idx_hbm.at[b], idx_v.at[0], wsem).wait()
                issue(nbn, 0, gsets[0])
            drain_gathers(gsets[ch])
            gset = gsets[ch % 2]
            g0, g1 = gset[0], gset[1]
            ob = ch % 2

            if ch < 2:
                @pl.when(k > 0)
                def _():
                    pltpu.make_async_copy(out_hbm.at[b, pl.ds(0, CHUNK)],
                                          obuf.at[ob], osem).wait()
            else:
                pltpu.make_async_copy(out_hbm.at[b, pl.ds(0, CHUNK)],
                                      obuf.at[ob], osem).wait()

            @plsc.parallel_loop(0, CHUNK, unroll=4)
            def _samp(sl):
                s = ch * CHUNK + sl
                woff = nb * 512 + s
                waw = plsc.load_gather(w_v, [jnp.full((16,), 0, jnp.int32) + woff])
                wbw = plsc.load_gather(w_v, [jnp.full((16,), S, jnp.int32) + woff])
                wa = plsc.bitcast(waw, jnp.bfloat16)
                wb2 = plsc.bitcast(wbw, jnp.bfloat16)
                for kb in range(C // 16):
                    o = pl.ds(kb * 16, 16)
                    a0 = plsc.bitcast(g0[sl, o], jnp.bfloat16)
                    a1 = plsc.bitcast(g1[sl, o], jnp.bfloat16)
                    acc = wa * a0 + wb2 * a1
                    ev, od = plsc.unpack(acc, format=plsc.PackFormat.INTERLEAVED,
                                         preferred_element_type=jnp.float32)
                    obuf[ob, sl, o] = ev + od

            pltpu.async_copy(obuf.at[ob],
                             out_hbm.at[b, pl.ds(ch * CHUNK, CHUNK)], osem)

    pltpu.make_async_copy(out_hbm.at[b0, pl.ds(0, CHUNK)], obuf.at[0], osem).wait()
    pltpu.make_async_copy(out_hbm.at[b0, pl.ds(0, CHUNK)], obuf.at[1], osem).wait()
    drain_gathers(gsets[0])


def _sc_pool(idx, w, table):
    mesh = plsc.VectorSubcoreMesh(core_axis_name="c", subcore_axis_name="s")
    return pl.kernel(
        _sc_body,
        out_type=jax.ShapeDtypeStruct((N, S, C), jnp.float32),
        mesh=mesh,
        compiler_params=pltpu.CompilerParams(needs_layout_passes=False),
        scratch_types=[
            pltpu.VMEM((2 * 512,), jnp.float32),
            pltpu.VMEM((2, 8, 128), jnp.int32),
            pltpu.VMEM((CHUNK, C), jnp.float32),
            pltpu.VMEM((CHUNK, C), jnp.float32),
            pltpu.VMEM((CHUNK, C), jnp.float32),
            pltpu.VMEM((CHUNK, C), jnp.float32),
            pltpu.VMEM((2, CHUNK, C), jnp.float32),
            pltpu.SemaphoreType.DMA,
            pltpu.SemaphoreType.DMA,
            pltpu.SemaphoreType.DMA,
            pltpu.SemaphoreType.DMA,
        ],
    )(idx, w, table)


def kernel(features, boxes):
    t2d = features[0].transpose(1, 2, 0).reshape(H * W, C)
    table = _make_packed_table(t2d)
    idx, w = _make_coords(boxes)
    out = _sc_pool(idx, w, table)
    return out.reshape(N, OH, OW, C).transpose(0, 3, 1, 2)

# --- scband reference (transcript-rebuilt; emitter-appended) ---
"""Pipeline reference for scband-feat-pad-v2-45973329936438 (READ-ONLY COPY).

The authoritative reference and input builder live on the scoring server;
editing this copy changes nothing except your own understanding.
"""

import jax, jax.numpy as jnp
import numpy as np

OUT_H, OUT_W = 8, 32


def setup_inputs(seed: int = 0) -> dict:
    key = jax.random.key(seed)
    k1, k2, k3, k4, k5 = jax.random.split(key, 5)
    features = jax.random.normal(k1, (1, 128, 200, 200), dtype=jnp.float32)
    N = 1024
    cx = jax.random.uniform(k2, (N,), minval=40.0, maxval=160.0)
    cy = jax.random.uniform(k3, (N,), minval=40.0, maxval=160.0)
    w = jax.random.uniform(k4, (N,), minval=8.0, maxval=60.0)
    h = jax.random.uniform(k5, (N,), minval=8.0, maxval=60.0)
    boxes = jnp.stack([cx - w / 2, cy - h / 2, cx + w / 2, cy + h / 2], axis=1).astype(jnp.float32)
    return {"features": features, "boxes": boxes}


def _bilinear_sample(feat, ys, xs):
    # feat: [C, H, W]; ys, xs: [N, oh, ow] sample coords in feature space
    H, W = feat.shape[1], feat.shape[2]
    y0f = jnp.floor(ys)
    x0f = jnp.floor(xs)
    ly = ys - y0f
    lx = xs - x0f
    y0 = jnp.clip(y0f.astype(jnp.int32), 0, H - 1)
    y1 = jnp.clip(y0 + 1, 0, H - 1)
    x0 = jnp.clip(x0f.astype(jnp.int32), 0, W - 1)
    x1 = jnp.clip(x0 + 1, 0, W - 1)
    v00 = feat[:, y0, x0]  # [C, N, oh, ow] gathers (SparseCore-friendly)
    v01 = feat[:, y0, x1]
    v10 = feat[:, y1, x0]
    v11 = feat[:, y1, x1]
    ly = ly[None]
    lx = lx[None]
    out = v00 * (1 - ly) * (1 - lx) + v01 * (1 - ly) * lx + v10 * ly * (1 - lx) + v11 * ly * lx
    return jnp.transpose(out, (1, 0, 2, 3))  # [N, C, oh, ow]


def _roi_pool(features, boxes):
    # ROIAlign with sampling_ratio=1 on a single feature level, spatial_scale=1
    feat = features[0]
    N = boxes.shape[0]
    x0, y0, x1, y1 = boxes[:, 0], boxes[:, 1], boxes[:, 2], boxes[:, 3]
    bw = (x1 - x0) / OUT_W
    bh = (y1 - y0) / OUT_H
    xs = x0[:, None] + (jnp.arange(OUT_W, dtype=jnp.float32) + 0.5) * bw[:, None]  # [N, OUT_W]
    ys = y0[:, None] + (jnp.arange(OUT_H, dtype=jnp.float32) + 0.5) * bh[:, None]  # [N, OUT_H]
    ys3 = jnp.broadcast_to(ys[:, :, None], (N, OUT_H, OUT_W))
    xs3 = jnp.broadcast_to(xs[:, None, :], (N, OUT_H, OUT_W))
    return _bilinear_sample(feat, ys3, xs3)


def reference(features, boxes):
    dst_aspect = OUT_W / OUT_H
    left = boxes[:, 0]
    top = boxes[:, 1]
    right = boxes[:, 2]
    bottom = boxes[:, 3]
    width = right - left
    height = bottom - top
    src_aspect = width / height
    dst_src_ratio = dst_aspect / src_aspect
    update_ind = dst_src_ratio > 1
    src_padding = width * (dst_src_ratio - 1)
    new_right = jnp.where(update_ind, left + width + src_padding / 2, right)
    new_left = jnp.where(update_ind, left - src_padding / 2, left)
    aug_boxes = jnp.stack([new_left, top, new_right, bottom], axis=1)
    pooled = _roi_pool(features, aug_boxes)  # [N, C, OUT_H, OUT_W]
    # masked scatter-overwrite of the padded columns (where -> identical math to
    # features[update_ind] = features[update_ind] * mask)
    dst_padding = (dst_src_ratio - 1) / dst_src_ratio * OUT_W / 2
    dst_padding_right = OUT_W - dst_padding
    index_array = jnp.arange(OUT_W)[None, None, None, :]
    mask_right = index_array < dst_padding_right[:, None, None, None]
    mask_left = index_array >= dst_padding[:, None, None, None]
    mask = (mask_left & mask_right).astype(pooled.dtype)
    out = jnp.where(update_ind[:, None, None, None], pooled * mask, pooled)
    return out

if __name__ == "__main__":
    import jax
    _d = setup_inputs()
    print(jax.jit(kernel)(*tuple(_d.values())))

</pallas_src>

<mosaic_0001>
#map = affine_map<(d0, d1) -> (0, 0, 0)>
#map1 = affine_map<(d0, d1) -> (0, 0)>
module attributes {stable_mosaic.version = 14 : i64} {
  func.func @_sc_body(%arg0: i32, %arg1: i32, %arg2: memref<1024x8x128xi32, #tpu.memory_space<hbm>>, %arg3: memref<1024x8x128xf32, #tpu.memory_space<hbm>>, %arg4: memref<40000x128xf32, #tpu.memory_space<hbm>>, %arg5: memref<1024x256x128xf32, #tpu.memory_space<hbm>>, %arg6: memref<1024xf32, #tpu.memory_space<vmem>>, %arg7: memref<2x8x128xi32, #tpu.memory_space<vmem>>, %arg8: memref<128x128xf32, #tpu.memory_space<vmem>>, %arg9: memref<128x128xf32, #tpu.memory_space<vmem>>, %arg10: memref<128x128xf32, #tpu.memory_space<vmem>>, %arg11: memref<128x128xf32, #tpu.memory_space<vmem>>, %arg12: memref<2x128x128xf32, #tpu.memory_space<vmem>>, %arg13: memref<!tpu.dma_semaphore, #tpu.memory_space<semaphore_mem>>, %arg14: memref<!tpu.dma_semaphore, #tpu.memory_space<semaphore_mem>>, %arg15: memref<!tpu.dma_semaphore, #tpu.memory_space<semaphore_mem>>, %arg16: memref<!tpu.dma_semaphore, #tpu.memory_space<semaphore_mem>>) attributes {dimension_semantics = [#tpu.dimension_semantics<core_parallel>, #tpu.dimension_semantics<subcore_parallel>], iteration_bounds = array<i64: 2, 16>, scalar_prefetch = 0 : i64, scratch_operands = 11 : i64, tpu.core_type = #tpu.core_type<sc_vector_subcore>, window_params = [{transform_indices = #map}, {transform_indices = #map}, {transform_indices = #map1}, {transform_indices = #map}]} {
    %mul3A = arith.constant 2 : i32
    %mul3A_0 = arith.muli %arg1, %mul3A : i32
    %add3A = arith.addi %mul3A_0, %arg0 : i32
    %mul3A_1 = arith.constant 32 : i32
    %mul3A_2 = arith.muli %add3A, %mul3A_1 : i32
    %run_scoped3A = arith.constant 0 : i32
    "tpu.region"() ({
      %run_scoped3A_71 = tpu.sem_alloc : memref<!tpu.dma_semaphore, #tpu.memory_space<semaphore_mem>>
      %dma_start3A_72 = arith.constant 0 : i32
      %dma_start3A_73 = tpu.memref_slice %arg6[%dma_start3A_72] : memref<1024xf32, #tpu.memory_space<vmem>> -> memref<128xf32, #tpu.memory_space<vmem>>
      %dma_start3A_74 = arith.constant 0 : i32
      %dma_start3A_75 = tpu.memref_slice %arg3[%mul3A_2, %run_scoped3A, %dma_start3A_74] : memref<1024x8x128xf32, #tpu.memory_space<hbm>> -> memref<1x1x128xf32, #tpu.memory_space<hbm>>
      %dma_start3A_76 = tpu.memref_squeeze %dma_start3A_75 : memref<1x1x128xf32, #tpu.memory_space<hbm>> -> memref<128xf32, #tpu.memory_space<hbm>>
      %dma_start3A_77 = arith.constant 0 : i32
      %dma_start3A_78 = tpu.memref_slice %arg6[%dma_start3A_77] : memref<1024xf32, #tpu.memory_space<vmem>> -> memref<128xf32, #tpu.memory_space<vmem>>
      %dma_start3A_79 = arith.constant 0 : i32
      %dma_start3A_80 = tpu.memref_slice %arg3[%mul3A_2, %run_scoped3A, %dma_start3A_79] : memref<1024x8x128xf32, #tpu.memory_space<hbm>> -> memref<1x1x128xf32, #tpu.memory_space<hbm>>
      %dma_start3A_81 = tpu.memref_squeeze %dma_start3A_80 : memref<1x1x128xf32, #tpu.memory_space<hbm>> -> memref<128xf32, #tpu.memory_space<hbm>>
      tpu.enqueue_dma source(%dma_start3A_81 : memref<128xf32, #tpu.memory_space<hbm>>) target(%dma_start3A_78 : memref<128xf32, #tpu.memory_space<vmem>>) target_semaphore(%run_scoped3A_71 : memref<!tpu.dma_semaphore, #tpu.memory_space<semaphore_mem>>)
      %dma_wait3A_82 = arith.constant 0 : i32
      %dma_wait3A_83 = tpu.memref_slice %arg6[%dma_wait3A_82] : memref<1024xf32, #tpu.memory_space<vmem>> -> memref<128xf32, #tpu.memory_space<vmem>>
      %dma_wait3A_84 = arith.constant 0 : i32
      %dma_wait3A_85 = tpu.memref_slice %arg3[%mul3A_2, %run_scoped3A, %dma_wait3A_84] : memref<1024x8x128xf32, #tpu.memory_space<hbm>> -> memref<1x1x128xf32, #tpu.memory_space<hbm>>
      %dma_wait3A_86 = tpu.memref_squeeze %dma_wait3A_85 : memref<1x1x128xf32, #tpu.memory_space<hbm>> -> memref<128xf32, #tpu.memory_space<hbm>>
      %dma_wait3A_87 = arith.constant 0 : i32
      %dma_wait3A_88 = tpu.memref_slice %arg6[%dma_wait3A_87] : memref<1024xf32, #tpu.memory_space<vmem>> -> memref<128xf32, #tpu.memory_space<vmem>>
      %dma_wait3A_89 = arith.constant 0 : i32
      %dma_wait3A_90 = tpu.memref_slice %arg3[%mul3A_2, %run_scoped3A, %dma_wait3A_89] : memref<1024x8x128xf32, #tpu.memory_space<hbm>> -> memref<1x1x128xf32, #tpu.memory_space<hbm>>
      %dma_wait3A_91 = tpu.memref_squeeze %dma_wait3A_90 : memref<1x1x128xf32, #tpu.memory_space<hbm>> -> memref<128xf32, #tpu.memory_space<hbm>>
      tpu.wait_dma2 semaphore(%run_scoped3A_71 : memref<!tpu.dma_semaphore, #tpu.memory_space<semaphore_mem>>) src(%dma_wait3A_91 : memref<128xf32, #tpu.memory_space<hbm>>) dst(%dma_wait3A_88 : memref<128xf32, #tpu.memory_space<vmem>>)
      tpu.yield
    }) : () -> ()
    %run_scoped3A_3 = arith.constant 1 : i32
    "tpu.region"() ({
      %run_scoped3A_71 = tpu.sem_alloc : memref<!tpu.dma_semaphore, #tpu.memory_space<semaphore_mem>>
      %dma_start3A_72 = arith.constant 128 : i32
      %dma_start3A_73 = tpu.memref_slice %arg6[%dma_start3A_72] : memref<1024xf32, #tpu.memory_space<vmem>> -> memref<128xf32, #tpu.memory_space<vmem>>
      %dma_start3A_74 = arith.constant 0 : i32
      %dma_start3A_75 = tpu.memref_slice %arg3[%mul3A_2, %run_scoped3A_3, %dma_start3A_74] : memref<1024x8x128xf32, #tpu.memory_space<hbm>> -> memref<1x1x128xf32, #tpu.memory_space<hbm>>
      %dma_start3A_76 = tpu.memref_squeeze %dma_start3A_75 : memref<1x1x128xf32, #tpu.memory_space<hbm>> -> memref<128xf32, #tpu.memory_space<hbm>>
      %dma_start3A_77 = arith.constant 128 : i32
      %dma_start3A_78 = tpu.memref_slice %arg6[%dma_start3A_77] : memref<1024xf32, #tpu.memory_space<vmem>> -> memref<128xf32, #tpu.memory_space<vmem>>
      %dma_start3A_79 = arith.constant 0 : i32
      %dma_start3A_80 = tpu.memref_slice %arg3[%mul3A_2, %run_scoped3A_3, %dma_start3A_79] : memref<1024x8x128xf32, #tpu.memory_space<hbm>> -> memref<1x1x128xf32, #tpu.memory_space<hbm>>
      %dma_start3A_81 = tpu.memref_squeeze %dma_start3A_80 : memref<1x1x128xf32, #tpu.memory_space<hbm>> -> memref<128xf32, #tpu.memory_space<hbm>>
      tpu.enqueue_dma source(%dma_start3A_81 : memref<128xf32, #tpu.memory_space<hbm>>) target(%dma_start3A_78 : memref<128xf32, #tpu.memory_space<vmem>>) target_semaphore(%run_scoped3A_71 : memref<!tpu.dma_semaphore, #tpu.memory_space<semaphore_mem>>)
      %dma_wait3A_82 = arith.constant 128 : i32
      %dma_wait3A_83 = tpu.memref_slice %arg6[%dma_wait3A_82] : memref<1024xf32, #tpu.memory_space<vmem>> -> memref<128xf32, #tpu.memory_space<vmem>>
      %dma_wait3A_84 = arith.constant 0 : i32
      %dma_wait3A_85 = tpu.memref_slice %arg3[%mul3A_2, %run_scoped3A_3, %dma_wait3A_84] : memref<1024x8x128xf32, #tpu.memory_space<hbm>> -> memref<1x1x128xf32, #tpu.memory_space<hbm>>
      %dma_wait3A_86 = tpu.memref_squeeze %dma_wait3A_85 : memref<1x1x128xf32, #tpu.memory_space<hbm>> -> memref<128xf32, #tpu.memory_space<hbm>>
      %dma_wait3A_87 = arith.constant 128 : i32
      %dma_wait3A_88 = tpu.memref_slice %arg6[%dma_wait3A_87] : memref<1024xf32, #tpu.memory_space<vmem>> -> memref<128xf32, #tpu.memory_space<vmem>>
      %dma_wait3A_89 = arith.constant 0 : i32
      %dma_wait3A_90 = tpu.memref_slice %arg3[%mul3A_2, %run_scoped3A_3, %dma_wait3A_89] : memref<1024x8x128xf32, #tpu.memory_space<hbm>> -> memref<1x1x128xf32, #tpu.memory_space<hbm>>
      %dma_wait3A_91 = tpu.memref_squeeze %dma_wait3A_90 : memref<1x1x128xf32, #tpu.memory_space<hbm>> -> memref<128xf32, #tpu.memory_space<hbm>>
      tpu.wait_dma2 semaphore(%run_scoped3A_71 : memref<!tpu.dma_semaphore, #tpu.memory_space<semaphore_mem>>) src(%dma_wait3A_91 : memref<128xf32, #tpu.memory_space<hbm>>) dst(%dma_wait3A_88 : memref<128xf32, #tpu.memory_space<vmem>>)
      tpu.yield
    }) : () -> ()
    %run_scoped3A_4 = arith.constant 2 : i32
    "tpu.region"() ({
      %run_scoped3A_71 = tpu.sem_alloc : memref<!tpu.dma_semaphore, #tpu.memory_space<semaphore_mem>>
      %dma_start3A_72 = arith.constant 256 : i32
      %dma_start3A_73 = tpu.memref_slice %arg6[%dma_start3A_72] : memref<1024xf32, #tpu.memory_space<vmem>> -> memref<128xf32, #tpu.memory_space<vmem>>
      %dma_start3A_74 = arith.constant 0 : i32
      %dma_start3A_75 = tpu.memref_slice %arg3[%mul3A_2, %run_scoped3A_4, %dma_start3A_74] : memref<1024x8x128xf32, #tpu.memory_space<hbm>> -> memref<1x1x128xf32, #tpu.memory_space<hbm>>
      %dma_start3A_76 = tpu.memref_squeeze %dma_start3A_75 : memref<1x1x128xf32, #tpu.memory_space<hbm>> -> memref<128xf32, #tpu.memory_space<hbm>>
      %dma_start3A_77 = arith.constant 256 : i32
      %dma_start3A_78 = tpu.memref_slice %arg6[%dma_start3A_77] : memref<1024xf32, #tpu.memory_space<vmem>> -> memref<128xf32, #tpu.memory_space<vmem>>
      %dma_start3A_79 = arith.constant 0 : i32
      %dma_start3A_80 = tpu.memref_slice %arg3[%mul3A_2, %run_scoped3A_4, %dma_start3A_79] : memref<1024x8x128xf32, #tpu.memory_space<hbm>> -> memref<1x1x128xf32, #tpu.memory_space<hbm>>
      %dma_start3A_81 = tpu.memref_squeeze %dma_start3A_80 : memref<1x1x128xf32, #tpu.memory_space<hbm>> -> memref<128xf32, #tpu.memory_space<hbm>>
      tpu.enqueue_dma source(%dma_start3A_81 : memref<128xf32, #tpu.memory_space<hbm>>) target(%dma_start3A_78 : memref<128xf32, #tpu.memory_space<vmem>>) target_semaphore(%run_scoped3A_71 : memref<!tpu.dma_semaphore, #tpu.memory_space<semaphore_mem>>)
      %dma_wait3A_82 = arith.constant 256 : i32
      %dma_wait3A_83 = tpu.memref_slice %arg6[%dma_wait3A_82] : memref<1024xf32, #tpu.memory_space<vmem>> -> memref<128xf32, #tpu.memory_space<vmem>>
      %dma_wait3A_84 = arith.constant 0 : i32
      %dma_wait3A_85 = tpu.memref_slice %arg3[%mul3A_2, %run_scoped3A_4, %dma_wait3A_84] : memref<1024x8x128xf32, #tpu.memory_space<hbm>> -> memref<1x1x128xf32, #tpu.memory_space<hbm>>
      %dma_wait3A_86 = tpu.memref_squeeze %dma_wait3A_85 : memref<1x1x128xf32, #tpu.memory_space<hbm>> -> memref<128xf32, #tpu.memory_space<hbm>>
      %dma_wait3A_87 = arith.constant 256 : i32
      %dma_wait3A_88 = tpu.memref_slice %arg6[%dma_wait3A_87] : memref<1024xf32, #tpu.memory_space<vmem>> -> memref<128xf32, #tpu.memory_space<vmem>>
      %dma_wait3A_89 = arith.constant 0 : i32
      %dma_wait3A_90 = tpu.memref_slice %arg3[%mul3A_2, %run_scoped3A_4, %dma_wait3A_89] : memref<1024x8x128xf32, #tpu.memory_space<hbm>> -> memref<1x1x128xf32, #tpu.memory_space<hbm>>
      %dma_wait3A_91 = tpu.memref_squeeze %dma_wait3A_90 : memref<1x1x128xf32, #tpu.memory_space<hbm>> -> memref<128xf32, #tpu.memory_space<hbm>>
      tpu.wait_dma2 semaphore(%run_scoped3A_71 : memref<!tpu.dma_semaphore, #tpu.memory_space<semaphore_mem>>) src(%dma_wait3A_91 : memref<128xf32, #tpu.memory_space<hbm>>) dst(%dma_wait3A_88 : memref<128xf32, #tpu.memory_space<vmem>>)
      tpu.yield
    }) : () -> ()
    %run_scoped3A_5 = arith.constant 3 : i32
    "tpu.region"() ({
      %run_scoped3A_71 = tpu.sem_alloc : memref<!tpu.dma_semaphore, #tpu.memory_space<semaphore_mem>>
      %dma_start3A_72 = arith.constant 384 : i32
      %dma_start3A_73 = tpu.memref_slice %arg6[%dma_start3A_72] : memref<1024xf32, #tpu.memory_space<vmem>> -> memref<128xf32, #tpu.memory_space<vmem>>
      %dma_start3A_74 = arith.constant 0 : i32
      %dma_start3A_75 = tpu.memref_slice %arg3[%mul3A_2, %run_scoped3A_5, %dma_start3A_74] : memref<1024x8x128xf32, #tpu.memory_space<hbm>> -> memref<1x1x128xf32, #tpu.memory_space<hbm>>
      %dma_start3A_76 = tpu.memref_squeeze %dma_start3A_75 : memref<1x1x128xf32, #tpu.memory_space<hbm>> -> memref<128xf32, #tpu.memory_space<hbm>>
      %dma_start3A_77 = arith.constant 384 : i32
      %dma_start3A_78 = tpu.memref_slice %arg6[%dma_start3A_77] : memref<1024xf32, #tpu.memory_space<vmem>> -> memref<128xf32, #tpu.memory_space<vmem>>
      %dma_start3A_79 = arith.constant 0 : i32
      %dma_start3A_80 = tpu.memref_slice %arg3[%mul3A_2, %run_scoped3A_5, %dma_start3A_79] : memref<1024x8x128xf32, #tpu.memory_space<hbm>> -> memref<1x1x128xf32, #tpu.memory_space<hbm>>
      %dma_start3A_81 = tpu.memref_squeeze %dma_start3A_80 : memref<1x1x128xf32, #tpu.memory_space<hbm>> -> memref<128xf32, #tpu.memory_space<hbm>>
      tpu.enqueue_dma source(%dma_start3A_81 : memref<128xf32, #tpu.memory_space<hbm>>) target(%dma_start3A_78 : memref<128xf32, #tpu.memory_space<vmem>>) target_semaphore(%run_scoped3A_71 : memref<!tpu.dma_semaphore, #tpu.memory_space<semaphore_mem>>)
      %dma_wait3A_82 = arith.constant 384 : i32
      %dma_wait3A_83 = tpu.memref_slice %arg6[%dma_wait3A_82] : memref<1024xf32, #tpu.memory_space<vmem>> -> memref<128xf32, #tpu.memory_space<vmem>>
      %dma_wait3A_84 = arith.constant 0 : i32
      %dma_wait3A_85 = tpu.memref_slice %arg3[%mul3A_2, %run_scoped3A_5, %dma_wait3A_84] : memref<1024x8x128xf32, #tpu.memory_space<hbm>> -> memref<1x1x128xf32, #tpu.memory_space<hbm>>
      %dma_wait3A_86 = tpu.memref_squeeze %dma_wait3A_85 : memref<1x1x128xf32, #tpu.memory_space<hbm>> -> memref<128xf32, #tpu.memory_space<hbm>>
      %dma_wait3A_87 = arith.constant 384 : i32
      %dma_wait3A_88 = tpu.memref_slice %arg6[%dma_wait3A_87] : memref<1024xf32, #tpu.memory_space<vmem>> -> memref<128xf32, #tpu.memory_space<vmem>>
      %dma_wait3A_89 = arith.constant 0 : i32
      %dma_wait3A_90 = tpu.memref_slice %arg3[%mul3A_2, %run_scoped3A_5, %dma_wait3A_89] : memref<1024x8x128xf32, #tpu.memory_space<hbm>> -> memref<1x1x128xf32, #tpu.memory_space<hbm>>
      %dma_wait3A_91 = tpu.memref_squeeze %dma_wait3A_90 : memref<1x1x128xf32, #tpu.memory_space<hbm>> -> memref<128xf32, #tpu.memory_space<hbm>>
      tpu.wait_dma2 semaphore(%run_scoped3A_71 : memref<!tpu.dma_semaphore, #tpu.memory_space<semaphore_mem>>) src(%dma_wait3A_91 : memref<128xf32, #tpu.memory_space<hbm>>) dst(%dma_wait3A_88 : memref<128xf32, #tpu.memory_space<vmem>>)
      tpu.yield
    }) : () -> ()
    %run_scoped3A_6 = arith.constant 0 : i32
    "tpu.region"() ({
      %run_scoped3A_71 = tpu.sem_alloc : memref<!tpu.dma_semaphore, #tpu.memory_space<semaphore_mem>>
      %dma_start3A_72 = arith.constant 0 : i32
      %dma_start3A_73 = arith.constant 0 : i32
      %dma_start3A_74 = tpu.memref_slice %arg7[%run_scoped3A_6, %dma_start3A_72, %dma_start3A_73] : memref<2x8x128xi32, #tpu.memory_space<vmem>> -> memref<1x8x128xi32, #tpu.memory_space<vmem>>
      %dma_start3A_75 = tpu.memref_squeeze %dma_start3A_74 : memref<1x8x128xi32, #tpu.memory_space<vmem>> -> memref<8x128xi32, #tpu.memory_space<vmem>>
      %dma_start3A_76 = arith.constant 0 : i32
      %dma_start3A_77 = arith.constant 0 : i32
      %dma_start3A_78 = tpu.memref_slice %arg2[%mul3A_2, %dma_start3A_76, %dma_start3A_77] : memref<1024x8x128xi32, #tpu.memory_space<hbm>> -> memref<1x8x128xi32, #tpu.memory_space<hbm>>
      %dma_start3A_79 = tpu.memref_squeeze %dma_start3A_78 : memref<1x8x128xi32, #tpu.memory_space<hbm>> -> memref<8x128xi32, #tpu.memory_space<hbm>>
      %dma_start3A_80 = arith.constant 0 : i32
      %dma_start3A_81 = arith.constant 0 : i32
      %dma_start3A_82 = tpu.memref_slice %arg7[%run_scoped3A_6, %dma_start3A_80, %dma_start3A_81] : memref<2x8x128xi32, #tpu.memory_space<vmem>> -> memref<1x8x128xi32, #tpu.memory_space<vmem>>
      %dma_start3A_83 = tpu.memref_squeeze %dma_start3A_82 : memref<1x8x128xi32, #tpu.memory_space<vmem>> -> memref<8x128xi32, #tpu.memory_space<vmem>>
      %dma_start3A_84 = arith.constant 0 : i32
      %dma_start3A_85 = arith.constant 0 : i32
      %dma_start3A_86 = tpu.memref_slice %arg2[%mul3A_2, %dma_start3A_84, %dma_start3A_85] : memref<1024x8x128xi32, #tpu.memory_space<hbm>> -> memref<1x8x128xi32, #tpu.memory_space<hbm>>
      %dma_start3A_87 = tpu.memref_squeeze %dma_start3A_86 : memref<1x8x128xi32, #tpu.memory_space<hbm>> -> memref<8x128xi32, #tpu.memory_space<hbm>>
      tpu.enqueue_dma source(%dma_start3A_87 : memref<8x128xi32, #tpu.memory_space<hbm>>) target(%dma_start3A_83 : memref<8x128xi32, #tpu.memory_space<vmem>>) target_semaphore(%run_scoped3A_71 : memref<!tpu.dma_semaphore, #tpu.memory_space<semaphore_mem>>)
      %dma_wait3A_88 = arith.constant 0 : i32
      %dma_wait3A_89 = arith.constant 0 : i32
      %dma_wait3A_90 = tpu.memref_slice %arg7[%run_scoped3A_6, %dma_wait3A_88, %dma_wait3A_89] : memref<2x8x128xi32, #tpu.memory_space<vmem>> -> memref<1x8x128xi32, #tpu.memory_space<vmem>>
      %dma_wait3A_91 = tpu.memref_squeeze %dma_wait3A_90 : memref<1x8x128xi32, #tpu.memory_space<vmem>> -> memref<8x128xi32, #tpu.memory_space<vmem>>
      %dma_wait3A_92 = arith.constant 0 : i32
      %dma_wait3A_93 = arith.constant 0 : i32
      %dma_wait3A_94 = tpu.memref_slice %arg2[%mul3A_2, %dma_wait3A_92, %dma_wait3A_93] : memref<1024x8x128xi32, #tpu.memory_space<hbm>> -> memref<1x8x128xi32, #tpu.memory_space<hbm>>
      %dma_wait3A_95 = tpu.memref_squeeze %dma_wait3A_94 : memref<1x8x128xi32, #tpu.memory_space<hbm>> -> memref<8x128xi32, #tpu.memory_space<hbm>>
      %dma_wait3A_96 = arith.constant 0 : i32
      %dma_wait3A_97 = arith.constant 0 : i32
      %dma_wait3A_98 = tpu.memref_slice %arg7[%run_scoped3A_6, %dma_wait3A_96, %dma_wait3A_97] : memref<2x8x128xi32, #tpu.memory_space<vmem>> -> memref<1x8x128xi32, #tpu.memory_space<vmem>>
      %dma_wait3A_99 = tpu.memref_squeeze %dma_wait3A_98 : memref<1x8x128xi32, #tpu.memory_space<vmem>> -> memref<8x128xi32, #tpu.memory_space<vmem>>
      %dma_wait3A_100 = arith.constant 0 : i32
      %dma_wait3A_101 = arith.constant 0 : i32
      %dma_wait3A_102 = tpu.memref_slice %arg2[%mul3A_2, %dma_wait3A_100, %dma_wait3A_101] : memref<1024x8x128xi32, #tpu.memory_space<hbm>> -> memref<1x8x128xi32, #tpu.memory_space<hbm>>
      %dma_wait3A_103 = tpu.memref_squeeze %dma_wait3A_102 : memref<1x8x128xi32, #tpu.memory_space<hbm>> -> memref<8x128xi32, #tpu.memory_space<hbm>>
      tpu.wait_dma2 semaphore(%run_scoped3A_71 : memref<!tpu.dma_semaphore, #tpu.memory_space<semaphore_mem>>) src(%dma_wait3A_103 : memref<8x128xi32, #tpu.memory_space<hbm>>) dst(%dma_wait3A_99 : memref<8x128xi32, #tpu.memory_space<vmem>>)
      tpu.yield
    }) : () -> ()
    %dma_start3A = arith.constant 0 : i32
    %dma_start3A_7 = arith.constant 0 : i32
    %dma_start3A_8 = arith.constant 0 : i32
    %dma_start3A_9 = tpu.memref_slice %arg7[%dma_start3A, %dma_start3A_7, %dma_start3A_8] : memref<2x8x128xi32, #tpu.memory_space<vmem>> -> memref<1x1x128xi32, #tpu.memory_space<vmem>>
    %dma_start3A_10 = tpu.memref_squeeze %dma_start3A_9 : memref<1x1x128xi32, #tpu.memory_space<vmem>> -> memref<128xi32, #tpu.memory_space<vmem>>
    %dma_start3A_11 = arith.constant 0 : i32
    %dma_start3A_12 = arith.constant 0 : i32
    %dma_start3A_13 = tpu.memref_slice %arg4[%dma_start3A_11, %dma_start3A_12] : memref<40000x128xf32, #tpu.memory_space<hbm>> -> memref<40000x128xf32, #tpu.memory_space<hbm>>
    tpu.enqueue_indirect_dma source(%dma_start3A_13 : memref<40000x128xf32, #tpu.memory_space<hbm>>) target(%arg8 : memref<128x128xf32, #tpu.memory_space<vmem>>) offsets(%dma_start3A_10 : memref<128xi32, #tpu.memory_space<vmem>>) semaphore(%arg13 : memref<!tpu.dma_semaphore, #tpu.memory_space<semaphore_mem>>)
    %dma_start3A_14 = arith.constant 0 : i32
    %dma_start3A_15 = arith.constant 2 : i32
    %dma_start3A_16 = arith.constant 0 : i32
    %dma_start3A_17 = tpu.memref_slice %arg7[%dma_start3A_14, %dma_start3A_15, %dma_start3A_16] : memref<2x8x128xi32, #tpu.memory_space<vmem>> -> memref<1x1x128xi32, #tpu.memory_space<vmem>>
    %dma_start3A_18 = tpu.memref_squeeze %dma_start3A_17 : memref<1x1x128xi32, #tpu.memory_space<vmem>> -> memref<128xi32, #tpu.memory_space<vmem>>
    %dma_start3A_19 = arith.constant 0 : i32
    %dma_start3A_20 = arith.constant 0 : i32
    %dma_start3A_21 = tpu.memref_slice %arg4[%dma_start3A_19, %dma_start3A_20] : memref<40000x128xf32, #tpu.memory_space<hbm>> -> memref<40000x128xf32, #tpu.memory_space<hbm>>
    tpu.enqueue_indirect_dma source(%dma_start3A_21 : memref<40000x128xf32, #tpu.memory_space<hbm>>) target(%arg9 : memref<128x128xf32, #tpu.memory_space<vmem>>) offsets(%dma_start3A_18 : memref<128xi32, #tpu.memory_space<vmem>>) semaphore(%arg13 : memref<!tpu.dma_semaphore, #tpu.memory_space<semaphore_mem>>)
    %scan3A = arith.constant 0 : i32
    %scan3A_22 = arith.constant 32 : i32
    %scan3A_23 = arith.addi %scan3A, %scan3A_22 : i32
    %scan3A_24 = arith.constant 1 : i32
    scf.for %scan3A_71 = %scan3A to %scan3A_23 step %scan3A_24  : i32 {
      %mul3A_72 = arith.constant 1 : i32
      %mul3A_73 = arith.muli %scan3A_71, %mul3A_72 : i32
      %add3A_74 = arith.constant 0 : i32
      %add3A_75 = arith.addi %add3A_74, %mul3A_73 : i32
      %add3A_76 = arith.addi %mul3A_2, %add3A_75 : i32
      %rem3A = arith.constant 2 : i32
      %rem3A_77 = arith.remsi %add3A_75, %rem3A : i32
      %add3A_78 = arith.constant 1 : i32
      %add3A_79 = arith.addi %add3A_75, %add3A_78 : i32
      %rem3A_80 = arith.constant 2 : i32
      %rem3A_81 = arith.remsi %add3A_79, %rem3A_80 : i32
      %add3A_82 = arith.constant 1 : i32
      %add3A_83 = arith.addi %add3A_76, %add3A_82 : i32
      %min3A = arith.constant 1023 : i32
      %min3A_84 = arith.minsi %add3A_83, %min3A : i32
      %mul3A_85 = arith.constant 512 : i32
      %mul3A_86 = arith.muli %rem3A_81, %mul3A_85 : i32
      %add3A_87 = arith.constant 0 : i32
      %add3A_88 = arith.addi %mul3A_86, %add3A_87 : i32
      %dma_start3A_89 = arith.constant 0 : i32
      %dma_start3A_90 = tpu.memref_slice %arg6[%add3A_88] : memref<1024xf32, #tpu.memory_space<vmem>> -> memref<128xf32, #tpu.memory_space<vmem>>
      %dma_start3A_91 = arith.constant 0 : i32
      %dma_start3A_92 = tpu.memref_slice %arg3[%min3A_84, %dma_start3A_89, %dma_start3A_91] : memref<1024x8x128xf32, #tpu.memory_space<hbm>> -> memref<1x1x128xf32, #tpu.memory_space<hbm>>
      %dma_start3A_93 = tpu.memref_squeeze %dma_start3A_92 : memref<1x1x128xf32, #tpu.memory_space<hbm>> -> memref<128xf32, #tpu.memory_space<hbm>>
      %dma_start3A_94 = tpu.memref_slice %arg6[%add3A_88] : memref<1024xf32, #tpu.memory_space<vmem>> -> memref<128xf32, #tpu.memory_space<vmem>>
      %dma_start3A_95 = arith.constant 0 : i32
      %dma_start3A_96 = tpu.memref_slice %arg3[%min3A_84, %dma_start3A_89, %dma_start3A_95] : memref<1024x8x128xf32, #tpu.memory_space<hbm>> -> memref<1x1x128xf32, #tpu.memory_space<hbm>>
      %dma_start3A_97 = tpu.memref_squeeze %dma_start3A_96 : memref<1x1x128xf32, #tpu.memory_space<hbm>> -> memref<128xf32, #tpu.memory_space<hbm>>
      tpu.enqueue_dma source(%dma_start3A_97 : memref<128xf32, #tpu.memory_space<hbm>>) target(%dma_start3A_94 : memref<128xf32, #tpu.memory_space<vmem>>) target_semaphore(%arg15 : memref<!tpu.dma_semaphore, #tpu.memory_space<semaphore_mem>>)
      %mul3A_98 = arith.constant 512 : i32
      %mul3A_99 = arith.muli %rem3A_81, %mul3A_98 : i32
      %add3A_100 = arith.constant 128 : i32
      %add3A_101 = arith.addi %mul3A_99, %add3A_100 : i32
      %dma_start3A_102 = arith.constant 1 : i32
      %dma_start3A_103 = tpu.memref_slice %arg6[%add3A_101] : memref<1024xf32, #tpu.memory_space<vmem>> -> memref<128xf32, #tpu.memory_space<vmem>>
      %dma_start3A_104 = arith.constant 0 : i32
      %dma_start3A_105 = tpu.memref_slice %arg3[%min3A_84, %dma_start3A_102, %dma_start3A_104] : memref<1024x8x128xf32, #tpu.memory_space<hbm>> -> memref<1x1x128xf32, #tpu.memory_space<hbm>>
      %dma_start3A_106 = tpu.memref_squeeze %dma_start3A_105 : memref<1x1x128xf32, #tpu.memory_space<hbm>> -> memref<128xf32, #tpu.memory_space<hbm>>
      %dma_start3A_107 = tpu.memref_slice %arg6[%add3A_101] : memref<1024xf32, #tpu.memory_space<vmem>> -> memref<128xf32, #tpu.memory_space<vmem>>
      %dma_start3A_108 = arith.constant 0 : i32
      %dma_start3A_109 = tpu.memref_slice %arg3[%min3A_84, %dma_start3A_102, %dma_start3A_108] : memref<1024x8x128xf32, #tpu.memory_space<hbm>> -> memref<1x1x128xf32, #tpu.memory_space<hbm>>
      %dma_start3A_110 = tpu.memref_squeeze %dma_start3A_109 : memref<1x1x128xf32, #tpu.memory_space<hbm>> -> memref<128xf32, #tpu.memory_space<hbm>>
      tpu.enqueue_dma source(%dma_start3A_110 : memref<128xf32, #tpu.memory_space<hbm>>) target(%dma_start3A_107 : memref<128xf32, #tpu.memory_space<vmem>>) target_semaphore(%arg15 : memref<!tpu.dma_semaphore, #tpu.memory_space<semaphore_mem>>)
      %mul3A_111 = arith.constant 512 : i32
      %mul3A_112 = arith.muli %rem3A_81, %mul3A_111 : i32
      %add3A_113 = arith.constant 256 : i32
      %add3A_114 = arith.addi %mul3A_112, %add3A_113 : i32
      %dma_start3A_115 = arith.constant 2 : i32
      %dma_start3A_116 = tpu.memref_slice %arg6[%add3A_114] : memref<1024xf32, #tpu.memory_space<vmem>> -> memref<128xf32, #tpu.memory_space<vmem>>
      %dma_start3A_117 = arith.constant 0 : i32
      %dma_start3A_118 = tpu.memref_slice %arg3[%min3A_84, %dma_start3A_115, %dma_start3A_117] : memref<1024x8x128xf32, #tpu.memory_space<hbm>> -> memref<1x1x128xf32, #tpu.memory_space<hbm>>
      %dma_start3A_119 = tpu.memref_squeeze %dma_start3A_118 : memref<1x1x128xf32, #tpu.memory_space<hbm>> -> memref<128xf32, #tpu.memory_space<hbm>>
      %dma_start3A_120 = tpu.memref_slice %arg6[%add3A_114] : memref<1024xf32, #tpu.memory_space<vmem>> -> memref<128xf32, #tpu.memory_space<vmem>>
      %dma_start3A_121 = arith.constant 0 : i32
      %dma_start3A_122 = tpu.memref_slice %arg3[%min3A_84, %dma_start3A_115, %dma_start3A_121] : memref<1024x8x128xf32, #tpu.memory_space<hbm>> -> memref<1x1x128xf32, #tpu.memory_space<hbm>>
      %dma_start3A_123 = tpu.memref_squeeze %dma_start3A_122 : memref<1x1x128xf32, #tpu.memory_space<hbm>> -> memref<128xf32, #tpu.memory_space<hbm>>
      tpu.enqueue_dma source(%dma_start3A_123 : memref<128xf32, #tpu.memory_space<hbm>>) target(%dma_start3A_120 : memref<128xf32, #tpu.memory_space<vmem>>) target_semaphore(%arg15 : memref<!tpu.dma_semaphore, #tpu.memory_space<semaphore_mem>>)
      %mul3A_124 = arith.constant 512 : i32
      %mul3A_125 = arith.muli %rem3A_81, %mul3A_124 : i32
      %add3A_126 = arith.constant 384 : i32
      %add3A_127 = arith.addi %mul3A_125, %add3A_126 : i32
      %dma_start3A_128 = arith.constant 3 : i32
      %dma_start3A_129 = tpu.memref_slice %arg6[%add3A_127] : memref<1024xf32, #tpu.memory_space<vmem>> -> memref<128xf32, #tpu.memory_space<vmem>>
      %dma_start3A_130 = arith.constant 0 : i32
      %dma_start3A_131 = tpu.memref_slice %arg3[%min3A_84, %dma_start3A_128, %dma_start3A_130] : memref<1024x8x128xf32, #tpu.memory_space<hbm>> -> memref<1x1x128xf32, #tpu.memory_space<hbm>>
      %dma_start3A_132 = tpu.memref_squeeze %dma_start3A_131 : memref<1x1x128xf32, #tpu.memory_space<hbm>> -> memref<128xf32, #tpu.memory_space<hbm>>
      %dma_start3A_133 = tpu.memref_slice %arg6[%add3A_127] : memref<1024xf32, #tpu.memory_space<vmem>> -> memref<128xf32, #tpu.memory_space<vmem>>
      %dma_start3A_134 = arith.constant 0 : i32
      %dma_start3A_135 = tpu.memref_slice %arg3[%min3A_84, %dma_start3A_128, %dma_start3A_134] : memref<1024x8x128xf32, #tpu.memory_space<hbm>> -> memref<1x1x128xf32, #tpu.memory_space<hbm>>
      %dma_start3A_136 = tpu.memref_squeeze %dma_start3A_135 : memref<1x1x128xf32, #tpu.memory_space<hbm>> -> memref<128xf32, #tpu.memory_space<hbm>>
      tpu.enqueue_dma source(%dma_start3A_136 : memref<128xf32, #tpu.memory_space<hbm>>) target(%dma_start3A_133 : memref<128xf32, #tpu.memory_space<vmem>>) target_semaphore(%arg15 : memref<!tpu.dma_semaphore, #tpu.memory_space<semaphore_mem>>)
      %dma_start3A_137 = arith.constant 0 : i32
      %dma_start3A_138 = arith.constant 0 : i32
      %dma_start3A_139 = tpu.memref_slice %arg7[%rem3A_81, %dma_start3A_137, %dma_start3A_138] : memref<2x8x128xi32, #tpu.memory_space<vmem>> -> memref<1x8x128xi32, #tpu.memory_space<vmem>>
      %dma_start3A_140 = tpu.memref_squeeze %dma_start3A_139 : memref<1x8x128xi32, #tpu.memory_space<vmem>> -> memref<8x128xi32, #tpu.memory_space<vmem>>
      %dma_start3A_141 = arith.constant 0 : i32
      %dma_start3A_142 = arith.constant 0 : i32
      %dma_start3A_143 = tpu.memref_slice %arg2[%min3A_84, %dma_start3A_141, %dma_start3A_142] : memref<1024x8x128xi32, #tpu.memory_space<hbm>> -> memref<1x8x128xi32, #tpu.memory_space<hbm>>
      %dma_start3A_144 = tpu.memref_squeeze %dma_start3A_143 : memref<1x8x128xi32, #tpu.memory_space<hbm>> -> memref<8x128xi32, #tpu.memory_space<hbm>>
      %dma_start3A_145 = arith.constant 0 : i32
      %dma_start3A_146 = arith.constant 0 : i32
      %dma_start3A_147 = tpu.memref_slice %arg7[%rem3A_81, %dma_start3A_145, %dma_start3A_146] : memref<2x8x128xi32, #tpu.memory_space<vmem>> -> memref<1x8x128xi32, #tpu.memory_space<vmem>>
      %dma_start3A_148 = tpu.memref_squeeze %dma_start3A_147 : memref<1x8x128xi32, #tpu.memory_space<vmem>> -> memref<8x128xi32, #tpu.memory_space<vmem>>
      %dma_start3A_149 = arith.constant 0 : i32
      %dma_start3A_150 = arith.constant 0 : i32
      %dma_start3A_151 = tpu.memref_slice %arg2[%min3A_84, %dma_start3A_149, %dma_start3A_150] : memref<1024x8x128xi32, #tpu.memory_space<hbm>> -> memref<1x8x128xi32, #tpu.memory_space<hbm>>
      %dma_start3A_152 = tpu.memref_squeeze %dma_start3A_151 : memref<1x8x128xi32, #tpu.memory_space<hbm>> -> memref<8x128xi32, #tpu.memory_space<hbm>>
      tpu.enqueue_dma source(%dma_start3A_152 : memref<8x128xi32, #tpu.memory_space<hbm>>) target(%dma_start3A_148 : memref<8x128xi32, #tpu.memory_space<vmem>>) target_semaphore(%arg15 : memref<!tpu.dma_semaphore, #tpu.memory_space<semaphore_mem>>)
      %dma_start3A_153 = arith.constant 1 : i32
      %dma_start3A_154 = arith.constant 0 : i32
      %dma_start3A_155 = tpu.memref_slice %arg7[%rem3A_77, %dma_start3A_153, %dma_start3A_154] : memref<2x8x128xi32, #tpu.memory_space<vmem>> -> memref<1x1x128xi32, #tpu.memory_space<vmem>>
      %dma_start3A_156 = tpu.memref_squeeze %dma_start3A_155 : memref<1x1x128xi32, #tpu.memory_space<vmem>> -> memref<128xi32, #tpu.memory_space<vmem>>
      %dma_start3A_157 = arith.constant 0 : i32
      %dma_start3A_158 = arith.constant 0 : i32
      %dma_start3A_159 = tpu.memref_slice %arg4[%dma_start3A_157, %dma_start3A_158] : memref<40000x128xf32, #tpu.memory_space<hbm>> -> memref<40000x128xf32, #tpu.memory_space<hbm>>
      tpu.enqueue_indirect_dma source(%dma_start3A_159 : memref<40000x128xf32, #tpu.memory_space<hbm>>) target(%arg10 : memref<128x128xf32, #tpu.memory_space<vmem>>) offsets(%dma_start3A_156 : memref<128xi32, #tpu.memory_space<vmem>>) semaphore(%arg14 : memref<!tpu.dma_semaphore, #tpu.memory_space<semaphore_mem>>)
      %dma_start3A_160 = arith.constant 3 : i32
      %dma_start3A_161 = arith.constant 0 : i32
      %dma_start3A_162 = tpu.memref_slice %arg7[%rem3A_77, %dma_start3A_160, %dma_start3A_161] : memref<2x8x128xi32, #tpu.memory_space<vmem>> -> memref<1x1x128xi32, #tpu.memory_space<vmem>>
      %dma_start3A_163 = tpu.memref_squeeze %dma_start3A_162 : memref<1x1x128xi32, #tpu.memory_space<vmem>> -> memref<128xi32, #tpu.memory_space<vmem>>
      %dma_start3A_164 = arith.constant 0 : i32
      %dma_start3A_165 = arith.constant 0 : i32
      %dma_start3A_166 = tpu.memref_slice %arg4[%dma_start3A_164, %dma_start3A_165] : memref<40000x128xf32, #tpu.memory_space<hbm>> -> memref<40000x128xf32, #tpu.memory_space<hbm>>
      tpu.enqueue_indirect_dma source(%dma_start3A_166 : memref<40000x128xf32, #tpu.memory_space<hbm>>) target(%arg11 : memref<128x128xf32, #tpu.memory_space<vmem>>) offsets(%dma_start3A_163 : memref<128xi32, #tpu.memory_space<vmem>>) semaphore(%arg14 : memref<!tpu.dma_semaphore, #tpu.memory_space<semaphore_mem>>)
      %dma_wait3A_167 = arith.constant 0 : i32
      %dma_wait3A_168 = arith.constant 0 : i32
      %dma_wait3A_169 = tpu.memref_slice %arg4[%dma_wait3A_167, %dma_wait3A_168] : memref<40000x128xf32, #tpu.memory_space<hbm>> -> memref<128x128xf32, #tpu.memory_space<hbm>>
      %dma_wait3A_170 = arith.constant 0 : i32
      %dma_wait3A_171 = arith.constant 0 : i32
      %dma_wait3A_172 = tpu.memref_slice %arg4[%dma_wait3A_170, %dma_wait3A_171] : memref<40000x128xf32, #tpu.memory_space<hbm>> -> memref<128x128xf32, #tpu.memory_space<hbm>>
      tpu.wait_dma2 semaphore(%arg13 : memref<!tpu.dma_semaphore, #tpu.memory_space<semaphore_mem>>) src(%dma_wait3A_172 : memref<128x128xf32, #tpu.memory_space<hbm>>) dst(%arg8 : memref<128x128xf32, #tpu.memory_space<vmem>>)
      %dma_wait3A_173 = arith.constant 0 : i32
      %dma_wait3A_174 = arith.constant 0 : i32
      %dma_wait3A_175 = tpu.memref_slice %arg4[%dma_wait3A_173, %dma_wait3A_174] : memref<40000x128xf32, #tpu.memory_space<hbm>> -> memref<128x128xf32, #tpu.memory_space<hbm>>
      %dma_wait3A_176 = arith.constant 0 : i32
      %dma_wait3A_177 = arith.constant 0 : i32
      %dma_wait3A_178 = tpu.memref_slice %arg4[%dma_wait3A_176, %dma_wait3A_177] : memref<40000x128xf32, #tpu.memory_space<hbm>> -> memref<128x128xf32, #tpu.memory_space<hbm>>
      tpu.wait_dma2 semaphore(%arg13 : memref<!tpu.dma_semaphore, #tpu.memory_space<semaphore_mem>>) src(%dma_wait3A_178 : memref<128x128xf32, #tpu.memory_space<hbm>>) dst(%arg9 : memref<128x128xf32, #tpu.memory_space<vmem>>)
      %gt3A = arith.constant 0 : i32
      %gt3A_179 = arith.cmpi sgt, %add3A_75, %gt3A : i32
      %convert_element_type3A = arith.extui %gt3A_179 : i1 to i32
      %cond3A = arith.constant 0 : i32
      %cond3A_180 = arith.cmpi ne, %convert_element_type3A, %cond3A : i32
      scf.if %cond3A_180 {
        %dma_wait3A_312 = arith.constant 0 : i32
        %dma_wait3A_313 = arith.constant 0 : i32
        %dma_wait3A_314 = arith.constant 0 : i32
        %dma_wait3A_315 = tpu.memref_slice %arg12[%dma_wait3A_312, %dma_wait3A_313, %dma_wait3A_314] : memref<2x128x128xf32, #tpu.memory_space<vmem>> -> memref<1x128x128xf32, #tpu.memory_space<vmem>>
        %dma_wait3A_316 = tpu.memref_squeeze %dma_wait3A_315 : memref<1x128x128xf32, #tpu.memory_space<vmem>> -> memref<128x128xf32, #tpu.memory_space<vmem>>
        %dma_wait3A_317 = arith.constant 0 : i32
        %dma_wait3A_318 = arith.constant 0 : i32
        %dma_wait3A_319 = tpu.memref_slice %arg5[%add3A_76, %dma_wait3A_317, %dma_wait3A_318] : memref<1024x256x128xf32, #tpu.memory_space<hbm>> -> memref<1x128x128xf32, #tpu.memory_space<hbm>>
        %dma_wait3A_320 = tpu.memref_squeeze %dma_wait3A_319 : memref<1x128x128xf32, #tpu.memory_space<hbm>> -> memref<128x128xf32, #tpu.memory_space<hbm>>
        %dma_wait3A_321 = arith.constant 0 : i32
        %dma_wait3A_322 = arith.constant 0 : i32
        %dma_wait3A_323 = tpu.memref_slice %arg12[%dma_wait3A_312, %dma_wait3A_321, %dma_wait3A_322] : memref<2x128x128xf32, #tpu.memory_space<vmem>> -> memref<1x128x128xf32, #tpu.memory_space<vmem>>
        %dma_wait3A_324 = tpu.memref_squeeze %dma_wait3A_323 : memref<1x128x128xf32, #tpu.memory_space<vmem>> -> memref<128x128xf32, #tpu.memory_space<vmem>>
        %dma_wait3A_325 = arith.constant 0 : i32
        %dma_wait3A_326 = arith.constant 0 : i32
        %dma_wait3A_327 = tpu.memref_slice %arg5[%add3A_76, %dma_wait3A_325, %dma_wait3A_326] : memref<1024x256x128xf32, #tpu.memory_space<hbm>> -> memref<1x128x128xf32, #tpu.memory_space<hbm>>
        %dma_wait3A_328 = tpu.memref_squeeze %dma_wait3A_327 : memref<1x128x128xf32, #tpu.memory_space<hbm>> -> memref<128x128xf32, #tpu.memory_space<hbm>>
        tpu.wait_dma2 semaphore(%arg16 : memref<!tpu.dma_semaphore, #tpu.memory_space<semaphore_mem>>) src(%dma_wait3A_328 : memref<128x128xf32, #tpu.memory_space<hbm>>) dst(%dma_wait3A_324 : memref<128x128xf32, #tpu.memory_space<vmem>>)
      } else {
      }
      %parallel_loop3A = arith.constant 0 : i32
      %parallel_loop3A_181 = arith.constant 128 : i32
      %parallel_loop3A_182 = arith.constant 1 : i32
      scf.for %parallel_loop3A_312 = %parallel_loop3A to %parallel_loop3A_181 step %parallel_loop3A_182  : i32 {
        %parallel_loop3A_313 = arith.constant 0 : i32
        %parallel_loop3A_314 = arith.addi %parallel_loop3A_313, %parallel_loop3A_312 : i32
        %parallel_loop3A_315 = arith.constant 512 : i32
        %parallel_loop3A_316 = arith.muli %rem3A_77, %parallel_loop3A_315 : i32
        %parallel_loop3A_317 = arith.addi %parallel_loop3A_316, %parallel_loop3A_314 : i32
        %parallel_loop3A_318 = arith.constant 0 : i32
        %parallel_loop3A_319 = vector.broadcast %parallel_loop3A_318 : i32 to vector<16xi32>
        %parallel_loop3A_320 = vector.broadcast %parallel_loop3A_317 : i32 to vector<16xi32>
        %parallel_loop3A_321 = arith.addi %parallel_loop3A_319, %parallel_loop3A_320 : vector<16xi32>
        %parallel_loop3A_322 = tpu.vector_load_idx %arg6[%parallel_loop3A_321] : memref<1024xf32, #tpu.memory_space<vmem>>[vector<16xi32>], vector<16xf32>,
        %parallel_loop3A_323 = arith.constant 256 : i32
        %parallel_loop3A_324 = vector.broadcast %parallel_loop3A_323 : i32 to vector<16xi32>
        %parallel_loop3A_325 = vector.broadcast %parallel_loop3A_317 : i32 to vector<16xi32>
        %parallel_loop3A_326 = arith.addi %parallel_loop3A_324, %parallel_loop3A_325 : vector<16xi32>
        %parallel_loop3A_327 = tpu.vector_load_idx %arg6[%parallel_loop3A_326] : memref<1024xf32, #tpu.memory_space<vmem>>[vector<16xi32>], vector<16xf32>,
        %parallel_loop3A_328 = vector.bitcast %parallel_loop3A_322 : vector<16xf32> to vector<32xbf16>
        %parallel_loop3A_329 = vector.bitcast %parallel_loop3A_327 : vector<16xf32> to vector<32xbf16>
        %parallel_loop3A_330 = arith.index_cast %parallel_loop3A_312 : i32 to index
        %parallel_loop3A_331 = arith.constant 0 : index
        %parallel_loop3A_332 = tpu.vector_load %arg8[%parallel_loop3A_330, %parallel_loop3A_331] {strides = array<i32>} : memref<128x128xf32, #tpu.memory_space<vmem>>, vector<16xf32>,
        %parallel_loop3A_333 = vector.bitcast %parallel_loop3A_332 : vector<16xf32> to vector<32xbf16>
        %parallel_loop3A_334 = arith.index_cast %parallel_loop3A_312 : i32 to index
        %parallel_loop3A_335 = arith.constant 0 : index
        %parallel_loop3A_336 = tpu.vector_load %arg9[%parallel_loop3A_334, %parallel_loop3A_335] {strides = array<i32>} : memref<128x128xf32, #tpu.memory_space<vmem>>, vector<16xf32>,
        %parallel_loop3A_337 = vector.bitcast %parallel_loop3A_336 : vector<16xf32> to vector<32xbf16>
        %parallel_loop3A_338 = arith.mulf %parallel_loop3A_328, %parallel_loop3A_333 : vector<32xbf16>
        %parallel_loop3A_339 = arith.mulf %parallel_loop3A_329, %parallel_loop3A_337 : vector<32xbf16>
        %parallel_loop3A_340 = arith.addf %parallel_loop3A_338, %parallel_loop3A_339 : vector<32xbf16>
        %parallel_loop3A_341 = tpu.unpack_subelements %parallel_loop3A_340, 0 {pack_format = #tpu.pack_format<interleaved>} : vector<32xbf16> -> vector<16xf32>
        %parallel_loop3A_342 = tpu.unpack_subelements %parallel_loop3A_340, 1 {pack_format = #tpu.pack_format<interleaved>} : vector<32xbf16> -> vector<16xf32>
        %parallel_loop3A_343 = arith.addf %parallel_loop3A_341, %parallel_loop3A_342 : vector<16xf32>
        %parallel_loop3A_344 = arith.constant 0 : i32
        %parallel_loop3A_345 = arith.index_cast %parallel_loop3A_344 : i32 to index
        %parallel_loop3A_346 = arith.index_cast %parallel_loop3A_312 : i32 to index
        %parallel_loop3A_347 = arith.constant 0 : index
        %parallel_loop3A_348 = tpu.vector_load %arg12[%parallel_loop3A_345, %parallel_loop3A_346, %parallel_loop3A_347] {strides = array<i32>} : memref<2x128x128xf32, #tpu.memory_space<vmem>>, vector<16xf32>,
        tpu.vector_store %arg12[%parallel_loop3A_345, %parallel_loop3A_346, %parallel_loop3A_347], %parallel_loop3A_343 {strides = array<i32>} : memref<2x128x128xf32, #tpu.memory_space<vmem>>, vector<16xf32>,
        %parallel_loop3A_349 = arith.index_cast %parallel_loop3A_312 : i32 to index
        %parallel_loop3A_350 = arith.constant 16 : index
        %parallel_loop3A_351 = tpu.vector_load %arg8[%parallel_loop3A_349, %parallel_loop3A_350] {strides = array<i32>} : memref<128x128xf32, #tpu.memory_space<vmem>>, vector<16xf32>,
        %parallel_loop3A_352 = vector.bitcast %parallel_loop3A_351 : vector<16xf32> to vector<32xbf16>
        %parallel_loop3A_353 = arith.index_cast %parallel_loop3A_312 : i32 to index
        %parallel_loop3A_354 = arith.constant 16 : index
        %parallel_loop3A_355 = tpu.vector_load %arg9[%parallel_loop3A_353, %parallel_loop3A_354] {strides = array<i32>} : memref<128x128xf32, #tpu.memory_space<vmem>>, vector<16xf32>,
        %parallel_loop3A_356 = vector.bitcast %parallel_loop3A_355 : vector<16xf32> to vector<32xbf16>
        %parallel_loop3A_357 = arith.mulf %parallel_loop3A_328, %parallel_loop3A_352 : vector<32xbf16>
        %parallel_loop3A_358 = arith.mulf %parallel_loop3A_329, %parallel_loop3A_356 : vector<32xbf16>
        %parallel_loop3A_359 = arith.addf %parallel_loop3A_357, %parallel_loop3A_358 : vector<32xbf16>
        %parallel_loop3A_360 = tpu.unpack_subelements %parallel_loop3A_359, 0 {pack_format = #tpu.pack_format<interleaved>} : vector<32xbf16> -> vector<16xf32>
        %parallel_loop3A_361 = tpu.unpack_subelements %parallel_loop3A_359, 1 {pack_format = #tpu.pack_format<interleaved>} : vector<32xbf16> -> vector<16xf32>
        %parallel_loop3A_362 = arith.addf %parallel_loop3A_360, %parallel_loop3A_361 : vector<16xf32>
        %parallel_loop3A_363 = arith.constant 0 : i32
        %parallel_loop3A_364 = arith.index_cast %parallel_loop3A_363 : i32 to index
        %parallel_loop3A_365 = arith.index_cast %parallel_loop3A_312 : i32 to index
        %parallel_loop3A_366 = arith.constant 16 : index
        %parallel_loop3A_367 = tpu.vector_load %arg12[%parallel_loop3A_364, %parallel_loop3A_365, %parallel_loop3A_366] {strides = array<i32>} : memref<2x128x128xf32, #tpu.memory_space<vmem>>, vector<16xf32>,
        tpu.vector_store %arg12[%parallel_loop3A_364, %parallel_loop3A_365, %parallel_loop3A_366], %parallel_loop3A_362 {strides = array<i32>} : memref<2x128x128xf32, #tpu.memory_space<vmem>>, vector<16xf32>,
        %parallel_loop3A_368 = arith.index_cast %parallel_loop3A_312 : i32 to index
        %parallel_loop3A_369 = arith.constant 32 : index
        %parallel_loop3A_370 = tpu.vector_load %arg8[%parallel_loop3A_368, %parallel_loop3A_369] {strides = array<i32>} : memref<128x128xf32, #tpu.memory_space<vmem>>, vector<16xf32>,
        %parallel_loop3A_371 = vector.bitcast %parallel_loop3A_370 : vector<16xf32> to vector<32xbf16>
        %parallel_loop3A_372 = arith.index_cast %parallel_loop3A_312 : i32 to index
        %parallel_loop3A_373 = arith.constant 32 : index
        %parallel_loop3A_374 = tpu.vector_load %arg9[%parallel_loop3A_372, %parallel_loop3A_373] {strides = array<i32>} : memref<128x128xf32, #tpu.memory_space<vmem>>, vector<16xf32>,
        %parallel_loop3A_375 = vector.bitcast %parallel_loop3A_374 : vector<16xf32> to vector<32xbf16>
        %parallel_loop3A_376 = arith.mulf %parallel_loop3A_328, %parallel_loop3A_371 : vector<32xbf16>
        %parallel_loop3A_377 = arith.mulf %parallel_loop3A_329, %parallel_loop3A_375 : vector<32xbf16>
        %parallel_loop3A_378 = arith.addf %parallel_loop3A_376, %parallel_loop3A_377 : vector<32xbf16>
        %parallel_loop3A_379 = tpu.unpack_subelements %parallel_loop3A_378, 0 {pack_format = #tpu.pack_format<interleaved>} : vector<32xbf16> -> vector<16xf32>
        %parallel_loop3A_380 = tpu.unpack_subelements %parallel_loop3A_378, 1 {pack_format = #tpu.pack_format<interleaved>} : vector<32xbf16> -> vector<16xf32>
        %parallel_loop3A_381 = arith.addf %parallel_loop3A_379, %parallel_loop3A_380 : vector<16xf32>
        %parallel_loop3A_382 = arith.constant 0 : i32
        %parallel_loop3A_383 = arith.index_cast %parallel_loop3A_382 : i32 to index
        %parallel_loop3A_384 = arith.index_cast %parallel_loop3A_312 : i32 to index
        %parallel_loop3A_385 = arith.constant 32 : index
        %parallel_loop3A_386 = tpu.vector_load %arg12[%parallel_loop3A_383, %parallel_loop3A_384, %parallel_loop3A_385] {strides = array<i32>} : memref<2x128x128xf32, #tpu.memory_space<vmem>>, vector<16xf32>,
        tpu.vector_store %arg12[%parallel_loop3A_383, %parallel_loop3A_384, %parallel_loop3A_385], %parallel_loop3A_381 {strides = array<i32>} : memref<2x128x128xf32, #tpu.memory_space<vmem>>, vector<16xf32>,
        %parallel_loop3A_387 = arith.index_cast %parallel_loop3A_312 : i32 to index
        %parallel_loop3A_388 = arith.constant 48 : index
        %parallel_loop3A_389 = tpu.vector_load %arg8[%parallel_loop3A_387, %parallel_loop3A_388] {strides = array<i32>} : memref<128x128xf32, #tpu.memory_space<vmem>>, vector<16xf32>,
        %parallel_loop3A_390 = vector.bitcast %parallel_loop3A_389 : vector<16xf32> to vector<32xbf16>
        %parallel_loop3A_391 = arith.index_cast %parallel_loop3A_312 : i32 to index
        %parallel_loop3A_392 = arith.constant 48 : index
        %parallel_loop3A_393 = tpu.vector_load %arg9[%parallel_loop3A_391, %parallel_loop3A_392] {strides = array<i32>} : memref<128x128xf32, #tpu.memory_space<vmem>>, vector<16xf32>,
        %parallel_loop3A_394 = vector.bitcast %parallel_loop3A_393 : vector<16xf32> to vector<32xbf16>
        %parallel_loop3A_395 = arith.mulf %parallel_loop3A_328, %parallel_loop3A_390 : vector<32xbf16>
        %parallel_loop3A_396 = arith.mulf %parallel_loop3A_329, %parallel_loop3A_394 : vector<32xbf16>
        %parallel_loop3A_397 = arith.addf %parallel_loop3A_395, %parallel_loop3A_396 : vector<32xbf16>
        %parallel_loop3A_398 = tpu.unpack_subelements %parallel_loop3A_397, 0 {pack_format = #tpu.pack_format<interleaved>} : vector<32xbf16> -> vector<16xf32>
        %parallel_loop3A_399 = tpu.unpack_subelements %parallel_loop3A_397, 1 {pack_format = #tpu.pack_format<interleaved>} : vector<32xbf16> -> vector<16xf32>
        %parallel_loop3A_400 = arith.addf %parallel_loop3A_398, %parallel_loop3A_399 : vector<16xf32>
        %parallel_loop3A_401 = arith.constant 0 : i32
        %parallel_loop3A_402 = arith.index_cast %parallel_loop3A_401 : i32 to index
        %parallel_loop3A_403 = arith.index_cast %parallel_loop3A_312 : i32 to index
        %parallel_loop3A_404 = arith.constant 48 : index
        %parallel_loop3A_405 = tpu.vector_load %arg12[%parallel_loop3A_402, %parallel_loop3A_403, %parallel_loop3A_404] {strides = array<i32>} : memref<2x128x128xf32, #tpu.memory_space<vmem>>, vector<16xf32>,
        tpu.vector_store %arg12[%parallel_loop3A_402, %parallel_loop3A_403, %parallel_loop3A_404], %parallel_loop3A_400 {strides = array<i32>} : memref<2x128x128xf32, #tpu.memory_space<vmem>>, vector<16xf32>,
        %parallel_loop3A_406 = arith.index_cast %parallel_loop3A_312 : i32 to index
        %parallel_loop3A_407 = arith.constant 64 : index
        %parallel_loop3A_408 = tpu.vector_load %arg8[%parallel_loop3A_406, %parallel_loop3A_407] {strides = array<i32>} : memref<128x128xf32, #tpu.memory_space<vmem>>, vector<16xf32>,
        %parallel_loop3A_409 = vector.bitcast %parallel_loop3A_408 : vector<16xf32> to vector<32xbf16>
        %parallel_loop3A_410 = arith.index_cast %parallel_loop3A_312 : i32 to index
        %parallel_loop3A_411 = arith.constant 64 : index
        %parallel_loop3A_412 = tpu.vector_load %arg9[%parallel_loop3A_410, %parallel_loop3A_411] {strides = array<i32>} : memref<128x128xf32, #tpu.memory_space<vmem>>, vector<16xf32>,
        %parallel_loop3A_413 = vector.bitcast %parallel_loop3A_412 : vector<16xf32> to vector<32xbf16>
        %parallel_loop3A_414 = arith.mulf %parallel_loop3A_328, %parallel_loop3A_409 : vector<32xbf16>
        %parallel_loop3A_415 = arith.mulf %parallel_loop3A_329, %parallel_loop3A_413 : vector<32xbf16>
        %parallel_loop3A_416 = arith.addf %parallel_loop3A_414, %parallel_loop3A_415 : vector<32xbf16>
        %parallel_loop3A_417 = tpu.unpack_subelements %parallel_loop3A_416, 0 {pack_format = #tpu.pack_format<interleaved>} : vector<32xbf16> -> vector<16xf32>
        %parallel_loop3A_418 = tpu.unpack_subelements %parallel_loop3A_416, 1 {pack_format = #tpu.pack_format<interleaved>} : vector<32xbf16> -> vector<16xf32>
        %parallel_loop3A_419 = arith.addf %parallel_loop3A_417, %parallel_loop3A_418 : vector<16xf32>
        %parallel_loop3A_420 = arith.constant 0 : i32
        %parallel_loop3A_421 = arith.index_cast %parallel_loop3A_420 : i32 to index
        %parallel_loop3A_422 = arith.index_cast %parallel_loop3A_312 : i32 to index
        %parallel_loop3A_423 = arith.constant 64 : index
        %parallel_loop3A_424 = tpu.vector_load %arg12[%parallel_loop3A_421, %parallel_loop3A_422, %parallel_loop3A_423] {strides = array<i32>} : memref<2x128x128xf32, #tpu.memory_space<vmem>>, vector<16xf32>,
        tpu.vector_store %arg12[%parallel_loop3A_421, %parallel_loop3A_422, %parallel_loop3A_423], %parallel_loop3A_419 {strides = array<i32>} : memref<2x128x128xf32, #tpu.memory_space<vmem>>, vector<16xf32>,
        %parallel_loop3A_425 = arith.index_cast %parallel_loop3A_312 : i32 to index
        %parallel_loop3A_426 = arith.constant 80 : index
        %parallel_loop3A_427 = tpu.vector_load %arg8[%parallel_loop3A_425, %parallel_loop3A_426] {strides = array<i32>} : memref<128x128xf32, #tpu.memory_space<vmem>>, vector<16xf32>,
        %parallel_loop3A_428 = vector.bitcast %parallel_loop3A_427 : vector<16xf32> to vector<32xbf16>
        %parallel_loop3A_429 = arith.index_cast %parallel_loop3A_312 : i32 to index
        %parallel_loop3A_430 = arith.constant 80 : index
        %parallel_loop3A_431 = tpu.vector_load %arg9[%parallel_loop3A_429, %parallel_loop3A_430] {strides = array<i32>} : memref<128x128xf32, #tpu.memory_space<vmem>>, vector<16xf32>,
        %parallel_loop3A_432 = vector.bitcast %parallel_loop3A_431 : vector<16xf32> to vector<32xbf16>
        %parallel_loop3A_433 = arith.mulf %parallel_loop3A_328, %parallel_loop3A_428 : vector<32xbf16>
        %parallel_loop3A_434 = arith.mulf %parallel_loop3A_329, %parallel_loop3A_432 : vector<32xbf16>
        %parallel_loop3A_435 = arith.addf %parallel_loop3A_433, %parallel_loop3A_434 : vector<32xbf16>
        %parallel_loop3A_436 = tpu.unpack_subelements %parallel_loop3A_435, 0 {pack_format = #tpu.pack_format<interleaved>} : vector<32xbf16> -> vector<16xf32>
        %parallel_loop3A_437 = tpu.unpack_subelements %parallel_loop3A_435, 1 {pack_format = #tpu.pack_format<interleaved>} : vector<32xbf16> -> vector<16xf32>
        %parallel_loop3A_438 = arith.addf %parallel_loop3A_436, %parallel_loop3A_437 : vector<16xf32>
        %parallel_loop3A_439 = arith.constant 0 : i32
        %parallel_loop3A_440 = arith.index_cast %parallel_loop3A_439 : i32 to index
        %parallel_loop3A_441 = arith.index_cast %parallel_loop3A_312 : i32 to index
        %parallel_loop3A_442 = arith.constant 80 : index
        %parallel_loop3A_443 = tpu.vector_load %arg12[%parallel_loop3A_440, %parallel_loop3A_441, %parallel_loop3A_442] {strides = array<i32>} : memref<2x128x128xf32, #tpu.memory_space<vmem>>, vector<16xf32>,
        tpu.vector_store %arg12[%parallel_loop3A_440, %parallel_loop3A_441, %parallel_loop3A_442], %parallel_loop3A_438 {strides = array<i32>} : memref<2x128x128xf32, #tpu.memory_space<vmem>>, vector<16xf32>,
        %parallel_loop3A_444 = arith.index_cast %parallel_loop3A_312 : i32 to index
        %parallel_loop3A_445 = arith.constant 96 : index
        %parallel_loop3A_446 = tpu.vector_load %arg8[%parallel_loop3A_444, %parallel_loop3A_445] {strides = array<i32>} : memref<128x128xf32, #tpu.memory_space<vmem>>, vector<16xf32>,
        %parallel_loop3A_447 = vector.bitcast %parallel_loop3A_446 : vector<16xf32> to vector<32xbf16>
        %parallel_loop3A_448 = arith.index_cast %parallel_loop3A_312 : i32 to index
        %parallel_loop3A_449 = arith.constant 96 : index
        %parallel_loop3A_450 = tpu.vector_load %arg9[%parallel_loop3A_448, %parallel_loop3A_449] {strides = array<i32>} : memref<128x128xf32, #tpu.memory_space<vmem>>, vector<16xf32>,
        %parallel_loop3A_451 = vector.bitcast %parallel_loop3A_450 : vector<16xf32> to vector<32xbf16>
        %parallel_loop3A_452 = arith.mulf %parallel_loop3A_328, %parallel_loop3A_447 : vector<32xbf16>
        %parallel_loop3A_453 = arith.mulf %parallel_loop3A_329, %parallel_loop3A_451 : vector<32xbf16>
        %parallel_loop3A_454 = arith.addf %parallel_loop3A_452, %parallel_loop3A_453 : vector<32xbf16>
        %parallel_loop3A_455 = tpu.unpack_subelements %parallel_loop3A_454, 0 {pack_format = #tpu.pack_format<interleaved>} : vector<32xbf16> -> vector<16xf32>
        %parallel_loop3A_456 = tpu.unpack_subelements %parallel_loop3A_454, 1 {pack_format = #tpu.pack_format<interleaved>} : vector<32xbf16> -> vector<16xf32>
        %parallel_loop3A_457 = arith.addf %parallel_loop3A_455, %parallel_loop3A_456 : vector<16xf32>
        %parallel_loop3A_458 = arith.constant 0 : i32
        %parallel_loop3A_459 = arith.index_cast %parallel_loop3A_458 : i32 to index
        %parallel_loop3A_460 = arith.index_cast %parallel_loop3A_312 : i32 to index
        %parallel_loop3A_461 = arith.constant 96 : index
        %parallel_loop3A_462 = tpu.vector_load %arg12[%parallel_loop3A_459, %parallel_loop3A_460, %parallel_loop3A_461] {strides = array<i32>} : memref<2x128x128xf32, #tpu.memory_space<vmem>>, vector<16xf32>,
        tpu.vector_store %arg12[%parallel_loop3A_459, %parallel_loop3A_460, %parallel_loop3A_461], %parallel_loop3A_457 {strides = array<i32>} : memref<2x128x128xf32, #tpu.memory_space<vmem>>, vector<16xf32>,
        %parallel_loop3A_463 = arith.index_cast %parallel_loop3A_312 : i32 to index
        %parallel_loop3A_464 = arith.constant 112 : index
        %parallel_loop3A_465 = tpu.vector_load %arg8[%parallel_loop3A_463, %parallel_loop3A_464] {strides = array<i32>} : memref<128x128xf32, #tpu.memory_space<vmem>>, vector<16xf32>,
        %parallel_loop3A_466 = vector.bitcast %parallel_loop3A_465 : vector<16xf32> to vector<32xbf16>
        %parallel_loop3A_467 = arith.index_cast %parallel_loop3A_312 : i32 to index
        %parallel_loop3A_468 = arith.constant 112 : index
        %parallel_loop3A_469 = tpu.vector_load %arg9[%parallel_loop3A_467, %parallel_loop3A_468] {strides = array<i32>} : memref<128x128xf32, #tpu.memory_space<vmem>>, vector<16xf32>,
        %parallel_loop3A_470 = vector.bitcast %parallel_loop3A_469 : vector<16xf32> to vector<32xbf16>
        %parallel_loop3A_471 = arith.mulf %parallel_loop3A_328, %parallel_loop3A_466 : vector<32xbf16>
        %parallel_loop3A_472 = arith.mulf %parallel_loop3A_329, %parallel_loop3A_470 : vector<32xbf16>
        %parallel_loop3A_473 = arith.addf %parallel_loop3A_471, %parallel_loop3A_472 : vector<32xbf16>
        %parallel_loop3A_474 = tpu.unpack_subelements %parallel_loop3A_473, 0 {pack_format = #tpu.pack_format<interleaved>} : vector<32xbf16> -> vector<16xf32>
        %parallel_loop3A_475 = tpu.unpack_subelements %parallel_loop3A_473, 1 {pack_format = #tpu.pack_format<interleaved>} : vector<32xbf16> -> vector<16xf32>
        %parallel_loop3A_476 = arith.addf %parallel_loop3A_474, %parallel_loop3A_475 : vector<16xf32>
        %parallel_loop3A_477 = arith.constant 0 : i32
        %parallel_loop3A_478 = arith.index_cast %parallel_loop3A_477 : i32 to index
        %parallel_loop3A_479 = arith.index_cast %parallel_loop3A_312 : i32 to index
        %parallel_loop3A_480 = arith.constant 112 : index
        %parallel_loop3A_481 = tpu.vector_load %arg12[%parallel_loop3A_478, %parallel_loop3A_479, %parallel_loop3A_480] {strides = array<i32>} : memref<2x128x128xf32, #tpu.memory_space<vmem>>, vector<16xf32>,
        tpu.vector_store %arg12[%parallel_loop3A_478, %parallel_loop3A_479, %parallel_loop3A_480], %parallel_loop3A_476 {strides = array<i32>} : memref<2x128x128xf32, #tpu.memory_space<vmem>>, vector<16xf32>,
      } {sc.loop_unroll_factor = 4 : i64, sc.parallel_access}
      %dma_start3A_183 = arith.constant 0 : i32
      %dma_start3A_184 = arith.constant 0 : i32
      %dma_start3A_185 = arith.constant 0 : i32
      %dma_start3A_186 = tpu.memref_slice %arg12[%dma_start3A_183, %dma_start3A_184, %dma_start3A_185] : memref<2x128x128xf32, #tpu.memory_space<vmem>> -> memref<1x128x128xf32, #tpu.memory_space<vmem>>
      %dma_start3A_187 = tpu.memref_squeeze %dma_start3A_186 : memref<1x128x128xf32, #tpu.memory_space<vmem>> -> memref<128x128xf32, #tpu.memory_space<vmem>>
      %dma_start3A_188 = arith.constant 0 : i32
      %dma_start3A_189 = arith.constant 0 : i32
      %dma_start3A_190 = tpu.memref_slice %arg5[%add3A_76, %dma_start3A_188, %dma_start3A_189] : memref<1024x256x128xf32, #tpu.memory_space<hbm>> -> memref<1x128x128xf32, #tpu.memory_space<hbm>>
      %dma_start3A_191 = tpu.memref_squeeze %dma_start3A_190 : memref<1x128x128xf32, #tpu.memory_space<hbm>> -> memref<128x128xf32, #tpu.memory_space<hbm>>
      %dma_start3A_192 = arith.constant 0 : i32
      %dma_start3A_193 = arith.constant 0 : i32
      %dma_start3A_194 = tpu.memref_slice %arg5[%add3A_76, %dma_start3A_192, %dma_start3A_193] : memref<1024x256x128xf32, #tpu.memory_space<hbm>> -> memref<1x128x128xf32, #tpu.memory_space<hbm>>
      %dma_start3A_195 = tpu.memref_squeeze %dma_start3A_194 : memref<1x128x128xf32, #tpu.memory_space<hbm>> -> memref<128x128xf32, #tpu.memory_space<hbm>>
      %dma_start3A_196 = arith.constant 0 : i32
      %dma_start3A_197 = arith.constant 0 : i32
      %dma_start3A_198 = tpu.memref_slice %arg12[%dma_start3A_183, %dma_start3A_196, %dma_start3A_197] : memref<2x128x128xf32, #tpu.memory_space<vmem>> -> memref<1x128x128xf32, #tpu.memory_space<vmem>>
      %dma_start3A_199 = tpu.memref_squeeze %dma_start3A_198 : memref<1x128x128xf32, #tpu.memory_space<vmem>> -> memref<128x128xf32, #tpu.memory_space<vmem>>
      tpu.enqueue_dma source(%dma_start3A_199 : memref<128x128xf32, #tpu.memory_space<vmem>>) target(%dma_start3A_195 : memref<128x128xf32, #tpu.memory_space<hbm>>) target_semaphore(%arg16 : memref<!tpu.dma_semaphore, #tpu.memory_space<semaphore_mem>>)
      %dma_wait3A_200 = arith.constant 0 : i32
      %dma_wait3A_201 = arith.constant 0 : i32
      %dma_wait3A_202 = tpu.memref_slice %arg6[%dma_wait3A_201] : memref<1024xf32, #tpu.memory_space<vmem>> -> memref<128xf32, #tpu.memory_space<vmem>>
      %dma_wait3A_203 = arith.constant 0 : i32
      %dma_wait3A_204 = tpu.memref_slice %arg3[%add3A_76, %dma_wait3A_200, %dma_wait3A_203] : memref<1024x8x128xf32, #tpu.memory_space<hbm>> -> memref<1x1x128xf32, #tpu.memory_space<hbm>>
      %dma_wait3A_205 = tpu.memref_squeeze %dma_wait3A_204 : memref<1x1x128xf32, #tpu.memory_space<hbm>> -> memref<128xf32, #tpu.memory_space<hbm>>
      %dma_wait3A_206 = arith.constant 0 : i32
      %dma_wait3A_207 = tpu.memref_slice %arg6[%dma_wait3A_206] : memref<1024xf32, #tpu.memory_space<vmem>> -> memref<128xf32, #tpu.memory_space<vmem>>
      %dma_wait3A_208 = arith.constant 0 : i32
      %dma_wait3A_209 = tpu.memref_slice %arg3[%add3A_76, %dma_wait3A_200, %dma_wait3A_208] : memref<1024x8x128xf32, #tpu.memory_space<hbm>> -> memref<1x1x128xf32, #tpu.memory_space<hbm>>
      %dma_wait3A_210 = tpu.memref_squeeze %dma_wait3A_209 : memref<1x1x128xf32, #tpu.memory_space<hbm>> -> memref<128xf32, #tpu.memory_space<hbm>>
      tpu.wait_dma2 semaphore(%arg15 : memref<!tpu.dma_semaphore, #tpu.memory_space<semaphore_mem>>) src(%dma_wait3A_210 : memref<128xf32, #tpu.memory_space<hbm>>) dst(%dma_wait3A_207 : memref<128xf32, #tpu.memory_space<vmem>>)
      %dma_wait3A_211 = arith.constant 1 : i32
      %dma_wait3A_212 = arith.constant 128 : i32
      %dma_wait3A_213 = tpu.memref_slice %arg6[%dma_wait3A_212] : memref<1024xf32, #tpu.memory_space<vmem>> -> memref<128xf32, #tpu.memory_space<vmem>>
      %dma_wait3A_214 = arith.constant 0 : i32
      %dma_wait3A_215 = tpu.memref_slice %arg3[%add3A_76, %dma_wait3A_211, %dma_wait3A_214] : memref<1024x8x128xf32, #tpu.memory_space<hbm>> -> memref<1x1x128xf32, #tpu.memory_space<hbm>>
      %dma_wait3A_216 = tpu.memref_squeeze %dma_wait3A_215 : memref<1x1x128xf32, #tpu.memory_space<hbm>> -> memref<128xf32, #tpu.memory_space<hbm>>
      %dma_wait3A_217 = arith.constant 128 : i32
      %dma_wait3A_218 = tpu.memref_slice %arg6[%dma_wait3A_217] : memref<1024xf32, #tpu.memory_space<vmem>> -> memref<128xf32, #tpu.memory_space<vmem>>
      %dma_wait3A_219 = arith.constant 0 : i32
      %dma_wait3A_220 = tpu.memref_slice %arg3[%add3A_76, %dma_wait3A_211, %dma_wait3A_219] : memref<1024x8x128xf32, #tpu.memory_space<hbm>> -> memref<1x1x128xf32, #tpu.memory_space<hbm>>
      %dma_wait3A_221 = tpu.memref_squeeze %dma_wait3A_220 : memref<1x1x128xf32, #tpu.memory_space<hbm>> -> memref<128xf32, #tpu.memory_space<hbm>>
      tpu.wait_dma2 semaphore(%arg15 : memref<!tpu.dma_semaphore, #tpu.memory_space<semaphore_mem>>) src(%dma_wait3A_221 : memref<128xf32, #tpu.memory_space<hbm>>) dst(%dma_wait3A_218 : memref<128xf32, #tpu.memory_space<vmem>>)
      %dma_wait3A_222 = arith.constant 2 : i32
      %dma_wait3A_223 = arith.constant 256 : i32
      %dma_wait3A_224 = tpu.memref_slice %arg6[%dma_wait3A_223] : memref<1024xf32, #tpu.memory_space<vmem>> -> memref<128xf32, #tpu.memory_space<vmem>>
      %dma_wait3A_225 = arith.constant 0 : i32
      %dma_wait3A_226 = tpu.memref_slice %arg3[%add3A_76, %dma_wait3A_222, %dma_wait3A_225] : memref<1024x8x128xf32, #tpu.memory_space<hbm>> -> memref<1x1x128xf32, #tpu.memory_space<hbm>>
      %dma_wait3A_227 = tpu.memref_squeeze %dma_wait3A_226 : memref<1x1x128xf32, #tpu.memory_space<hbm>> -> memref<128xf32, #tpu.memory_space<hbm>>
      %dma_wait3A_228 = arith.constant 256 : i32
      %dma_wait3A_229 = tpu.memref_slice %arg6[%dma_wait3A_228] : memref<1024xf32, #tpu.memory_space<vmem>> -> memref<128xf32, #tpu.memory_space<vmem>>
      %dma_wait3A_230 = arith.constant 0 : i32
      %dma_wait3A_231 = tpu.memref_slice %arg3[%add3A_76, %dma_wait3A_222, %dma_wait3A_230] : memref<1024x8x128xf32, #tpu.memory_space<hbm>> -> memref<1x1x128xf32, #tpu.memory_space<hbm>>
      %dma_wait3A_232 = tpu.memref_squeeze %dma_wait3A_231 : memref<1x1x128xf32, #tpu.memory_space<hbm>> -> memref<128xf32, #tpu.memory_space<hbm>>
      tpu.wait_dma2 semaphore(%arg15 : memref<!tpu.dma_semaphore, #tpu.memory_space<semaphore_mem>>) src(%dma_wait3A_232 : memref<128xf32, #tpu.memory_space<hbm>>) dst(%dma_wait3A_229 : memref<128xf32, #tpu.memory_space<vmem>>)
      %dma_wait3A_233 = arith.constant 3 : i32
      %dma_wait3A_234 = arith.constant 384 : i32
      %dma_wait3A_235 = tpu.memref_slice %arg6[%dma_wait3A_234] : memref<1024xf32, #tpu.memory_space<vmem>> -> memref<128xf32, #tpu.memory_space<vmem>>
      %dma_wait3A_236 = arith.constant 0 : i32
      %dma_wait3A_237 = tpu.memref_slice %arg3[%add3A_76, %dma_wait3A_233, %dma_wait3A_236] : memref<1024x8x128xf32, #tpu.memory_space<hbm>> -> memref<1x1x128xf32, #tpu.memory_space<hbm>>
      %dma_wait3A_238 = tpu.memref_squeeze %dma_wait3A_237 : memref<1x1x128xf32, #tpu.memory_space<hbm>> -> memref<128xf32, #tpu.memory_space<hbm>>
      %dma_wait3A_239 = arith.constant 384 : i32
      %dma_wait3A_240 = tpu.memref_slice %arg6[%dma_wait3A_239] : memref<1024xf32, #tpu.memory_space<vmem>> -> memref<128xf32, #tpu.memory_space<vmem>>
      %dma_wait3A_241 = arith.constant 0 : i32
      %dma_wait3A_242 = tpu.memref_slice %arg3[%add3A_76, %dma_wait3A_233, %dma_wait3A_241] : memref<1024x8x128xf32, #tpu.memory_space<hbm>> -> memref<1x1x128xf32, #tpu.memory_space<hbm>>
      %dma_wait3A_243 = tpu.memref_squeeze %dma_wait3A_242 : memref<1x1x128xf32, #tpu.memory_space<hbm>> -> memref<128xf32, #tpu.memory_space<hbm>>
      tpu.wait_dma2 semaphore(%arg15 : memref<!tpu.dma_semaphore, #tpu.memory_space<semaphore_mem>>) src(%dma_wait3A_243 : memref<128xf32, #tpu.memory_space<hbm>>) dst(%dma_wait3A_240 : memref<128xf32, #tpu.memory_space<vmem>>)
      %dma_wait3A_244 = arith.constant 0 : i32
      %dma_wait3A_245 = arith.constant 0 : i32
      %dma_wait3A_246 = arith.constant 0 : i32
      %dma_wait3A_247 = tpu.memref_slice %arg7[%dma_wait3A_244, %dma_wait3A_245, %dma_wait3A_246] : memref<2x8x128xi32, #tpu.memory_space<vmem>> -> memref<1x8x128xi32, #tpu.memory_space<vmem>>
      %dma_wait3A_248 = tpu.memref_squeeze %dma_wait3A_247 : memref<1x8x128xi32, #tpu.memory_space<vmem>> -> memref<8x128xi32, #tpu.memory_space<vmem>>
      %dma_wait3A_249 = arith.constant 0 : i32
      %dma_wait3A_250 = arith.constant 0 : i32
      %dma_wait3A_251 = tpu.memref_slice %arg2[%add3A_76, %dma_wait3A_249, %dma_wait3A_250] : memref<1024x8x128xi32, #tpu.memory_space<hbm>> -> memref<1x8x128xi32, #tpu.memory_space<hbm>>
      %dma_wait3A_252 = tpu.memref_squeeze %dma_wait3A_251 : memref<1x8x128xi32, #tpu.memory_space<hbm>> -> memref<8x128xi32, #tpu.memory_space<hbm>>
      %dma_wait3A_253 = arith.constant 0 : i32
      %dma_wait3A_254 = arith.constant 0 : i32
      %dma_wait3A_255 = tpu.memref_slice %arg7[%dma_wait3A_244, %dma_wait3A_253, %dma_wait3A_254] : memref<2x8x128xi32, #tpu.memory_space<vmem>> -> memref<1x8x128xi32, #tpu.memory_space<vmem>>
      %dma_wait3A_256 = tpu.memref_squeeze %dma_wait3A_255 : memref<1x8x128xi32, #tpu.memory_space<vmem>> -> memref<8x128xi32, #tpu.memory_space<vmem>>
      %dma_wait3A_257 = arith.constant 0 : i32
      %dma_wait3A_258 = arith.constant 0 : i32
      %dma_wait3A_259 = tpu.memref_slice %arg2[%add3A_76, %dma_wait3A_257, %dma_wait3A_258] : memref<1024x8x128xi32, #tpu.memory_space<hbm>> -> memref<1x8x128xi32, #tpu.memory_space<hbm>>
      %dma_wait3A_260 = tpu.memref_squeeze %dma_wait3A_259 : memref<1x8x128xi32, #tpu.memory_space<hbm>> -> memref<8x128xi32, #tpu.memory_space<hbm>>
      tpu.wait_dma2 semaphore(%arg15 : memref<!tpu.dma_semaphore, #tpu.memory_space<semaphore_mem>>) src(%dma_wait3A_260 : memref<8x128xi32, #tpu.memory_space<hbm>>) dst(%dma_wait3A_256 : memref<8x128xi32, #tpu.memory_space<vmem>>)
      %dma_start3A_261 = arith.constant 0 : i32
      %dma_start3A_262 = arith.constant 0 : i32
      %dma_start3A_263 = tpu.memref_slice %arg7[%rem3A_81, %dma_start3A_261, %dma_start3A_262] : memref<2x8x128xi32, #tpu.memory_space<vmem>> -> memref<1x1x128xi32, #tpu.memory_space<vmem>>
      %dma_start3A_264 = tpu.memref_squeeze %dma_start3A_263 : memref<1x1x128xi32, #tpu.memory_space<vmem>> -> memref<128xi32, #tpu.memory_space<vmem>>
      %dma_start3A_265 = arith.constant 0 : i32
      %dma_start3A_266 = arith.constant 0 : i32
      %dma_start3A_267 = tpu.memref_slice %arg4[%dma_start3A_265, %dma_start3A_266] : memref<40000x128xf32, #tpu.memory_space<hbm>> -> memref<40000x128xf32, #tpu.memory_space<hbm>>
      tpu.enqueue_indirect_dma source(%dma_start3A_267 : memref<40000x128xf32, #tpu.memory_space<hbm>>) target(%arg8 : memref<128x128xf32, #tpu.memory_space<vmem>>) offsets(%dma_start3A_264 : memref<128xi32, #tpu.memory_space<vmem>>) semaphore(%arg13 : memref<!tpu.dma_semaphore, #tpu.memory_space<semaphore_mem>>)
      %dma_start3A_268 = arith.constant 2 : i32
      %dma_start3A_269 = arith.constant 0 : i32
      %dma_start3A_270 = tpu.memref_slice %arg7[%rem3A_81, %dma_start3A_268, %dma_start3A_269] : memref<2x8x128xi32, #tpu.memory_space<vmem>> -> memref<1x1x128xi32, #tpu.memory_space<vmem>>
      %dma_start3A_271 = tpu.memref_squeeze %dma_start3A_270 : memref<1x1x128xi32, #tpu.memory_space<vmem>> -> memref<128xi32, #tpu.memory_space<vmem>>
      %dma_start3A_272 = arith.constant 0 : i32
      %dma_start3A_273 = arith.constant 0 : i32
      %dma_start3A_274 = tpu.memref_slice %arg4[%dma_start3A_272, %dma_start3A_273] : memref<40000x128xf32, #tpu.memory_space<hbm>> -> memref<40000x128xf32, #tpu.memory_space<hbm>>
      tpu.enqueue_indirect_dma source(%dma_start3A_274 : memref<40000x128xf32, #tpu.memory_space<hbm>>) target(%arg9 : memref<128x128xf32, #tpu.memory_space<vmem>>) offsets(%dma_start3A_271 : memref<128xi32, #tpu.memory_space<vmem>>) semaphore(%arg13 : memref<!tpu.dma_semaphore, #tpu.memory_space<semaphore_mem>>)
      %dma_wait3A_275 = arith.constant 0 : i32
      %dma_wait3A_276 = arith.constant 0 : i32
      %dma_wait3A_277 = tpu.memref_slice %arg4[%dma_wait3A_275, %dma_wait3A_276] : memref<40000x128xf32, #tpu.memory_space<hbm>> -> memref<128x128xf32, #tpu.memory_space<hbm>>
      %dma_wait3A_278 = arith.constant 0 : i32
      %dma_wait3A_279 = arith.constant 0 : i32
      %dma_wait3A_280 = tpu.memref_slice %arg4[%dma_wait3A_278, %dma_wait3A_279] : memref<40000x128xf32, #tpu.memory_space<hbm>> -> memref<128x128xf32, #tpu.memory_space<hbm>>
      tpu.wait_dma2 semaphore(%arg14 : memref<!tpu.dma_semaphore, #tpu.memory_space<semaphore_mem>>) src(%dma_wait3A_280 : memref<128x128xf32, #tpu.memory_space<hbm>>) dst(%arg10 : memref<128x128xf32, #tpu.memory_space<vmem>>)
      %dma_wait3A_281 = arith.constant 0 : i32
      %dma_wait3A_282 = arith.constant 0 : i32
      %dma_wait3A_283 = tpu.memref_slice %arg4[%dma_wait3A_281, %dma_wait3A_282] : memref<40000x128xf32, #tpu.memory_space<hbm>> -> memref<128x128xf32, #tpu.memory_space<hbm>>
      %dma_wait3A_284 = arith.constant 0 : i32
      %dma_wait3A_285 = arith.constant 0 : i32
      %dma_wait3A_286 = tpu.memref_slice %arg4[%dma_wait3A_284, %dma_wait3A_285] : memref<40000x128xf32, #tpu.memory_space<hbm>> -> memref<128x128xf32, #tpu.memory_space<hbm>>
      tpu.wait_dma2 semaphore(%arg14 : memref<!tpu.dma_semaphore, #tpu.memory_space<semaphore_mem>>) src(%dma_wait3A_286 : memref<128x128xf32, #tpu.memory_space<hbm>>) dst(%arg11 : memref<128x128xf32, #tpu.memory_space<vmem>>)
      %gt3A_287 = arith.constant 0 : i32
      %gt3A_288 = arith.cmpi sgt, %add3A_75, %gt3A_287 : i32
      %convert_element_type3A_289 = arith.extui %gt3A_288 : i1 to i32
      %cond3A_290 = arith.constant 0 : i32
      %cond3A_291 = arith.cmpi ne, %convert_element_type3A_289, %cond3A_290 : i32
      scf.if %cond3A_291 {
        %dma_wait3A_312 = arith.constant 1 : i32
        %dma_wait3A_313 = arith.constant 0 : i32
        %dma_wait3A_314 = arith.constant 0 : i32
        %dma_wait3A_315 = tpu.memref_slice %arg12[%dma_wait3A_312, %dma_wait3A_313, %dma_wait3A_314] : memref<2x128x128xf32, #tpu.memory_space<vmem>> -> memref<1x128x128xf32, #tpu.memory_space<vmem>>
        %dma_wait3A_316 = tpu.memref_squeeze %dma_wait3A_315 : memref<1x128x128xf32, #tpu.memory_space<vmem>> -> memref<128x128xf32, #tpu.memory_space<vmem>>
        %dma_wait3A_317 = arith.constant 0 : i32
        %dma_wait3A_318 = arith.constant 0 : i32
        %dma_wait3A_319 = tpu.memref_slice %arg5[%add3A_76, %dma_wait3A_317, %dma_wait3A_318] : memref<1024x256x128xf32, #tpu.memory_space<hbm>> -> memref<1x128x128xf32, #tpu.memory_space<hbm>>
        %dma_wait3A_320 = tpu.memref_squeeze %dma_wait3A_319 : memref<1x128x128xf32, #tpu.memory_space<hbm>> -> memref<128x128xf32, #tpu.memory_space<hbm>>
        %dma_wait3A_321 = arith.constant 0 : i32
        %dma_wait3A_322 = arith.constant 0 : i32
        %dma_wait3A_323 = tpu.memref_slice %arg12[%dma_wait3A_312, %dma_wait3A_321, %dma_wait3A_322] : memref<2x128x128xf32, #tpu.memory_space<vmem>> -> memref<1x128x128xf32, #tpu.memory_space<vmem>>
        %dma_wait3A_324 = tpu.memref_squeeze %dma_wait3A_323 : memref<1x128x128xf32, #tpu.memory_space<vmem>> -> memref<128x128xf32, #tpu.memory_space<vmem>>
        %dma_wait3A_325 = arith.constant 0 : i32
        %dma_wait3A_326 = arith.constant 0 : i32
        %dma_wait3A_327 = tpu.memref_slice %arg5[%add3A_76, %dma_wait3A_325, %dma_wait3A_326] : memref<1024x256x128xf32, #tpu.memory_space<hbm>> -> memref<1x128x128xf32, #tpu.memory_space<hbm>>
        %dma_wait3A_328 = tpu.memref_squeeze %dma_wait3A_327 : memref<1x128x128xf32, #tpu.memory_space<hbm>> -> memref<128x128xf32, #tpu.memory_space<hbm>>
        tpu.wait_dma2 semaphore(%arg16 : memref<!tpu.dma_semaphore, #tpu.memory_space<semaphore_mem>>) src(%dma_wait3A_328 : memref<128x128xf32, #tpu.memory_space<hbm>>) dst(%dma_wait3A_324 : memref<128x128xf32, #tpu.memory_space<vmem>>)
      } else {
      }
      %parallel_loop3A_292 = arith.constant 0 : i32
      %parallel_loop3A_293 = arith.constant 128 : i32
      %parallel_loop3A_294 = arith.constant 1 : i32
      scf.for %parallel_loop3A_312 = %parallel_loop3A_292 to %parallel_loop3A_293 step %parallel_loop3A_294  : i32 {
        %parallel_loop3A_313 = arith.constant 128 : i32
        %parallel_loop3A_314 = arith.addi %parallel_loop3A_313, %parallel_loop3A_312 : i32
        %parallel_loop3A_315 = arith.constant 512 : i32
        %parallel_loop3A_316 = arith.muli %rem3A_77, %parallel_loop3A_315 : i32
        %parallel_loop3A_317 = arith.addi %parallel_loop3A_316, %parallel_loop3A_314 : i32
        %parallel_loop3A_318 = arith.constant 0 : i32
        %parallel_loop3A_319 = vector.broadcast %parallel_loop3A_318 : i32 to vector<16xi32>
        %parallel_loop3A_320 = vector.broadcast %parallel_loop3A_317 : i32 to vector<16xi32>
        %parallel_loop3A_321 = arith.addi %parallel_loop3A_319, %parallel_loop3A_320 : vector<16xi32>
        %parallel_loop3A_322 = tpu.vector_load_idx %arg6[%parallel_loop3A_321] : memref<1024xf32, #tpu.memory_space<vmem>>[vector<16xi32>], vector<16xf32>,
        %parallel_loop3A_323 = arith.constant 256 : i32
        %parallel_loop3A_324 = vector.broadcast %parallel_loop3A_323 : i32 to vector<16xi32>
        %parallel_loop3A_325 = vector.broadcast %parallel_loop3A_317 : i32 to vector<16xi32>
        %parallel_loop3A_326 = arith.addi %parallel_loop3A_324, %parallel_loop3A_325 : vector<16xi32>
        %parallel_loop3A_327 = tpu.vector_load_idx %arg6[%parallel_loop3A_326] : memref<1024xf32, #tpu.memory_space<vmem>>[vector<16xi32>], vector<16xf32>,
        %parallel_loop3A_328 = vector.bitcast %parallel_loop3A_322 : vector<16xf32> to vector<32xbf16>
        %parallel_loop3A_329 = vector.bitcast %parallel_loop3A_327 : vector<16xf32> to vector<32xbf16>
        %parallel_loop3A_330 = arith.index_cast %parallel_loop3A_312 : i32 to index
        %parallel_loop3A_331 = arith.constant 0 : index
        %parallel_loop3A_332 = tpu.vector_load %arg10[%parallel_loop3A_330, %parallel_loop3A_331] {strides = array<i32>} : memref<128x128xf32, #tpu.memory_space<vmem>>, vector<16xf32>,
        %parallel_loop3A_333 = vector.bitcast %parallel_loop3A_332 : vector<16xf32> to vector<32xbf16>
        %parallel_loop3A_334 = arith.index_cast %parallel_loop3A_312 : i32 to index
        %parallel_loop3A_335 = arith.constant 0 : index
        %parallel_loop3A_336 = tpu.vector_load %arg11[%parallel_loop3A_334, %parallel_loop3A_335] {strides = array<i32>} : memref<128x128xf32, #tpu.memory_space<vmem>>, vector<16xf32>,
        %parallel_loop3A_337 = vector.bitcast %parallel_loop3A_336 : vector<16xf32> to vector<32xbf16>
        %parallel_loop3A_338 = arith.mulf %parallel_loop3A_328, %parallel_loop3A_333 : vector<32xbf16>
        %parallel_loop3A_339 = arith.mulf %parallel_loop3A_329, %parallel_loop3A_337 : vector<32xbf16>
        %parallel_loop3A_340 = arith.addf %parallel_loop3A_338, %parallel_loop3A_339 : vector<32xbf16>
        %parallel_loop3A_341 = tpu.unpack_subelements %parallel_loop3A_340, 0 {pack_format = #tpu.pack_format<interleaved>} : vector<32xbf16> -> vector<16xf32>
        %parallel_loop3A_342 = tpu.unpack_subelements %parallel_loop3A_340, 1 {pack_format = #tpu.pack_format<interleaved>} : vector<32xbf16> -> vector<16xf32>
        %parallel_loop3A_343 = arith.addf %parallel_loop3A_341, %parallel_loop3A_342 : vector<16xf32>
        %parallel_loop3A_344 = arith.constant 1 : i32
        %parallel_loop3A_345 = arith.index_cast %parallel_loop3A_344 : i32 to index
        %parallel_loop3A_346 = arith.index_cast %parallel_loop3A_312 : i32 to index
        %parallel_loop3A_347 = arith.constant 0 : index
        %parallel_loop3A_348 = tpu.vector_load %arg12[%parallel_loop3A_345, %parallel_loop3A_346, %parallel_loop3A_347] {strides = array<i32>} : memref<2x128x128xf32, #tpu.memory_space<vmem>>, vector<16xf32>,
        tpu.vector_store %arg12[%parallel_loop3A_345, %parallel_loop3A_346, %parallel_loop3A_347], %parallel_loop3A_343 {strides = array<i32>} : memref<2x128x128xf32, #tpu.memory_space<vmem>>, vector<16xf32>,
        %parallel_loop3A_349 = arith.index_cast %parallel_loop3A_312 : i32 to index
        %parallel_loop3A_350 = arith.constant 16 : index
        %parallel_loop3A_351 = tpu.vector_load %arg10[%parallel_loop3A_349, %parallel_loop3A_350] {strides = array<i32>} : memref<128x128xf32, #tpu.memory_space<vmem>>, vector<16xf32>,
        %parallel_loop3A_352 = vector.bitcast %parallel_loop3A_351 : vector<16xf32> to vector<32xbf16>
        %parallel_loop3A_353 = arith.index_cast %parallel_loop3A_312 : i32 to index
        %parallel_loop3A_354 = arith.constant 16 : index
        %parallel_loop3A_355 = tpu.vector_load %arg11[%parallel_loop3A_353, %parallel_loop3A_354] {strides = array<i32>} : memref<128x128xf32, #tpu.memory_space<vmem>>, vector<16xf32>,
        %parallel_loop3A_356 = vector.bitcast %parallel_loop3A_355 : vector<16xf32> to vector<32xbf16>
        %parallel_loop3A_357 = arith.mulf %parallel_loop3A_328, %parallel_loop3A_352 : vector<32xbf16>
        %parallel_loop3A_358 = arith.mulf %parallel_loop3A_329, %parallel_loop3A_356 : vector<32xbf16>
        %parallel_loop3A_359 = arith.addf %parallel_loop3A_357, %parallel_loop3A_358 : vector<32xbf16>
        %parallel_loop3A_360 = tpu.unpack_subelements %parallel_loop3A_359, 0 {pack_format = #tpu.pack_format<interleaved>} : vector<32xbf16> -> vector<16xf32>
        %parallel_loop3A_361 = tpu.unpack_subelements %parallel_loop3A_359, 1 {pack_format = #tpu.pack_format<interleaved>} : vector<32xbf16> -> vector<16xf32>
        %parallel_loop3A_362 = arith.addf %parallel_loop3A_360, %parallel_loop3A_361 : vector<16xf32>
        %parallel_loop3A_363 = arith.constant 1 : i32
        %parallel_loop3A_364 = arith.index_cast %parallel_loop3A_363 : i32 to index
        %parallel_loop3A_365 = arith.index_cast %parallel_loop3A_312 : i32 to index
        %parallel_loop3A_366 = arith.constant 16 : index
        %parallel_loop3A_367 = tpu.vector_load %arg12[%parallel_loop3A_364, %parallel_loop3A_365, %parallel_loop3A_366] {strides = array<i32>} : memref<2x128x128xf32, #tpu.memory_space<vmem>>, vector<16xf32>,
        tpu.vector_store %arg12[%parallel_loop3A_364, %parallel_loop3A_365, %parallel_loop3A_366], %parallel_loop3A_362 {strides = array<i32>} : memref<2x128x128xf32, #tpu.memory_space<vmem>>, vector<16xf32>,
        %parallel_loop3A_368 = arith.index_cast %parallel_loop3A_312 : i32 to index
        %parallel_loop3A_369 = arith.constant 32 : index
        %parallel_loop3A_370 = tpu.vector_load %arg10[%parallel_loop3A_368, %parallel_loop3A_369] {strides = array<i32>} : memref<128x128xf32, #tpu.memory_space<vmem>>, vector<16xf32>,
        %parallel_loop3A_371 = vector.bitcast %parallel_loop3A_370 : vector<16xf32> to vector<32xbf16>
        %parallel_loop3A_372 = arith.index_cast %parallel_loop3A_312 : i32 to index
        %parallel_loop3A_373 = arith.constant 32 : index
        %parallel_loop3A_374 = tpu.vector_load %arg11[%parallel_loop3A_372, %parallel_loop3A_373] {strides = array<i32>} : memref<128x128xf32, #tpu.memory_space<vmem>>, vector<16xf32>,
        %parallel_loop3A_375 = vector.bitcast %parallel_loop3A_374 : vector<16xf32> to vector<32xbf16>
        %parallel_loop3A_376 = arith.mulf %parallel_loop3A_328, %parallel_loop3A_371 : vector<32xbf16>
        %parallel_loop3A_377 = arith.mulf %parallel_loop3A_329, %parallel_loop3A_375 : vector<32xbf16>
        %parallel_loop3A_378 = arith.addf %parallel_loop3A_376, %parallel_loop3A_377 : vector<32xbf16>
        %parallel_loop3A_379 = tpu.unpack_subelements %parallel_loop3A_378, 0 {pack_format = #tpu.pack_format<interleaved>} : vector<32xbf16> -> vector<16xf32>
        %parallel_loop3A_380 = tpu.unpack_subelements %parallel_loop3A_378, 1 {pack_format = #tpu.pack_format<interleaved>} : vector<32xbf16> -> vector<16xf32>
        %parallel_loop3A_381 = arith.addf %parallel_loop3A_379, %parallel_loop3A_380 : vector<16xf32>
        %parallel_loop3A_382 = arith.constant 1 : i32
        %parallel_loop3A_383 = arith.index_cast %parallel_loop3A_382 : i32 to index
        %parallel_loop3A_384 = arith.index_cast %parallel_loop3A_312 : i32 to index
        %parallel_loop3A_385 = arith.constant 32 : index
        %parallel_loop3A_386 = tpu.vector_load %arg12[%parallel_loop3A_383, %parallel_loop3A_384, %parallel_loop3A_385] {strides = array<i32>} : memref<2x128x128xf32, #tpu.memory_space<vmem>>, vector<16xf32>,
        tpu.vector_store %arg12[%parallel_loop3A_383, %parallel_loop3A_384, %parallel_loop3A_385], %parallel_loop3A_381 {strides = array<i32>} : memref<2x128x128xf32, #tpu.memory_space<vmem>>, vector<16xf32>,
        %parallel_loop3A_387 = arith.index_cast %parallel_loop3A_312 : i32 to index
        %parallel_loop3A_388 = arith.constant 48 : index
        %parallel_loop3A_389 = tpu.vector_load %arg10[%parallel_loop3A_387, %parallel_loop3A_388] {strides = array<i32>} : memref<128x128xf32, #tpu.memory_space<vmem>>, vector<16xf32>,
        %parallel_loop3A_390 = vector.bitcast %parallel_loop3A_389 : vector<16xf32> to vector<32xbf16>
        %parallel_loop3A_391 = arith.index_cast %parallel_loop3A_312 : i32 to index
        %parallel_loop3A_392 = arith.constant 48 : index
        %parallel_loop3A_393 = tpu.vector_load %arg11[%parallel_loop3A_391, %parallel_loop3A_392] {strides = array<i32>} : memref<128x128xf32, #tpu.memory_space<vmem>>, vector<16xf32>,
        %parallel_loop3A_394 = vector.bitcast %parallel_loop3A_393 : vector<16xf32> to vector<32xbf16>
        %parallel_loop3A_395 = arith.mulf %parallel_loop3A_328, %parallel_loop3A_390 : vector<32xbf16>
        %parallel_loop3A_396 = arith.mulf %parallel_loop3A_329, %parallel_loop3A_394 : vector<32xbf16>
        %parallel_loop3A_397 = arith.addf %parallel_loop3A_395, %parallel_loop3A_396 : vector<32xbf16>
        %parallel_loop3A_398 = tpu.unpack_subelements %parallel_loop3A_397, 0 {pack_format = #tpu.pack_format<interleaved>} : vector<32xbf16> -> vector<16xf32>
        %parallel_loop3A_399 = tpu.unpack_subelements %parallel_loop3A_397, 1 {pack_format = #tpu.pack_format<interleaved>} : vector<32xbf16> -> vector<16xf32>
        %parallel_loop3A_400 = arith.addf %parallel_loop3A_398, %parallel_loop3A_399 : vector<16xf32>
        %parallel_loop3A_401 = arith.constant 1 : i32
        %parallel_loop3A_402 = arith.index_cast %parallel_loop3A_401 : i32 to index
        %parallel_loop3A_403 = arith.index_cast %parallel_loop3A_312 : i32 to index
        %parallel_loop3A_404 = arith.constant 48 : index
        %parallel_loop3A_405 = tpu.vector_load %arg12[%parallel_loop3A_402, %parallel_loop3A_403, %parallel_loop3A_404] {strides = array<i32>} : memref<2x128x128xf32, #tpu.memory_space<vmem>>, vector<16xf32>,
        tpu.vector_store %arg12[%parallel_loop3A_402, %parallel_loop3A_403, %parallel_loop3A_404], %parallel_loop3A_400 {strides = array<i32>} : memref<2x128x128xf32, #tpu.memory_space<vmem>>, vector<16xf32>,
        %parallel_loop3A_406 = arith.index_cast %parallel_loop3A_312 : i32 to index
        %parallel_loop3A_407 = arith.constant 64 : index
        %parallel_loop3A_408 = tpu.vector_load %arg10[%parallel_loop3A_406, %parallel_loop3A_407] {strides = array<i32>} : memref<128x128xf32, #tpu.memory_space<vmem>>, vector<16xf32>,
        %parallel_loop3A_409 = vector.bitcast %parallel_loop3A_408 : vector<16xf32> to vector<32xbf16>
        %parallel_loop3A_410 = arith.index_cast %parallel_loop3A_312 : i32 to index
        %parallel_loop3A_411 = arith.constant 64 : index
        %parallel_loop3A_412 = tpu.vector_load %arg11[%parallel_loop3A_410, %parallel_loop3A_411] {strides = array<i32>} : memref<128x128xf32, #tpu.memory_space<vmem>>, vector<16xf32>,
        %parallel_loop3A_413 = vector.bitcast %parallel_loop3A_412 : vector<16xf32> to vector<32xbf16>
        %parallel_loop3A_414 = arith.mulf %parallel_loop3A_328, %parallel_loop3A_409 : vector<32xbf16>
        %parallel_loop3A_415 = arith.mulf %parallel_loop3A_329, %parallel_loop3A_413 : vector<32xbf16>
        %parallel_loop3A_416 = arith.addf %parallel_loop3A_414, %parallel_loop3A_415 : vector<32xbf16>
        %parallel_loop3A_417 = tpu.unpack_subelements %parallel_loop3A_416, 0 {pack_format = #tpu.pack_format<interleaved>} : vector<32xbf16> -> vector<16xf32>
        %parallel_loop3A_418 = tpu.unpack_subelements %parallel_loop3A_416, 1 {pack_format = #tpu.pack_format<interleaved>} : vector<32xbf16> -> vector<16xf32>
        %parallel_loop3A_419 = arith.addf %parallel_loop3A_417, %parallel_loop3A_418 : vector<16xf32>
        %parallel_loop3A_420 = arith.constant 1 : i32
        %parallel_loop3A_421 = arith.index_cast %parallel_loop3A_420 : i32 to index
        %parallel_loop3A_422 = arith.index_cast %parallel_loop3A_312 : i32 to index
        %parallel_loop3A_423 = arith.constant 64 : index
        %parallel_loop3A_424 = tpu.vector_load %arg12[%parallel_loop3A_421, %parallel_loop3A_422, %parallel_loop3A_423] {strides = array<i32>} : memref<2x128x128xf32, #tpu.memory_space<vmem>>, vector<16xf32>,
        tpu.vector_store %arg12[%parallel_loop3A_421, %parallel_loop3A_422, %parallel_loop3A_423], %parallel_loop3A_419 {strides = array<i32>} : memref<2x128x128xf32, #tpu.memory_space<vmem>>, vector<16xf32>,
        %parallel_loop3A_425 = arith.index_cast %parallel_loop3A_312 : i32 to index
        %parallel_loop3A_426 = arith.constant 80 : index
        %parallel_loop3A_427 = tpu.vector_load %arg10[%parallel_loop3A_425, %parallel_loop3A_426] {strides = array<i32>} : memref<128x128xf32, #tpu.memory_space<vmem>>, vector<16xf32>,
        %parallel_loop3A_428 = vector.bitcast %parallel_loop3A_427 : vector<16xf32> to vector<32xbf16>
        %parallel_loop3A_429 = arith.index_cast %parallel_loop3A_312 : i32 to index
        %parallel_loop3A_430 = arith.constant 80 : index
        %parallel_loop3A_431 = tpu.vector_load %arg11[%parallel_loop3A_429, %parallel_loop3A_430] {strides = array<i32>} : memref<128x128xf32, #tpu.memory_space<vmem>>, vector<16xf32>,
        %parallel_loop3A_432 = vector.bitcast %parallel_loop3A_431 : vector<16xf32> to vector<32xbf16>
        %parallel_loop3A_433 = arith.mulf %parallel_loop3A_328, %parallel_loop3A_428 : vector<32xbf16>
        %parallel_loop3A_434 = arith.mulf %parallel_loop3A_329, %parallel_loop3A_432 : vector<32xbf16>
        %parallel_loop3A_435 = arith.addf %parallel_loop3A_433, %parallel_loop3A_434 : vector<32xbf16>
        %parallel_loop3A_436 = tpu.unpack_subelements %parallel_loop3A_435, 0 {pack_format = #tpu.pack_format<interleaved>} : vector<32xbf16> -> vector<16xf32>
        %parallel_loop3A_437 = tpu.unpack_subelements %parallel_loop3A_435, 1 {pack_format = #tpu.pack_format<interleaved>} : vector<32xbf16> -> vector<16xf32>
        %parallel_loop3A_438 = arith.addf %parallel_loop3A_436, %parallel_loop3A_437 : vector<16xf32>
        %parallel_loop3A_439 = arith.constant 1 : i32
        %parallel_loop3A_440 = arith.index_cast %parallel_loop3A_439 : i32 to index
        %parallel_loop3A_441 = arith.index_cast %parallel_loop3A_312 : i32 to index
        %parallel_loop3A_442 = arith.constant 80 : index
        %parallel_loop3A_443 = tpu.vector_load %arg12[%parallel_loop3A_440, %parallel_loop3A_441, %parallel_loop3A_442] {strides = array<i32>} : memref<2x128x128xf32, #tpu.memory_space<vmem>>, vector<16xf32>,
        tpu.vector_store %arg12[%parallel_loop3A_440, %parallel_loop3A_441, %parallel_loop3A_442], %parallel_loop3A_438 {strides = array<i32>} : memref<2x128x128xf32, #tpu.memory_space<vmem>>, vector<16xf32>,
        %parallel_loop3A_444 = arith.index_cast %parallel_loop3A_312 : i32 to index
        %parallel_loop3A_445 = arith.constant 96 : index
        %parallel_loop3A_446 = tpu.vector_load %arg10[%parallel_loop3A_444, %parallel_loop3A_445] {strides = array<i32>} : memref<128x128xf32, #tpu.memory_space<vmem>>, vector<16xf32>,
        %parallel_loop3A_447 = vector.bitcast %parallel_loop3A_446 : vector<16xf32> to vector<32xbf16>
        %parallel_loop3A_448 = arith.index_cast %parallel_loop3A_312 : i32 to index
        %parallel_loop3A_449 = arith.constant 96 : index
        %parallel_loop3A_450 = tpu.vector_load %arg11[%parallel_loop3A_448, %parallel_loop3A_449] {strides = array<i32>} : memref<128x128xf32, #tpu.memory_space<vmem>>, vector<16xf32>,
        %parallel_loop3A_451 = vector.bitcast %parallel_loop3A_450 : vector<16xf32> to vector<32xbf16>
        %parallel_loop3A_452 = arith.mulf %parallel_loop3A_328, %parallel_loop3A_447 : vector<32xbf16>
        %parallel_loop3A_453 = arith.mulf %parallel_loop3A_329, %parallel_loop3A_451 : vector<32xbf16>
        %parallel_loop3A_454 = arith.addf %parallel_loop3A_452, %parallel_loop3A_453 : vector<32xbf16>
        %parallel_loop3A_455 = tpu.unpack_subelements %parallel_loop3A_454, 0 {pack_format = #tpu.pack_format<interleaved>} : vector<32xbf16> -> vector<16xf32>
        %parallel_loop3A_456 = tpu.unpack_subelements %parallel_loop3A_454, 1 {pack_format = #tpu.pack_format<interleaved>} : vector<32xbf16> -> vector<16xf32>
        %parallel_loop3A_457 = arith.addf %parallel_loop3A_455, %parallel_loop3A_456 : vector<16xf32>
        %parallel_loop3A_458 = arith.constant 1 : i32
        %parallel_loop3A_459 = arith.index_cast %parallel_loop3A_458 : i32 to index
        %parallel_loop3A_460 = arith.index_cast %parallel_loop3A_312 : i32 to index
        %parallel_loop3A_461 = arith.constant 96 : index
        %parallel_loop3A_462 = tpu.vector_load %arg12[%parallel_loop3A_459, %parallel_loop3A_460, %parallel_loop3A_461] {strides = array<i32>} : memref<2x128x128xf32, #tpu.memory_space<vmem>>, vector<16xf32>,
        tpu.vector_store %arg12[%parallel_loop3A_459, %parallel_loop3A_460, %parallel_loop3A_461], %parallel_loop3A_457 {strides = array<i32>} : memref<2x128x128xf32, #tpu.memory_space<vmem>>, vector<16xf32>,
        %parallel_loop3A_463 = arith.index_cast %parallel_loop3A_312 : i32 to index
        %parallel_loop3A_464 = arith.constant 112 : index
        %parallel_loop3A_465 = tpu.vector_load %arg10[%parallel_loop3A_463, %parallel_loop3A_464] {strides = array<i32>} : memref<128x128xf32, #tpu.memory_space<vmem>>, vector<16xf32>,
        %parallel_loop3A_466 = vector.bitcast %parallel_loop3A_465 : vector<16xf32> to vector<32xbf16>
        %parallel_loop3A_467 = arith.index_cast %parallel_loop3A_312 : i32 to index
        %parallel_loop3A_468 = arith.constant 112 : index
        %parallel_loop3A_469 = tpu.vector_load %arg11[%parallel_loop3A_467, %parallel_loop3A_468] {strides = array<i32>} : memref<128x128xf32, #tpu.memory_space<vmem>>, vector<16xf32>,
        %parallel_loop3A_470 = vector.bitcast %parallel_loop3A_469 : vector<16xf32> to vector<32xbf16>
        %parallel_loop3A_471 = arith.mulf %parallel_loop3A_328, %parallel_loop3A_466 : vector<32xbf16>
        %parallel_loop3A_472 = arith.mulf %parallel_loop3A_329, %parallel_loop3A_470 : vector<32xbf16>
        %parallel_loop3A_473 = arith.addf %parallel_loop3A_471, %parallel_loop3A_472 : vector<32xbf16>
        %parallel_loop3A_474 = tpu.unpack_subelements %parallel_loop3A_473, 0 {pack_format = #tpu.pack_format<interleaved>} : vector<32xbf16> -> vector<16xf32>
        %parallel_loop3A_475 = tpu.unpack_subelements %parallel_loop3A_473, 1 {pack_format = #tpu.pack_format<interleaved>} : vector<32xbf16> -> vector<16xf32>
        %parallel_loop3A_476 = arith.addf %parallel_loop3A_474, %parallel_loop3A_475 : vector<16xf32>
        %parallel_loop3A_477 = arith.constant 1 : i32
        %parallel_loop3A_478 = arith.index_cast %parallel_loop3A_477 : i32 to index
        %parallel_loop3A_479 = arith.index_cast %parallel_loop3A_312 : i32 to index
        %parallel_loop3A_480 = arith.constant 112 : index
        %parallel_loop3A_481 = tpu.vector_load %arg12[%parallel_loop3A_478, %parallel_loop3A_479, %parallel_loop3A_480] {strides = array<i32>} : memref<2x128x128xf32, #tpu.memory_space<vmem>>, vector<16xf32>,
        tpu.vector_store %arg12[%parallel_loop3A_478, %parallel_loop3A_479, %parallel_loop3A_480], %parallel_loop3A_476 {strides = array<i32>} : memref<2x128x128xf32, #tpu.memory_space<vmem>>, vector<16xf32>,
      } {sc.loop_unroll_factor = 4 : i64, sc.parallel_access}
      %dma_start3A_295 = arith.constant 1 : i32
      %dma_start3A_296 = arith.constant 0 : i32
      %dma_start3A_297 = arith.constant 0 : i32
      %dma_start3A_298 = tpu.memref_slice %arg12[%dma_start3A_295, %dma_start3A_296, %dma_start3A_297] : memref<2x128x128xf32, #tpu.memory_space<vmem>> -> memref<1x128x128xf32, #tpu.memory_space<vmem>>
      %dma_start3A_299 = tpu.memref_squeeze %dma_start3A_298 : memref<1x128x128xf32, #tpu.memory_space<vmem>> -> memref<128x128xf32, #tpu.memory_space<vmem>>
      %dma_start3A_300 = arith.constant 128 : i32
      %dma_start3A_301 = arith.constant 0 : i32
      %dma_start3A_302 = tpu.memref_slice %arg5[%add3A_76, %dma_start3A_300, %dma_start3A_301] : memref<1024x256x128xf32, #tpu.memory_space<hbm>> -> memref<1x128x128xf32, #tpu.memory_space<hbm>>
      %dma_start3A_303 = tpu.memref_squeeze %dma_start3A_302 : memref<1x128x128xf32, #tpu.memory_space<hbm>> -> memref<128x128xf32, #tpu.memory_space<hbm>>
      %dma_start3A_304 = arith.constant 128 : i32
      %dma_start3A_305 = arith.constant 0 : i32
      %dma_start3A_306 = tpu.memref_slice %arg5[%add3A_76, %dma_start3A_304, %dma_start3A_305] : memref<1024x256x128xf32, #tpu.memory_space<hbm>> -> memref<1x128x128xf32, #tpu.memory_space<hbm>>
      %dma_start3A_307 = tpu.memref_squeeze %dma_start3A_306 : memref<1x128x128xf32, #tpu.memory_space<hbm>> -> memref<128x128xf32, #tpu.memory_space<hbm>>
      %dma_start3A_308 = arith.constant 0 : i32
      %dma_start3A_309 = arith.constant 0 : i32
      %dma_start3A_310 = tpu.memref_slice %arg12[%dma_start3A_295, %dma_start3A_308, %dma_start3A_309] : memref<2x128x128xf32, #tpu.memory_space<vmem>> -> memref<1x128x128xf32, #tpu.memory_space<vmem>>
      %dma_start3A_311 = tpu.memref_squeeze %dma_start3A_310 : memref<1x128x128xf32, #tpu.memory_space<vmem>> -> memref<128x128xf32, #tpu.memory_space<vmem>>
      tpu.enqueue_dma source(%dma_start3A_311 : memref<128x128xf32, #tpu.memory_space<vmem>>) target(%dma_start3A_307 : memref<128x128xf32, #tpu.memory_space<hbm>>) target_semaphore(%arg16 : memref<!tpu.dma_semaphore, #tpu.memory_space<semaphore_mem>>)
    }
    %scan3A_25 = arith.constant 32 : i32
    %dma_wait3A = arith.constant 0 : i32
    %dma_wait3A_26 = arith.constant 0 : i32
    %dma_wait3A_27 = arith.constant 0 : i32
    %dma_wait3A_28 = tpu.memref_slice %arg12[%dma_wait3A, %dma_wait3A_26, %dma_wait3A_27] : memref<2x128x128xf32, #tpu.memory_space<vmem>> -> memref<1x128x128xf32, #tpu.memory_space<vmem>>
    %dma_wait3A_29 = tpu.memref_squeeze %dma_wait3A_28 : memref<1x128x128xf32, #tpu.memory_space<vmem>> -> memref<128x128xf32, #tpu.memory_space<vmem>>
    %dma_wait3A_30 = arith.constant 0 : i32
    %dma_wait3A_31 = arith.constant 0 : i32
    %dma_wait3A_32 = tpu.memref_slice %arg5[%mul3A_2, %dma_wait3A_30, %dma_wait3A_31] : memref<1024x256x128xf32, #tpu.memory_space<hbm>> -> memref<1x128x128xf32, #tpu.memory_space<hbm>>
    %dma_wait3A_33 = tpu.memref_squeeze %dma_wait3A_32 : memref<1x128x128xf32, #tpu.memory_space<hbm>> -> memref<128x128xf32, #tpu.memory_space<hbm>>
    %dma_wait3A_34 = arith.constant 0 : i32
    %dma_wait3A_35 = arith.constant 0 : i32
    %dma_wait3A_36 = tpu.memref_slice %arg12[%dma_wait3A, %dma_wait3A_34, %dma_wait3A_35] : memref<2x128x128xf32, #tpu.memory_space<vmem>> -> memref<1x128x128xf32, #tpu.memory_space<vmem>>
    %dma_wait3A_37 = tpu.memref_squeeze %dma_wait3A_36 : memref<1x128x128xf32, #tpu.memory_space<vmem>> -> memref<128x128xf32, #tpu.memory_space<vmem>>
    %dma_wait3A_38 = arith.constant 0 : i32
    %dma_wait3A_39 = arith.constant 0 : i32
    %dma_wait3A_40 = tpu.memref_slice %arg5[%mul3A_2, %dma_wait3A_38, %dma_wait3A_39] : memref<1024x256x128xf32, #tpu.memory_space<hbm>> -> memref<1x128x128xf32, #tpu.memory_space<hbm>>
    %dma_wait3A_41 = tpu.memref_squeeze %dma_wait3A_40 : memref<1x128x128xf32, #tpu.memory_space<hbm>> -> memref<128x128xf32, #tpu.memory_space<hbm>>
    tpu.wait_dma2 semaphore(%arg16 : memref<!tpu.dma_semaphore, #tpu.memory_space<semaphore_mem>>) src(%dma_wait3A_41 : memref<128x128xf32, #tpu.memory_space<hbm>>) dst(%dma_wait3A_37 : memref<128x128xf32, #tpu.memory_space<vmem>>)
    %dma_wait3A_42 = arith.constant 1 : i32
    %dma_wait3A_43 = arith.constant 0 : i32
    %dma_wait3A_44 = arith.constant 0 : i32
    %dma_wait3A_45 = tpu.memref_slice %arg12[%dma_wait3A_42, %dma_wait3A_43, %dma_wait3A_44] : memref<2x128x128xf32, #tpu.memory_space<vmem>> -> memref<1x128x128xf32, #tpu.memory_space<vmem>>
    %dma_wait3A_46 = tpu.memref_squeeze %dma_wait3A_45 : memref<1x128x128xf32, #tpu.memory_space<vmem>> -> memref<128x128xf32, #tpu.memory_space<vmem>>
    %dma_wait3A_47 = arith.constant 0 : i32
    %dma_wait3A_48 = arith.constant 0 : i32
    %dma_wait3A_49 = tpu.memref_slice %arg5[%mul3A_2, %dma_wait3A_47, %dma_wait3A_48] : memref<1024x256x128xf32, #tpu.memory_space<hbm>> -> memref<1x128x128xf32, #tpu.memory_space<hbm>>
    %dma_wait3A_50 = tpu.memref_squeeze %dma_wait3A_49 : memref<1x128x128xf32, #tpu.memory_space<hbm>> -> memref<128x128xf32, #tpu.memory_space<hbm>>
    %dma_wait3A_51 = arith.constant 0 : i32
    %dma_wait3A_52 = arith.constant 0 : i32
    %dma_wait3A_53 = tpu.memref_slice %arg12[%dma_wait3A_42, %dma_wait3A_51, %dma_wait3A_52] : memref<2x128x128xf32, #tpu.memory_space<vmem>> -> memref<1x128x128xf32, #tpu.memory_space<vmem>>
    %dma_wait3A_54 = tpu.memref_squeeze %dma_wait3A_53 : memref<1x128x128xf32, #tpu.memory_space<vmem>> -> memref<128x128xf32, #tpu.memory_space<vmem>>
    %dma_wait3A_55 = arith.constant 0 : i32
    %dma_wait3A_56 = arith.constant 0 : i32
    %dma_wait3A_57 = tpu.memref_slice %arg5[%mul3A_2, %dma_wait3A_55, %dma_wait3A_56] : memref<1024x256x128xf32, #tpu.memory_space<hbm>> -> memref<1x128x128xf32, #tpu.memory_space<hbm>>
    %dma_wait3A_58 = tpu.memref_squeeze %dma_wait3A_57 : memref<1x128x128xf32, #tpu.memory_space<hbm>> -> memref<128x128xf32, #tpu.memory_space<hbm>>
    tpu.wait_dma2 semaphore(%arg16 : memref<!tpu.dma_semaphore, #tpu.memory_space<semaphore_mem>>) src(%dma_wait3A_58 : memref<128x128xf32, #tpu.memory_space<hbm>>) dst(%dma_wait3A_54 : memref<128x128xf32, #tpu.memory_space<vmem>>)
    %dma_wait3A_59 = arith.constant 0 : i32
    %dma_wait3A_60 = arith.constant 0 : i32
    %dma_wait3A_61 = tpu.memref_slice %arg4[%dma_wait3A_59, %dma_wait3A_60] : memref<40000x128xf32, #tpu.memory_space<hbm>> -> memref<128x128xf32, #tpu.memory_space<hbm>>
    %dma_wait3A_62 = arith.constant 0 : i32
    %dma_wait3A_63 = arith.constant 0 : i32
    %dma_wait3A_64 = tpu.memref_slice %arg4[%dma_wait3A_62, %dma_wait3A_63] : memref<40000x128xf32, #tpu.memory_space<hbm>> -> memref<128x128xf32, #tpu.memory_space<hbm>>
    tpu.wait_dma2 semaphore(%arg13 : memref<!tpu.dma_semaphore, #tpu.memory_space<semaphore_mem>>) src(%dma_wait3A_64 : memref<128x128xf32, #tpu.memory_space<hbm>>) dst(%arg8 : memref<128x128xf32, #tpu.memory_space<vmem>>)
    %dma_wait3A_65 = arith.constant 0 : i32
    %dma_wait3A_66 = arith.constant 0 : i32
    %dma_wait3A_67 = tpu.memref_slice %arg4[%dma_wait3A_65, %dma_wait3A_66] : memref<40000x128xf32, #tpu.memory_space<hbm>> -> memref<128x128xf32, #tpu.memory_space<hbm>>
    %dma_wait3A_68 = arith.constant 0 : i32
    %dma_wait3A_69 = arith.constant 0 : i32
    %dma_wait3A_70 = tpu.memref_slice %arg4[%dma_wait3A_68, %dma_wait3A_69] : memref<40000x128xf32, #tpu.memory_space<hbm>> -> memref<128x128xf32, #tpu.memory_space<hbm>>
    tpu.wait_dma2 semaphore(%arg13 : memref<!tpu.dma_semaphore, #tpu.memory_space<semaphore_mem>>) src(%dma_wait3A_70 : memref<128x128xf32, #tpu.memory_space<hbm>>) dst(%arg9 : memref<128x128xf32, #tpu.memory_space<vmem>>)
    return
  }
}

module attributes {stable_mosaic.version = 14 : i64} {
  func.func @_coords_body(%arg0: memref<1024x4xf32, #tpu.memory_space<vmem>>, %arg1: memref<1024x8x128xi32, #tpu.memory_space<vmem>>, %arg2: memref<1024x8x128xf32, #tpu.memory_space<vmem>>) attributes {dimension_semantics = [], scalar_prefetch = 0 : i64, scratch_operands = 0 : i64, tpu.core_type = #tpu.core_type<tc>} {
    %get3A = arith.constant 0 : index
    %get3A_0 = arith.constant 0 : index
    %get3A_1 = vector.load %arg0[%get3A, %get3A_0] : memref<1024x4xf32, #tpu.memory_space<vmem>>, vector<1024x4xf32>
    %slice3A = vector.extract_strided_slice %get3A_1 {offsets = [0, 0], sizes = [1024, 1], strides = [1, 1]} : vector<1024x4xf32> to vector<1024x1xf32>
    %slice3A_2 = vector.extract_strided_slice %get3A_1 {offsets = [0, 1], sizes = [1024, 1], strides = [1, 1]} : vector<1024x4xf32> to vector<1024x1xf32>
    %slice3A_3 = vector.extract_strided_slice %get3A_1 {offsets = [0, 2], sizes = [1024, 1], strides = [1, 1]} : vector<1024x4xf32> to vector<1024x1xf32>
    %slice3A_4 = vector.extract_strided_slice %get3A_1 {offsets = [0, 3], sizes = [1024, 1], strides = [1, 1]} : vector<1024x4xf32> to vector<1024x1xf32>
    %sub3A = arith.subf %slice3A_3, %slice3A : vector<1024x1xf32>
    %sub3A_5 = arith.subf %slice3A_4, %slice3A_2 : vector<1024x1xf32>
    %mul3A = arith.constant 4.000000e+00 : f32
    %mul3A_6 = vector.broadcast %mul3A : f32 to vector<1024x1xf32>
    %mul3A_7 = arith.mulf %mul3A_6, %sub3A_5 : vector<1024x1xf32>
    %div3A = arith.divf %mul3A_7, %sub3A : vector<1024x1xf32>
    %gt3A = arith.constant 1.000000e+00 : f32
    %gt3A_8 = vector.broadcast %gt3A : f32 to vector<1024x1xf32>
    %gt3A_9 = arith.cmpf ogt, %div3A, %gt3A_8 : vector<1024x1xf32>
    %sub3A_10 = arith.constant 1.000000e+00 : f32
    %sub3A_11 = vector.broadcast %sub3A_10 : f32 to vector<1024x1xf32>
    %sub3A_12 = arith.subf %div3A, %sub3A_11 : vector<1024x1xf32>
    %mul3A_13 = arith.mulf %sub3A, %sub3A_12 : vector<1024x1xf32>
    %mul3A_14 = arith.constant 5.000000e-01 : f32
    %mul3A_15 = vector.broadcast %mul3A_14 : f32 to vector<1024x1xf32>
    %mul3A_16 = arith.mulf %mul3A_13, %mul3A_15 : vector<1024x1xf32>
    %sub3A_17 = arith.subf %slice3A, %mul3A_16 : vector<1024x1xf32>
    %select_n3A = arith.select %gt3A_9, %sub3A_17, %slice3A : vector<1024x1xi1>, vector<1024x1xf32>
    %add3A = arith.addf %slice3A_3, %mul3A_16 : vector<1024x1xf32>
    %select_n3A_18 = arith.select %gt3A_9, %add3A, %slice3A_3 : vector<1024x1xi1>, vector<1024x1xf32>
    %sub3A_19 = arith.subf %select_n3A_18, %select_n3A : vector<1024x1xf32>
    %div3A_20 = arith.constant 3.200000e+01 : f32
    %div3A_21 = vector.broadcast %div3A_20 : f32 to vector<1024x1xf32>
    %div3A_22 = arith.divf %sub3A_19, %div3A_21 : vector<1024x1xf32>
    %div3A_23 = arith.constant 8.000000e+00 : f32
    %div3A_24 = vector.broadcast %div3A_23 : f32 to vector<1024x1xf32>
    %div3A_25 = arith.divf %sub3A_5, %div3A_24 : vector<1024x1xf32>
    %iota3A = tpu.iota {dimensions = array<i32: 1>} : vector<1024x256xi32>
    %jit3A = arith.constant 32 : i32
    %eq3A = arith.constant 0 : i32
    %eq3A_26 = arith.cmpi eq, %jit3A, %eq3A : i32
    %jit3A_27 = arith.constant 1 : i32
    %select_n3A_28 = arith.select %eq3A_26, %jit3A_27, %jit3A : i32
    %rem3A = vector.broadcast %select_n3A_28 : i32 to vector<1024x256xi32>
    %rem3A_29 = arith.remsi %iota3A, %rem3A : vector<1024x256xi32>
    %ne3A = arith.constant 0 : i32
    %ne3A_30 = vector.broadcast %ne3A : i32 to vector<1024x256xi32>
    %ne3A_31 = arith.cmpi ne, %rem3A_29, %ne3A_30 : vector<1024x256xi32>
    %lt3A = arith.constant 0 : i32
    %lt3A_32 = vector.broadcast %lt3A : i32 to vector<1024x256xi32>
    %lt3A_33 = arith.cmpi slt, %rem3A_29, %lt3A_32 : vector<1024x256xi32>
    %lt3A_34 = arith.constant 0 : i32
    %lt3A_35 = arith.cmpi slt, %select_n3A_28, %lt3A_34 : i32
    %ne3A_36 = vector.broadcast %lt3A_35 : i1 to vector<1024x256xi1>
    %ne3A_37 = vector.broadcast %ne3A_36 : vector<1024x256xi1> to vector<1024x256xi1>
    %ne3A_38 = arith.xori %lt3A_33, %ne3A_37 : vector<1024x256xi1>
    %and3A = arith.andi %ne3A_38, %ne3A_31 : vector<1024x256xi1>
    %add3A_39 = vector.broadcast %select_n3A_28 : i32 to vector<1024x256xi32>
    %add3A_40 = arith.addi %rem3A_29, %add3A_39 : vector<1024x256xi32>
    %select_n3A_41 = arith.select %and3A, %add3A_40, %rem3A_29 : vector<1024x256xi1>, vector<1024x256xi32>
    %convert_element_type3A = arith.sitofp %select_n3A_41 : vector<1024x256xi32> to vector<1024x256xf32>
    %jit3A_42 = arith.constant 32 : i32
    %div3A_43 = vector.broadcast %jit3A_42 : i32 to vector<1024x256xi32>
    %div3A_44 = arith.divsi %iota3A, %div3A_43 : vector<1024x256xi32>
    %sign3A = arith.constant 0 : i32
    %sign3A_45 = vector.broadcast %sign3A : i32 to vector<1024x256xi32>
    %sign3A_46 = arith.cmpi sgt, %iota3A, %sign3A_45 : vector<1024x256xi32>
    %sign3A_47 = arith.extui %sign3A_46 : vector<1024x256xi1> to vector<1024x256xi32>
    %sign3A_48 = arith.constant 0 : i32
    %sign3A_49 = vector.broadcast %sign3A_48 : i32 to vector<1024x256xi32>
    %sign3A_50 = arith.cmpi slt, %iota3A, %sign3A_49 : vector<1024x256xi32>
    %sign3A_51 = arith.extui %sign3A_50 : vector<1024x256xi1> to vector<1024x256xi32>
    %sign3A_52 = arith.subi %sign3A_47, %sign3A_51 : vector<1024x256xi32>
    %sign3A_53 = arith.constant 0 : i32
    %sign3A_54 = arith.cmpi sgt, %jit3A_42, %sign3A_53 : i32
    %sign3A_55 = arith.extui %sign3A_54 : i1 to i32
    %sign3A_56 = arith.constant 0 : i32
    %sign3A_57 = arith.cmpi slt, %jit3A_42, %sign3A_56 : i32
    %sign3A_58 = arith.extui %sign3A_57 : i1 to i32
    %sign3A_59 = arith.subi %sign3A_55, %sign3A_58 : i32
    %ne3A_60 = vector.broadcast %sign3A_59 : i32 to vector<1024x256xi32>
    %ne3A_61 = arith.cmpi ne, %sign3A_52, %ne3A_60 : vector<1024x256xi32>
    %rem3A_62 = vector.broadcast %jit3A_42 : i32 to vector<1024x256xi32>
    %rem3A_63 = arith.remsi %iota3A, %rem3A_62 : vector<1024x256xi32>
    %ne3A_64 = arith.constant 0 : i32
    %ne3A_65 = vector.broadcast %ne3A_64 : i32 to vector<1024x256xi32>
    %ne3A_66 = arith.cmpi ne, %rem3A_63, %ne3A_65 : vector<1024x256xi32>
    %and3A_67 = arith.andi %ne3A_61, %ne3A_66 : vector<1024x256xi1>
    %sub3A_68 = arith.constant 1 : i32
    %sub3A_69 = vector.broadcast %sub3A_68 : i32 to vector<1024x256xi32>
    %sub3A_70 = arith.subi %div3A_44, %sub3A_69 : vector<1024x256xi32>
    %select_n3A_71 = arith.select %and3A_67, %sub3A_70, %div3A_44 : vector<1024x256xi1>, vector<1024x256xi32>
    %convert_element_type3A_72 = arith.sitofp %select_n3A_71 : vector<1024x256xi32> to vector<1024x256xf32>
    %add3A_73 = arith.constant 5.000000e-01 : f32
    %add3A_74 = vector.broadcast %add3A_73 : f32 to vector<1024x256xf32>
    %add3A_75 = arith.addf %convert_element_type3A, %add3A_74 : vector<1024x256xf32>
    %mul3A_76 = vector.broadcast %div3A_22 : vector<1024x1xf32> to vector<1024x256xf32>
    %mul3A_77 = arith.mulf %add3A_75, %mul3A_76 : vector<1024x256xf32>
    %add3A_78 = vector.broadcast %select_n3A : vector<1024x1xf32> to vector<1024x256xf32>
    %add3A_79 = arith.addf %add3A_78, %mul3A_77 : vector<1024x256xf32>
    %add3A_80 = arith.constant 5.000000e-01 : f32
    %add3A_81 = vector.broadcast %add3A_80 : f32 to vector<1024x256xf32>
    %add3A_82 = arith.addf %convert_element_type3A_72, %add3A_81 : vector<1024x256xf32>
    %mul3A_83 = vector.broadcast %div3A_25 : vector<1024x1xf32> to vector<1024x256xf32>
    %mul3A_84 = arith.mulf %add3A_82, %mul3A_83 : vector<1024x256xf32>
    %add3A_85 = vector.broadcast %slice3A_2 : vector<1024x1xf32> to vector<1024x256xf32>
    %add3A_86 = arith.addf %add3A_85, %mul3A_84 : vector<1024x256xf32>
    %floor3A = math.floor %add3A_79 : vector<1024x256xf32>
    %floor3A_87 = math.floor %add3A_86 : vector<1024x256xf32>
    %sub3A_88 = arith.subf %add3A_79, %floor3A : vector<1024x256xf32>
    %sub3A_89 = arith.subf %add3A_86, %floor3A_87 : vector<1024x256xf32>
    %convert_element_type3A_90 = arith.fptosi %floor3A : vector<1024x256xf32> to vector<1024x256xi32>
    %jit3A_91 = arith.constant 0 : i32
    %jit3A_92 = arith.constant 199 : i32
    %max3A = vector.broadcast %jit3A_91 : i32 to vector<1024x256xi32>
    %max3A_93 = arith.maxsi %max3A, %convert_element_type3A_90 : vector<1024x256xi32>
    %min3A = vector.broadcast %jit3A_92 : i32 to vector<1024x256xi32>
    %min3A_94 = arith.minsi %min3A, %max3A_93 : vector<1024x256xi32>
    %add3A_95 = arith.constant 1 : i32
    %add3A_96 = vector.broadcast %add3A_95 : i32 to vector<1024x256xi32>
    %add3A_97 = arith.addi %min3A_94, %add3A_96 : vector<1024x256xi32>
    %min3A_98 = arith.constant 199 : i32
    %min3A_99 = vector.broadcast %min3A_98 : i32 to vector<1024x256xi32>
    %min3A_100 = arith.minsi %add3A_97, %min3A_99 : vector<1024x256xi32>
    %convert_element_type3A_101 = arith.fptosi %floor3A_87 : vector<1024x256xf32> to vector<1024x256xi32>
    %jit3A_102 = arith.constant 0 : i32
    %jit3A_103 = arith.constant 199 : i32
    %max3A_104 = vector.broadcast %jit3A_102 : i32 to vector<1024x256xi32>
    %max3A_105 = arith.maxsi %max3A_104, %convert_element_type3A_101 : vector<1024x256xi32>
    %min3A_106 = vector.broadcast %jit3A_103 : i32 to vector<1024x256xi32>
    %min3A_107 = arith.minsi %min3A_106, %max3A_105 : vector<1024x256xi32>
    %add3A_108 = arith.constant 1 : i32
    %add3A_109 = vector.broadcast %add3A_108 : i32 to vector<1024x256xi32>
    %add3A_110 = arith.addi %min3A_107, %add3A_109 : vector<1024x256xi32>
    %min3A_111 = arith.constant 199 : i32
    %min3A_112 = vector.broadcast %min3A_111 : i32 to vector<1024x256xi32>
    %min3A_113 = arith.minsi %add3A_110, %min3A_112 : vector<1024x256xi32>
    %mul3A_114 = arith.constant 200 : i32
    %mul3A_115 = vector.broadcast %mul3A_114 : i32 to vector<1024x256xi32>
    %mul3A_116 = arith.muli %min3A_107, %mul3A_115 : vector<1024x256xi32>
    %add3A_117 = arith.addi %mul3A_116, %min3A_94 : vector<1024x256xi32>
    %mul3A_118 = arith.constant 200 : i32
    %mul3A_119 = vector.broadcast %mul3A_118 : i32 to vector<1024x256xi32>
    %mul3A_120 = arith.muli %min3A_113, %mul3A_119 : vector<1024x256xi32>
    %add3A_121 = arith.addi %mul3A_120, %min3A_94 : vector<1024x256xi32>
    %sub3A_122 = arith.constant 1.000000e+00 : f32
    %sub3A_123 = vector.broadcast %sub3A_122 : f32 to vector<1024x1xf32>
    %sub3A_124 = arith.subf %div3A, %sub3A_123 : vector<1024x1xf32>
    %div3A_125 = arith.divf %sub3A_124, %div3A : vector<1024x1xf32>
    %mul3A_126 = arith.constant 1.600000e+01 : f32
    %mul3A_127 = vector.broadcast %mul3A_126 : f32 to vector<1024x1xf32>
    %mul3A_128 = arith.mulf %div3A_125, %mul3A_127 : vector<1024x1xf32>
    %ge3A = vector.broadcast %mul3A_128 : vector<1024x1xf32> to vector<1024x256xf32>
    %ge3A_129 = arith.cmpf oge, %convert_element_type3A, %ge3A : vector<1024x256xf32>
    %sub3A_130 = arith.constant 3.200000e+01 : f32
    %sub3A_131 = vector.broadcast %sub3A_130 : f32 to vector<1024x1xf32>
    %sub3A_132 = arith.subf %sub3A_131, %mul3A_128 : vector<1024x1xf32>
    %lt3A_133 = vector.broadcast %sub3A_132 : vector<1024x1xf32> to vector<1024x256xf32>
    %lt3A_134 = arith.cmpf olt, %convert_element_type3A, %lt3A_133 : vector<1024x256xf32>
    %and3A_135 = arith.andi %ge3A_129, %lt3A_134 : vector<1024x256xi1>
    %not3A = arith.constant dense<true> : vector<1024x256xi1>
    %not3A_136 = arith.xori %and3A_135, %not3A : vector<1024x256xi1>
    %and3A_137 = vector.broadcast %gt3A_9 : vector<1024x1xi1> to vector<1024x256xi1>
    %and3A_138 = arith.andi %and3A_137, %not3A_136 : vector<1024x256xi1>
    %jit3A_139 = arith.constant 0.000000e+00 : f32
    %jit3A_140 = arith.constant 1.000000e+00 : f32
    %broadcast_in_dim3A = vector.broadcast %jit3A_139 : f32 to vector<1024x256xf32>
    %broadcast_in_dim3A_141 = vector.broadcast %jit3A_140 : f32 to vector<1024x256xf32>
    %select_n3A_142 = arith.select %and3A_138, %broadcast_in_dim3A, %broadcast_in_dim3A_141 : vector<1024x256xi1>, vector<1024x256xf32>
    %sub3A_143 = arith.constant 1.000000e+00 : f32
    %sub3A_144 = vector.broadcast %sub3A_143 : f32 to vector<1024x256xf32>
    %sub3A_145 = arith.subf %sub3A_144, %sub3A_89 : vector<1024x256xf32>
    %sub3A_146 = arith.constant 1.000000e+00 : f32
    %sub3A_147 = vector.broadcast %sub3A_146 : f32 to vector<1024x256xf32>
    %sub3A_148 = arith.subf %sub3A_147, %sub3A_88 : vector<1024x256xf32>
    %mul3A_149 = arith.mulf %sub3A_145, %sub3A_148 : vector<1024x256xf32>
    %mul3A_150 = arith.mulf %mul3A_149, %select_n3A_142 : vector<1024x256xf32>
    %sub3A_151 = arith.constant 1.000000e+00 : f32
    %sub3A_152 = vector.broadcast %sub3A_151 : f32 to vector<1024x256xf32>
    %sub3A_153 = arith.subf %sub3A_152, %sub3A_89 : vector<1024x256xf32>
    %mul3A_154 = arith.mulf %sub3A_153, %sub3A_88 : vector<1024x256xf32>
    %mul3A_155 = arith.mulf %mul3A_154, %select_n3A_142 : vector<1024x256xf32>
    %sub3A_156 = arith.constant 1.000000e+00 : f32
    %sub3A_157 = vector.broadcast %sub3A_156 : f32 to vector<1024x256xf32>
    %sub3A_158 = arith.subf %sub3A_157, %sub3A_88 : vector<1024x256xf32>
    %mul3A_159 = arith.mulf %sub3A_89, %sub3A_158 : vector<1024x256xf32>
    %mul3A_160 = arith.mulf %mul3A_159, %select_n3A_142 : vector<1024x256xf32>
    %mul3A_161 = arith.mulf %sub3A_89, %sub3A_88 : vector<1024x256xf32>
    %mul3A_162 = arith.mulf %mul3A_161, %select_n3A_142 : vector<1024x256xf32>
    %eq3A_163 = arith.cmpi eq, %min3A_100, %min3A_94 : vector<1024x256xi32>
    %add3A_164 = arith.addf %mul3A_150, %mul3A_155 : vector<1024x256xf32>
    %select_n3A_165 = arith.select %eq3A_163, %add3A_164, %mul3A_150 : vector<1024x256xi1>, vector<1024x256xf32>
    %jit3A_166 = arith.constant 0.000000e+00 : f32
    %broadcast_in_dim3A_167 = vector.broadcast %jit3A_166 : f32 to vector<1024x256xf32>
    %select_n3A_168 = arith.select %eq3A_163, %broadcast_in_dim3A_167, %mul3A_155 : vector<1024x256xi1>, vector<1024x256xf32>
    %add3A_169 = arith.addf %mul3A_160, %mul3A_162 : vector<1024x256xf32>
    %select_n3A_170 = arith.select %eq3A_163, %add3A_169, %mul3A_160 : vector<1024x256xi1>, vector<1024x256xf32>
    %jit3A_171 = arith.constant 0.000000e+00 : f32
    %broadcast_in_dim3A_172 = vector.broadcast %jit3A_171 : f32 to vector<1024x256xf32>
    %select_n3A_173 = arith.select %eq3A_163, %broadcast_in_dim3A_172, %mul3A_162 : vector<1024x256xi1>, vector<1024x256xf32>
    %convert_element_type3A_174 = arith.truncf %select_n3A_165 : vector<1024x256xf32> to vector<1024x256xbf16>
    %bitcast_convert_type3A = tpu.bitcast %convert_element_type3A_174 : vector<1024x256xbf16> -> vector<1024x256xi16>
    %convert_element_type3A_175 = arith.extui %bitcast_convert_type3A : vector<1024x256xi16> to vector<1024x256xi32>
    %convert_element_type3A_176 = arith.truncf %select_n3A_168 : vector<1024x256xf32> to vector<1024x256xbf16>
    %bitcast_convert_type3A_177 = tpu.bitcast %convert_element_type3A_176 : vector<1024x256xbf16> -> vector<1024x256xi16>
    %convert_element_type3A_178 = arith.extui %bitcast_convert_type3A_177 : vector<1024x256xi16> to vector<1024x256xi32>
    %shift_left3A = arith.constant 16 : i32
    %shift_left3A_179 = vector.broadcast %shift_left3A : i32 to vector<1024x256xi32>
    %shift_left3A_180 = arith.shli %convert_element_type3A_178, %shift_left3A_179 : vector<1024x256xi32>
    %or3A = arith.ori %convert_element_type3A_175, %shift_left3A_180 : vector<1024x256xi32>
    %bitcast_convert_type3A_181 = tpu.bitcast %or3A : vector<1024x256xi32> -> vector<1024x256xf32>
    %convert_element_type3A_182 = arith.truncf %select_n3A_170 : vector<1024x256xf32> to vector<1024x256xbf16>
    %bitcast_convert_type3A_183 = tpu.bitcast %convert_element_type3A_182 : vector<1024x256xbf16> -> vector<1024x256xi16>
    %convert_element_type3A_184 = arith.extui %bitcast_convert_type3A_183 : vector<1024x256xi16> to vector<1024x256xi32>
    %convert_element_type3A_185 = arith.truncf %select_n3A_173 : vector<1024x256xf32> to vector<1024x256xbf16>
    %bitcast_convert_type3A_186 = tpu.bitcast %convert_element_type3A_185 : vector<1024x256xbf16> -> vector<1024x256xi16>
    %convert_element_type3A_187 = arith.extui %bitcast_convert_type3A_186 : vector<1024x256xi16> to vector<1024x256xi32>
    %shift_left3A_188 = arith.constant 16 : i32
    %shift_left3A_189 = vector.broadcast %shift_left3A_188 : i32 to vector<1024x256xi32>
    %shift_left3A_190 = arith.shli %convert_element_type3A_187, %shift_left3A_189 : vector<1024x256xi32>
    %or3A_191 = arith.ori %convert_element_type3A_184, %shift_left3A_190 : vector<1024x256xi32>
    %bitcast_convert_type3A_192 = tpu.bitcast %or3A_191 : vector<1024x256xi32> -> vector<1024x256xf32>
    %slice3A_193 = vector.extract_strided_slice %add3A_117 {offsets = [0, 0], sizes = [1024, 128], strides = [1, 1]} : vector<1024x256xi32> to vector<1024x128xi32>
    %swap3A = arith.constant 0 : index
    %swap3A_194 = arith.constant 0 : index
    %swap3A_195 = arith.constant 0 : index
    %swap3A_196 = vector.load %arg1[%swap3A, %swap3A_194, %swap3A_195] : memref<1024x8x128xi32, #tpu.memory_space<vmem>>, vector<1024x1x128xi32>
    %swap3A_197 = vector.shape_cast %swap3A_196 : vector<1024x1x128xi32> to vector<1024x128xi32>
    %swap3A_198 = vector.shape_cast %slice3A_193 : vector<1024x128xi32> to vector<1024x1x128xi32>
    tpu.vector_store %arg1[%swap3A, %swap3A_194, %swap3A_195], %swap3A_198 {strides = array<i32>} : memref<1024x8x128xi32, #tpu.memory_space<vmem>>, vector<1024x1x128xi32>,
    %slice3A_199 = vector.extract_strided_slice %bitcast_convert_type3A_181 {offsets = [0, 0], sizes = [1024, 128], strides = [1, 1]} : vector<1024x256xf32> to vector<1024x128xf32>
    %swap3A_200 = arith.constant 0 : index
    %swap3A_201 = arith.constant 0 : index
    %swap3A_202 = arith.constant 0 : index
    %swap3A_203 = vector.load %arg2[%swap3A_200, %swap3A_201, %swap3A_202] : memref<1024x8x128xf32, #tpu.memory_space<vmem>>, vector<1024x1x128xf32>
    %swap3A_204 = vector.shape_cast %swap3A_203 : vector<1024x1x128xf32> to vector<1024x128xf32>
    %swap3A_205 = vector.shape_cast %slice3A_199 : vector<1024x128xf32> to vector<1024x1x128xf32>
    tpu.vector_store %arg2[%swap3A_200, %swap3A_201, %swap3A_202], %swap3A_205 {strides = array<i32>} : memref<1024x8x128xf32, #tpu.memory_space<vmem>>, vector<1024x1x128xf32>,
    %slice3A_206 = vector.extract_strided_slice %add3A_117 {offsets = [0, 128], sizes = [1024, 128], strides = [1, 1]} : vector<1024x256xi32> to vector<1024x128xi32>
    %swap3A_207 = arith.constant 0 : index
    %swap3A_208 = arith.constant 1 : index
    %swap3A_209 = arith.constant 0 : index
    %swap3A_210 = vector.load %arg1[%swap3A_207, %swap3A_208, %swap3A_209] : memref<1024x8x128xi32, #tpu.memory_space<vmem>>, vector<1024x1x128xi32>
    %swap3A_211 = vector.shape_cast %swap3A_210 : vector<1024x1x128xi32> to vector<1024x128xi32>
    %swap3A_212 = vector.shape_cast %slice3A_206 : vector<1024x128xi32> to vector<1024x1x128xi32>
    tpu.vector_store %arg1[%swap3A_207, %swap3A_208, %swap3A_209], %swap3A_212 {strides = array<i32>} : memref<1024x8x128xi32, #tpu.memory_space<vmem>>, vector<1024x1x128xi32>,
    %slice3A_213 = vector.extract_strided_slice %bitcast_convert_type3A_181 {offsets = [0, 128], sizes = [1024, 128], strides = [1, 1]} : vector<1024x256xf32> to vector<1024x128xf32>
    %swap3A_214 = arith.constant 0 : index
    %swap3A_215 = arith.constant 1 : index
    %swap3A_216 = arith.constant 0 : index
    %swap3A_217 = vector.load %arg2[%swap3A_214, %swap3A_215, %swap3A_216] : memref<1024x8x128xf32, #tpu.memory_space<vmem>>, vector<1024x1x128xf32>
    %swap3A_218 = vector.shape_cast %swap3A_217 : vector<1024x1x128xf32> to vector<1024x128xf32>
    %swap3A_219 = vector.shape_cast %slice3A_213 : vector<1024x128xf32> to vector<1024x1x128xf32>
    tpu.vector_store %arg2[%swap3A_214, %swap3A_215, %swap3A_216], %swap3A_219 {strides = array<i32>} : memref<1024x8x128xf32, #tpu.memory_space<vmem>>, vector<1024x1x128xf32>,
    %slice3A_220 = vector.extract_strided_slice %add3A_121 {offsets = [0, 0], sizes = [1024, 128], strides = [1, 1]} : vector<1024x256xi32> to vector<1024x128xi32>
    %swap3A_221 = arith.constant 0 : index
    %swap3A_222 = arith.constant 2 : index
    %swap3A_223 = arith.constant 0 : index
    %swap3A_224 = vector.load %arg1[%swap3A_221, %swap3A_222, %swap3A_223] : memref<1024x8x128xi32, #tpu.memory_space<vmem>>, vector<1024x1x128xi32>
    %swap3A_225 = vector.shape_cast %swap3A_224 : vector<1024x1x128xi32> to vector<1024x128xi32>
    %swap3A_226 = vector.shape_cast %slice3A_220 : vector<1024x128xi32> to vector<1024x1x128xi32>
    tpu.vector_store %arg1[%swap3A_221, %swap3A_222, %swap3A_223], %swap3A_226 {strides = array<i32>} : memref<1024x8x128xi32, #tpu.memory_space<vmem>>, vector<1024x1x128xi32>,
    %slice3A_227 = vector.extract_strided_slice %bitcast_convert_type3A_192 {offsets = [0, 0], sizes = [1024, 128], strides = [1, 1]} : vector<1024x256xf32> to vector<1024x128xf32>
    %swap3A_228 = arith.constant 0 : index
    %swap3A_229 = arith.constant 2 : index
    %swap3A_230 = arith.constant 0 : index
    %swap3A_231 = vector.load %arg2[%swap3A_228, %swap3A_229, %swap3A_230] : memref<1024x8x128xf32, #tpu.memory_space<vmem>>, vector<1024x1x128xf32>
    %swap3A_232 = vector.shape_cast %swap3A_231 : vector<1024x1x128xf32> to vector<1024x128xf32>
    %swap3A_233 = vector.shape_cast %slice3A_227 : vector<1024x128xf32> to vector<1024x1x128xf32>
    tpu.vector_store %arg2[%swap3A_228, %swap3A_229, %swap3A_230], %swap3A_233 {strides = array<i32>} : memref<1024x8x128xf32, #tpu.memory_space<vmem>>, vector<1024x1x128xf32>,
    %slice3A_234 = vector.extract_strided_slice %add3A_121 {offsets = [0, 128], sizes = [1024, 128], strides = [1, 1]} : vector<1024x256xi32> to vector<1024x128xi32>
    %swap3A_235 = arith.constant 0 : index
    %swap3A_236 = arith.constant 3 : index
    %swap3A_237 = arith.constant 0 : index
    %swap3A_238 = vector.load %arg1[%swap3A_235, %swap3A_236, %swap3A_237] : memref<1024x8x128xi32, #tpu.memory_space<vmem>>, vector<1024x1x128xi32>
    %swap3A_239 = vector.shape_cast %swap3A_238 : vector<1024x1x128xi32> to vector<1024x128xi32>
    %swap3A_240 = vector.shape_cast %slice3A_234 : vector<1024x128xi32> to vector<1024x1x128xi32>
    tpu.vector_store %arg1[%swap3A_235, %swap3A_236, %swap3A_237], %swap3A_240 {strides = array<i32>} : memref<1024x8x128xi32, #tpu.memory_space<vmem>>, vector<1024x1x128xi32>,
    %slice3A_241 = vector.extract_strided_slice %bitcast_convert_type3A_192 {offsets = [0, 128], sizes = [1024, 128], strides = [1, 1]} : vector<1024x256xf32> to vector<1024x128xf32>
    %swap3A_242 = arith.constant 0 : index
    %swap3A_243 = arith.constant 3 : index
    %swap3A_244 = arith.constant 0 : index
    %swap3A_245 = vector.load %arg2[%swap3A_242, %swap3A_243, %swap3A_244] : memref<1024x8x128xf32, #tpu.memory_space<vmem>>, vector<1024x1x128xf32>
    %swap3A_246 = vector.shape_cast %swap3A_245 : vector<1024x1x128xf32> to vector<1024x128xf32>
    %swap3A_247 = vector.shape_cast %slice3A_241 : vector<1024x128xf32> to vector<1024x1x128xf32>
    tpu.vector_store %arg2[%swap3A_242, %swap3A_243, %swap3A_244], %swap3A_247 {strides = array<i32>} : memref<1024x8x128xf32, #tpu.memory_space<vmem>>, vector<1024x1x128xf32>,
    %slice3A_248 = vector.extract_strided_slice %add3A_117 {offsets = [0, 0], sizes = [1024, 128], strides = [1, 1]} : vector<1024x256xi32> to vector<1024x128xi32>
    %swap3A_249 = arith.constant 0 : index
    %swap3A_250 = arith.constant 4 : index
    %swap3A_251 = arith.constant 0 : index
    %swap3A_252 = vector.load %arg1[%swap3A_249, %swap3A_250, %swap3A_251] : memref<1024x8x128xi32, #tpu.memory_space<vmem>>, vector<1024x1x128xi32>
    %swap3A_253 = vector.shape_cast %swap3A_252 : vector<1024x1x128xi32> to vector<1024x128xi32>
    %swap3A_254 = vector.shape_cast %slice3A_248 : vector<1024x128xi32> to vector<1024x1x128xi32>
    tpu.vector_store %arg1[%swap3A_249, %swap3A_250, %swap3A_251], %swap3A_254 {strides = array<i32>} : memref<1024x8x128xi32, #tpu.memory_space<vmem>>, vector<1024x1x128xi32>,
    %slice3A_255 = vector.extract_strided_slice %bitcast_convert_type3A_181 {offsets = [0, 0], sizes = [1024, 128], strides = [1, 1]} : vector<1024x256xf32> to vector<1024x128xf32>
    %swap3A_256 = arith.constant 0 : index
    %swap3A_257 = arith.constant 4 : index
    %swap3A_258 = arith.constant 0 : index
    %swap3A_259 = vector.load %arg2[%swap3A_256, %swap3A_257, %swap3A_258] : memref<1024x8x128xf32, #tpu.memory_space<vmem>>, vector<1024x1x128xf32>
    %swap3A_260 = vector.shape_cast %swap3A_259 : vector<1024x1x128xf32> to vector<1024x128xf32>
    %swap3A_261 = vector.shape_cast %slice3A_255 : vector<1024x128xf32> to vector<1024x1x128xf32>
    tpu.vector_store %arg2[%swap3A_256, %swap3A_257, %swap3A_258], %swap3A_261 {strides = array<i32>} : memref<1024x8x128xf32, #tpu.memory_space<vmem>>, vector<1024x1x128xf32>,
    %slice3A_262 = vector.extract_strided_slice %add3A_117 {offsets = [0, 128], sizes = [1024, 128], strides = [1, 1]} : vector<1024x256xi32> to vector<1024x128xi32>
    %swap3A_263 = arith.constant 0 : index
    %swap3A_264 = arith.constant 5 : index
    %swap3A_265 = arith.constant 0 : index
    %swap3A_266 = vector.load %arg1[%swap3A_263, %swap3A_264, %swap3A_265] : memref<1024x8x128xi32, #tpu.memory_space<vmem>>, vector<1024x1x128xi32>
    %swap3A_267 = vector.shape_cast %swap3A_266 : vector<1024x1x128xi32> to vector<1024x128xi32>
    %swap3A_268 = vector.shape_cast %slice3A_262 : vector<1024x128xi32> to vector<1024x1x128xi32>
    tpu.vector_store %arg1[%swap3A_263, %swap3A_264, %swap3A_265], %swap3A_268 {strides = array<i32>} : memref<1024x8x128xi32, #tpu.memory_space<vmem>>, vector<1024x1x128xi32>,
    %slice3A_269 = vector.extract_strided_slice %bitcast_convert_type3A_181 {offsets = [0, 128], sizes = [1024, 128], strides = [1, 1]} : vector<1024x256xf32> to vector<1024x128xf32>
    %swap3A_270 = arith.constant 0 : index
    %swap3A_271 = arith.constant 5 : index
    %swap3A_272 = arith.constant 0 : index
    %swap3A_273 = vector.load %arg2[%swap3A_270, %swap3A_271, %swap3A_272] : memref<1024x8x128xf32, #tpu.memory_space<vmem>>, vector<1024x1x128xf32>
    %swap3A_274 = vector.shape_cast %swap3A_273 : vector<1024x1x128xf32> to vector<1024x128xf32>
    %swap3A_275 = vector.shape_cast %slice3A_269 : vector<1024x128xf32> to vector<1024x1x128xf32>
    tpu.vector_store %arg2[%swap3A_270, %swap3A_271, %swap3A_272], %swap3A_275 {strides = array<i32>} : memref<1024x8x128xf32, #tpu.memory_space<vmem>>, vector<1024x1x128xf32>,
    %slice3A_276 = vector.extract_strided_slice %add3A_121 {offsets = [0, 0], sizes = [1024, 128], strides = [1, 1]} : vector<1024x256xi32> to vector<1024x128xi32>
    %swap3A_277 = arith.constant 0 : index
    %swap3A_278 = arith.constant 6 : index
    %swap3A_279 = arith.constant 0 : index
    %swap3A_280 = vector.load %arg1[%swap3A_277, %swap3A_278, %swap3A_279] : memref<1024x8x128xi32, #tpu.memory_space<vmem>>, vector<1024x1x128xi32>
    %swap3A_281 = vector.shape_cast %swap3A_280 : vector<1024x1x128xi32> to vector<1024x128xi32>
    %swap3A_282 = vector.shape_cast %slice3A_276 : vector<1024x128xi32> to vector<1024x1x128xi32>
    tpu.vector_store %arg1[%swap3A_277, %swap3A_278, %swap3A_279], %swap3A_282 {strides = array<i32>} : memref<1024x8x128xi32, #tpu.memory_space<vmem>>, vector<1024x1x128xi32>,
    %slice3A_283 = vector.extract_strided_slice %bitcast_convert_type3A_192 {offsets = [0, 0], sizes = [1024, 128], strides = [1, 1]} : vector<1024x256xf32> to vector<1024x128xf32>
    %swap3A_284 = arith.constant 0 : index
    %swap3A_285 = arith.constant 6 : index
    %swap3A_286 = arith.constant 0 : index
    %swap3A_287 = vector.load %arg2[%swap3A_284, %swap3A_285, %swap3A_286] : memref<1024x8x128xf32, #tpu.memory_space<vmem>>, vector<1024x1x128xf32>
    %swap3A_288 = vector.shape_cast %swap3A_287 : vector<1024x1x128xf32> to vector<1024x128xf32>
    %swap3A_289 = vector.shape_cast %slice3A_283 : vector<1024x128xf32> to vector<1024x1x128xf32>
    tpu.vector_store %arg2[%swap3A_284, %swap3A_285, %swap3A_286], %swap3A_289 {strides = array<i32>} : memref<1024x8x128xf32, #tpu.memory_space<vmem>>, vector<1024x1x128xf32>,
    %slice3A_290 = vector.extract_strided_slice %add3A_121 {offsets = [0, 128], sizes = [1024, 128], strides = [1, 1]} : vector<1024x256xi32> to vector<1024x128xi32>
    %swap3A_291 = arith.constant 0 : index
    %swap3A_292 = arith.constant 7 : index
    %swap3A_293 = arith.constant 0 : index
    %swap3A_294 = vector.load %arg1[%swap3A_291, %swap3A_292, %swap3A_293] : memref<1024x8x128xi32, #tpu.memory_space<vmem>>, vector<1024x1x128xi32>
    %swap3A_295 = vector.shape_cast %swap3A_294 : vector<1024x1x128xi32> to vector<1024x128xi32>
    %swap3A_296 = vector.shape_cast %slice3A_290 : vector<1024x128xi32> to vector<1024x1x128xi32>
    tpu.vector_store %arg1[%swap3A_291, %swap3A_292, %swap3A_293], %swap3A_296 {strides = array<i32>} : memref<1024x8x128xi32, #tpu.memory_space<vmem>>, vector<1024x1x128xi32>,
    %slice3A_297 = vector.extract_strided_slice %bitcast_convert_type3A_192 {offsets = [0, 128], sizes = [1024, 128], strides = [1, 1]} : vector<1024x256xf32> to vector<1024x128xf32>
    %swap3A_298 = arith.constant 0 : index
    %swap3A_299 = arith.constant 7 : index
    %swap3A_300 = arith.constant 0 : index
    %swap3A_301 = vector.load %arg2[%swap3A_298, %swap3A_299, %swap3A_300] : memref<1024x8x128xf32, #tpu.memory_space<vmem>>, vector<1024x1x128xf32>
    %swap3A_302 = vector.shape_cast %swap3A_301 : vector<1024x1x128xf32> to vector<1024x128xf32>
    %swap3A_303 = vector.shape_cast %slice3A_297 : vector<1024x128xf32> to vector<1024x1x128xf32>
    tpu.vector_store %arg2[%swap3A_298, %swap3A_299, %swap3A_300], %swap3A_303 {strides = array<i32>} : memref<1024x8x128xf32, #tpu.memory_space<vmem>>, vector<1024x1x128xf32>,
    return
  }
}

module attributes {stable_mosaic.version = 14 : i64} {
  func.func @_pack_body(%arg0: i32, %arg1: memref<400x128xf32, #tpu.memory_space<vmem>>, %arg2: memref<400x128xf32, #tpu.memory_space<vmem>>, %arg3: memref<400x128xf32, #tpu.memory_space<vmem>>) attributes {dimension_semantics = [#tpu.dimension_semantics<arbitrary>], iteration_bounds = array<i64: 100>, scalar_prefetch = 0 : i64, scratch_operands = 0 : i64, tpu.core_type = #tpu.core_type<tc>, window_params = [{transform_indices = @transform_0, window_bounds = array<i64: 400, 128>}, {transform_indices = @transform_1, window_bounds = array<i64: 400, 128>}, {transform_indices = @transform_2, window_bounds = array<i64: 400, 128>}]} {
    %get3A = arith.constant 0 : index
    %get3A_0 = arith.constant 0 : index
    %get3A_1 = vector.load %arg1[%get3A, %get3A_0] : memref<400x128xf32, #tpu.memory_space<vmem>>, vector<400x128xf32>
    %slice3A = vector.extract_strided_slice %get3A_1 {offsets = [1, 0], sizes = [399, 128], strides = [1, 1]} : vector<400x128xf32> to vector<399x128xf32>
    %get3A_2 = arith.constant 0 : index
    %get3A_3 = arith.constant 0 : index
    %get3A_4 = vector.load %arg2[%get3A_2, %get3A_3] : memref<400x128xf32, #tpu.memory_space<vmem>>, vector<1x128xf32>
    %concatenate3A = tpu.concatenate %slice3A, %get3A_4 in 0 : vector<399x128xf32>, vector<1x128xf32> -> vector<400x128xf32>
    %convert_element_type3A = arith.truncf %get3A_1 : vector<400x128xf32> to vector<400x128xbf16>
    %bitcast_convert_type3A = tpu.bitcast %convert_element_type3A : vector<400x128xbf16> -> vector<400x128xi16>
    %convert_element_type3A_5 = arith.extui %bitcast_convert_type3A : vector<400x128xi16> to vector<400x128xi32>
    %convert_element_type3A_6 = arith.truncf %concatenate3A : vector<400x128xf32> to vector<400x128xbf16>
    %bitcast_convert_type3A_7 = tpu.bitcast %convert_element_type3A_6 : vector<400x128xbf16> -> vector<400x128xi16>
    %convert_element_type3A_8 = arith.extui %bitcast_convert_type3A_7 : vector<400x128xi16> to vector<400x128xi32>
    %shift_left3A = arith.constant 16 : i32
    %shift_left3A_9 = vector.broadcast %shift_left3A : i32 to vector<400x128xi32>
    %shift_left3A_10 = arith.shli %convert_element_type3A_8, %shift_left3A_9 : vector<400x128xi32>
    %or3A = arith.ori %convert_element_type3A_5, %shift_left3A_10 : vector<400x128xi32>
    %bitcast_convert_type3A_11 = tpu.bitcast %or3A : vector<400x128xi32> -> vector<400x128xf32>
    %swap3A = arith.constant 0 : index
    %swap3A_12 = arith.constant 0 : index
    %swap3A_13 = vector.load %arg3[%swap3A, %swap3A_12] : memref<400x128xf32, #tpu.memory_space<vmem>>, vector<400x128xf32>
    tpu.vector_store %arg3[%swap3A, %swap3A_12], %bitcast_convert_type3A_11 {strides = array<i32>} : memref<400x128xf32, #tpu.memory_space<vmem>>, vector<400x128xf32>,
    return
  }
  func.func @transform_0(%arg0: i32) -> (i32, i32) {
    %c0_i32 = arith.constant 0 : i32
    %c0_i32_0 = arith.constant 0 : i32
    return %arg0, %c0_i32 : i32, i32
  }
  func.func @transform_1(%arg0: i32) -> (i32, i32) {
    %add3A = arith.constant 1 : i32
    %add3A_0 = arith.addi %arg0, %add3A : i32
    %min3A = arith.constant 99 : i32
    %min3A_1 = arith.minsi %add3A_0, %min3A : i32
    %c0_i32 = arith.constant 0 : i32
    %c0_i32_2 = arith.constant 0 : i32
    return %min3A_1, %c0_i32 : i32, i32
  }
  func.func @transform_2(%arg0: i32) -> (i32, i32) {
    %c0_i32 = arith.constant 0 : i32
    %c0_i32_0 = arith.constant 0 : i32
    return %arg0, %c0_i32 : i32, i32
  }
}

</mosaic_0001>

<sc_bundles>
// kernel: kernel.5.cloned.1.call-start
scs
__scs_entry_jumppad:
0x0: {  	(pc) =	sbr.rel $0x88, $3  }
0x1: {  	(tag) =	ssettag $0x0;
	lr =	simm.s32 $0x1  }
0x2: {  	[smem:$0x3F9F] =	sst lr;
	_ =	strace $0xD0000000  }
0x3: {  	_ = 	snop  }
0x4: {  	_ = 	snop  }
0x5: {  	_ = 	snop  }
0x6: {  	_ = 	snop  }
0x7: {  	_ = 	snop  }
__scs_overlays_trampoline_lowered:
0x8: {  	[smem:$0x3FAE] =	sst s0  }
0x9: {  	[smem:$0x3FAF] =	sst s1  }
0xa: {  	[smem:$0x3FB0] =	sst s2  }
0xb: {  	[smem:$0x3FB1] =	sst s3  }
0xc: {  	[smem:$0x3FB2] =	sst s4  }
0xd: {  	[smem:$0x3FB3] =	sst s5  }
0xe: {  	[smem:$0x3FB4] =	sst s6  }
0xf: {  	[smem:$0x3FB5] =	sst s7  }
0x10: {  	[smem:$0x3FB6] =	sst s8  }
0x11: {  	[smem:$0x3FB7] =	sst s9;
	s0 =	simm.s32 @!p0 $0x0  }
0x12: {  	s1 =	sld [smem:$0x3F9D];
	s0 =	simm.s32 @p0 $0x1  }
0x13: {  	[smem:$0x3FB8] =	sst s0;
	s0 =	simm.s32 @!p1 $0x0  }
0x14: {  	s2 =	sld [smem:$0x3F9C];
	s0 =	simm.s32 @p1 $0x1  }
0x15: {  	[smem:$0x3FB9] =	sst s0;
	s0 =	simm.s32 @!p2 $0x0  }
0x16: {  	s3 =	sld [smem:$0x3FDB];
	s0 =	simm.s32 @p2 $0x1  }
0x17: {  	s4 =	simm.s32 $0x1BF5;
	[smem:$0x3FBB] =	sst s0  }
0x18: {  	s0 =	sld [smem:$0x3F9E];
	_ =	swait.ge [sflag:s4], $0x0  }
0x19: {  	s7 =	sld [smem:$0x3F9F]  }
0x1a: {  	s8 =	sadd.s32 $0xFFFFE003, lr  }
0x1b: {  	s9 =	sadd.s32 $0xFFFFFEF7, lr;
	s5 =	simm.s32 $0xFFFFFFFF;
	p2 =	slt.u32 s8, $0xFFFFF086  }
0x1c: {  	p1 =	slt.u32 s9, $0xF7A;
	s5 =	simm.s32 @!p2 $0x0  }
0x1d: {  	s5 =	simm.s32 @p1 $0x1;
	p0 =	seq.s32 s7, s2  }
0x1e: {  	s7 =	smul.u32 @!p0 $0xF7A, s2;
	p2 =	seq.s32 @!p0 s5, $0x0  }
0x1f: {  	s9 =	smul.u32 $0xF7A, s1;
	s8 =	simm.s32 @!p0 $0x1BF5;
	p2 =	por !p2, p0  }
0x20: {  	[sflag:s8] =	ssyncset.s32 @!p0 $0xFFFFF086;
	s6 =	sadd.s32 @!p0 s3, s7;
	s7 =	simm.s32 @!p0 $0x108  }
0x21: {  	s3 =	sadd.s32 s3, s9;
	s6 =	sadd.s32 @!p0 $0x88, s6;
	s7 =	simm.s32 @p2 $0x1082  }
0x22: {  	[simem:s7], [sflag:s8] =	dma.local @!p0 [hbm:s6], $0xF7A  }
0x23: {  	s9 =	sor.u32 $0xD0000000, s2;
	s6 =	simm.s32 $0x108;
	_ =	swait.ge @!p0 [sflag:s8], $0x0  }
0x24: {  	s3 =	sadd.s32 $0x88, s3;
	s6 =	simm.s32 @!p1 $0x1082;
	[sflag:s4] =	ssyncset.s32 $0xFFFFF086  }
0x25: {  	[simem:s6], [sflag:s4] =	dma.local [hbm:s3], $0xF7A  }
0x26: {  	[smem:$0x3F9F] =	sst s1;
	(tag) =	ssettag s2;
	_ =	strace s9  }
0x27: {  	s1 =	sld [smem:$0x3FAF]  }
0x28: {  	s2 =	sld [smem:$0x3FB0]  }
0x29: {  	s4 =	sld [smem:$0x3FB2]  }
0x2a: {  	p0 =	seq.s32 s5, $0x0;
	s5 =	sld [smem:$0x3FB3]  }
0x2b: {  	s6 =	sld [smem:$0x3FB4]  }
0x2c: {  	s7 =	sld [smem:$0x3FB5]  }
0x2d: {  	s3 =	simm.s32 $0x108;
	s8 =	sld [smem:$0x3FB6]  }
0x2e: {  	s3 =	simm.s32 @!p0 $0x1082;
	s9 =	sld [smem:$0x3FB7]  }
0x2f: {  	lr =	sadd.s32 s0, s3;
	s0 =	sld [smem:$0x3FAE]  }
0x30: {  	s3 =	sld [smem:$0x3FB1]  }
0x31: {  	[smem:$0x3FBA] =	sst s10  }
0x32: {  	s10 =	sld [smem:$0x3FB8];
	_ =	sdelay $0x3  }
0x33: {  	p0 =	seq.s32 s10, $0x1;
	s10 =	sld [smem:$0x3FBA];
	_ =	sdelay $0x3  }
0x34: {  	[smem:$0x3FBA] =	sst s10  }
0x35: {  	s10 =	sld [smem:$0x3FB9];
	_ =	sdelay $0x3  }
0x36: {  	p1 =	seq.s32 s10, $0x1;
	s10 =	sld [smem:$0x3FBA];
	_ =	sdelay $0x3  }
0x37: {  	[smem:$0x3FBA] =	sst s10  }
0x38: {  	s10 =	sld [smem:$0x3FBB]  }
0x39: {  	_ = 	snop;
	(pc) =	sbr.ind lr, $3  }
0x3a: {  	_ = 	snop  }
0x3b: {  	_ = 	snop  }
0x3c: {  	p2 =	seq.s32 s10, $0x1;
	s10 =	sld [smem:$0x3FBA]  }
0x3d: {  	_ =	shalt  }
0x3e: {  	_ =	shalt  }
0x3f: {  	_ =	shalt  }
0x40: {  	_ =	shalt  }
0x41: {  	_ =	shalt  }
0x42: {  	_ =	shalt  }
0x43: {  	_ =	shalt  }
0x44: {  	_ =	shalt  }
0x45: {  	_ =	shalt  }
0x46: {  	_ =	shalt  }
0x47: {  	_ =	shalt  }
0x48: {  	_ =	shalt  }
0x49: {  	_ =	shalt  }
0x4a: {  	_ =	shalt  }
0x4b: {  	_ =	shalt  }
0x4c: {  	_ =	shalt  }
0x4d: {  	_ =	shalt  }
0x4e: {  	_ =	shalt  }
0x4f: {  	_ =	shalt  }
0x50: {  	_ =	shalt  }
0x51: {  	_ =	shalt  }
0x52: {  	_ =	shalt  }
0x53: {  	_ =	shalt  }
0x54: {  	_ =	shalt  }
0x55: {  	_ =	shalt  }
0x56: {  	_ =	shalt  }
0x57: {  	_ =	shalt  }
0x58: {  	_ =	shalt  }
0x59: {  	_ =	shalt  }
0x5a: {  	_ =	shalt  }
0x5b: {  	_ =	shalt  }
0x5c: {  	_ =	shalt  }
0x5d: {  	_ =	shalt  }
0x5e: {  	_ =	shalt  }
0x5f: {  	_ =	shalt  }
0x60: {  	_ =	shalt  }
0x61: {  	_ =	shalt  }
0x62: {  	_ =	shalt  }
0x63: {  	_ =	shalt  }
0x64: {  	_ =	shalt  }
0x65: {  	_ =	shalt  }
0x66: {  	_ =	shalt  }
0x67: {  	_ =	shalt  }
0x68: {  	_ =	shalt  }
0x69: {  	_ =	shalt  }
0x6a: {  	_ =	shalt  }
0x6b: {  	_ =	shalt  }
0x6c: {  	_ =	shalt  }
0x6d: {  	_ =	shalt  }
0x6e: {  	_ =	shalt  }
0x6f: {  	_ =	shalt  }
0x70: {  	_ =	shalt  }
0x71: {  	_ =	shalt  }
0x72: {  	_ =	shalt  }
0x73: {  	_ =	shalt  }
0x74: {  	_ =	shalt  }
0x75: {  	_ =	shalt  }
0x76: {  	_ =	shalt  }
0x77: {  	_ =	shalt  }
0x78: {  	_ =	shalt  }
0x79: {  	_ =	shalt  }
0x7a: {  	_ =	shalt  }
0x7b: {  	_ =	shalt  }
0x7c: {  	_ =	shalt  }
0x7d: {  	_ =	shalt  }
0x7e: {  	_ =	shalt  }
0x7f: {  	_ =	shalt  }
0x80: {  	_ =	shalt  }
0x81: {  	_ =	shalt  }
0x82: {  	_ =	shalt  }
0x83: {  	_ =	shalt  }
0x84: {  	_ =	shalt  }
0x85: {  	_ =	shalt  }
0x86: {  	_ =	shalt  }
0x87: {  	_ =	shalt  }
.Lfunc_end0:
.L_simem_size_0:
called_computation_lowered:
.L_overlay_start_0:
0x88: {  	s2 =	sld [smem:$0x3FD9]  }
0x89: {  	s3 =	sld [smem:$0x3FFE];
	_ =	sdelay $0x1  }
0x8a: {  	s1 =	srdreg.scid  }
0x8b: {  	s0 =	sand.u32 $0x1, s1  }
0x8c: {  	s17 =	sshll.u32 s0, $0xA;
	s2 =	sadd.s32 s3, s2  }
0x8d: {  	s2 =	sadd.s32 s2, s17  }
0x8e: {  	[smem:$0x3FC6] =	sst s2  }
0x8f: {  	_ = 	snop  }
0x90: {  	s2 =	sld [smem:$0x3FD0];
	(tm) =	ssettm $0x1  }
0x91: {  	s18 =	sld [smem:$0x3FFB];
	_ =	sdelay $0x3  }
0x92: {  	_ =	strace s18  }
0x93: {  	s3 =	sld [smem:$0x3FFC];
	_ =	sdelay $0x3  }
0x94: {  	_ =	strace s3  }
0x95: {  	s3 =	sld [smem:$0x3FFD];
	_ =	sdelay $0x3  }
0x96: {  	_ =	strace s3  }
0x97: {  	_ =	strace $0x8FFFFFFF  }
0x98: {  	s19 =	sld [smem:$0x3FDB];
	_ =	sdelay $0x1  }
0x99: {  	s4 =	simm.s32 $_scs_section_size  }
0x9a: {  	s5 =	simm.s32 $_size__tile_overlayer_lowered;
	s6 =	simm.s32 $_tile_overlayer_lowered  }
0x9b: {  	s22 =	simm.s32 $0x1BFF;
	s21 =	sshll.u32 s6, $0x1;
	s3 =	sadd.s32 s4, s19  }
0x9c: {  	s7 =	simm.s32 $0x0;
	s20 =	sshll.u32 s5, $0x1;
	s5 =	sadd.s32 s21, s3  }
0x9d: {  	[timem:s7], [sflag:s22] =	dma.local [hbm:s5], s20  }
0x9e: {  	_ =	swait.ge [sflag:s22], s20  }
0x9f: {  	s4 =	ssub.s32 $0x0, s20;
	[sflag:s22] =	ssyncset.done $0x0  }
0xa0: {  	[sflag:s22] =	ssyncadd.s32 s4;
	_ =	sdelay $0x1  }
0xa1: {  	s23 =	simm.s32 $0x1B8B  }
0xa2: {  	_ =	swait.ge [sflag:s23], $0x1  }
0xa3: {  	[sflag:s23] =	ssyncset.done $0x0  }
0xa4: {  	s25 =	simm.s32 $0x1B8E;
	s24 =	sld [smem:$0x3FFE];
	[sflag:s23] =	ssyncadd.s32 $0xFFFFFFFF  }
0xa5: {  	s26 =	simm.s32 $execute0_lowered;
	[smem:$0x3FD2] =	sst s25  }
0xa6: {  	s5 =	sshll.u32 s26, $0x1;
	_ =	strace $0x80000046;
	[dreg:$0x1] =	wrdreg $0xFFFFFFFF  }
0xa7: {  	s28 =	simm.s32 $_size_execute0_lowered;
	s3 =	sadd.s32 s3, s5;
	[dreg:$0x0] =	wrdreg $0x0  }
0xa8: {  	s5 =	sshll.u32 s28, $0x1;
	[dreg:$0x2] =	wrdreg s3  }
0xa9: {  	[dreg:$0x3] =	wrdreg s5  }
0xaa: {  	[dreg:$0x4] =	wrdreg $0xC0  }
0xab: {  	_ =	task [dreg:s7], $0x5FFFF  }
0xac: {  	[dreg:$0x1] =	wrdreg $0xFFFFFFFF  }
0xad: {  	[dreg:$0x0] =	wrdreg $0x60  }
0xae: {  	[dreg:$0x2] =	wrdreg s24  }
0xaf: {  	[dreg:$0x3] =	wrdreg s2  }
0xb0: {  	[dreg:$0x4] =	wrdreg $0x9  }
0xb1: {  	_ =	task.clear_ibuf [dreg:s7], $0x5FFFF;
	_ =	strace $0x90000046  }
0xb2: {  	s29 =	simm.s32 $0x9;
	_ =	strace $0x80000048  }
0xb3: {  	_ =	swait.ge [sflag:s29], $0x1  }
0xb4: {  	[sflag:s29] =	ssyncadd.s32 $0xFFFFFFFF  }
0xb5: {  	_ =	strace $0x90000048  }
0xb6: {  	_ =	sfence  }
0xb7: {  	s30 =	sld [smem:$0x0];
	_ =	sdelay $0x2  }
0xb8: {  	s31 =	sshll.u32 s1, $0xD;
	s1 =	sshrl.u32 s1, $0x2  }
0xb9: {  	s3 =	sand.u32 $0x4000, s31;
	s1 =	sadd.s32 s1, s30  }
0xba: {  	s0 =	sor.u32 s3, s0;
	s1 =	sshll.u32 s1, $0x11  }
0xbb: {  	s0 =	sor.u32 s1, s0  }
0xbc: {  	s0 =	sadd.s32 $0x8F2B, s0  }
0xbd: {  	[sflag:s0] =	ssyncadd.remote.s32 $0x1  }
0xbe: {  	_ =	sfence.sel $0xFFFF  }
0xbf: {  	[dreg:$0x0] =	wrdreg $0xFFFFFFFF;
	(pc) =	sbr.abs _section_cstart, $3  }
0xc0: {  	[dreg:$0x1] =	wrdreg $0xFFFFFFFF  }
0xc1: {  	_ =	task.clear_ibuf [dreg:s7], $0x2FFFF;
	_ =	strace $0x9FFFFFFF  }
0xc2: {  	(tm) =	ssettm $0x7FFFFFFF  }
0xc3: {  	_ =	shalt  }
tec
execute0_lowered:
.L_overlay_start_1:
0x0: {  	(tag) =	ssettag $0x1  }
0x1: {  	s0 =	rddreg [dreg:$0x0]  }
0x2: {  	s4 =	rddreg [dreg:$0x1];
	s2 =	simm.s32 $0x0;
	s1 =	srdreg.scid  }
0x3: {  	s5 =	stileid.u32;
	s19 =	simm.s32 $0x80;
	s31 =	simm.s32 $0x3  }
0x4: {  	[smem:$0x7FF] =	sst s2;
	s11 =	sadd.s32 $0xC00, s0;
	s1 =	sand.u32 $0x1, s1  }
0x5: {  	s10 =	sadd.s32 $0x20C00, s0;
	s7 =	sshll.u32 s5, $0x1;
	s6 =	sadd.s32 $0x40C00, s0  }
0x6: {  	s24 =	sadd.s32 $0x20C10, s0;
	s25 =	sadd.s32 $0x20C20, s0;
	s0 =	sadd.s32 $0x20C30, s0  }
0x7: {  	s29 =	sadd.s32 $0x800, s4;
	_ =	strace $0x80000047;
	s3 =	ssub.s32 $0x2, s1  }
0x8: {  	s1 =	sor.u32 s1, s7;
	s9 =	smov.u32 s10;
	s13 =	smov.u32 s25  }
0x9: {  	[dreg:$0x9] =	wrdreg s29;
	s22 =	sshll.u32 s1, $0x5;
	s1 =	sshll.u32 s1, $0xC  }
0xa: {  	s16 =	smov.u32 s0;
	[dreg:$0x3] =	wrdreg s22;
	s23 =	sadd.s32 s10, s1  }
0xb: {  	s7 =	smov.u32 s11;
	s5 =	sadd.s32 s1, s24;
	[dreg:$0x4] =	wrdreg s23  }
0xc: {  	s8 =	sshrl.u32 s3, $0x1;
	s26 =	sadd.s32 s1, s25;
	[dreg:$0x5] =	wrdreg s5  }
0xd: {  	s3 =	ssub.s32 s3, s8;
	s0 =	sadd.s32 s1, s0;
	[dreg:$0x6] =	wrdreg s26  }
0xe: {  	s10 =	smov.u32 s24;
	s28 =	sadd.s32 s11, s1;
	[dreg:$0x7] =	wrdreg s0  }
0xf: {  	[dreg:$0x8] =	wrdreg s28;
	s30 =	smax.u32 s3, $0x1;
	s26 =	simm.s32 $0x1  }
0x10: {  	s0 =	simm.s32 $0x2;
	s3 =	simm.s32 $0x0;
	[dreg:$0xa] =	wrdreg s30  }
.LBB2_1:
0x11: {  	[dreg:$0xb] =	wrdreg s3  }
0x12: {  	s1 =	rddreg [dreg:$0x4];
	s18 =	simm.s32 $0x5  }
0x13: {  	[tilespmem:s2], [sflag:$0x5] =	stream.linear.gather [hbm4b:s1+s2], $0x80, $0x38;
	[tilespmem:$0x18C00] =	vst v63  }
0x14: {  	_ =	swait.ge [sflag:s18], $0x80  }
0x15: {  	[sflag:s18] =	ssyncset.done $0x0  }
0x16: {  	s20 =	rddreg [dreg:$0x5];
	[sflag:s18] =	ssyncadd.s32 $0xFFFFFF80  }
0x17: {  	[tilespmem:s19], [sflag:$0x5] =	stream.linear.gather [hbm4b:s20+s2], $0x80, $0x38;
	[tilespmem:$0x18C00] =	vst v63  }
0x18: {  	_ =	swait.ge [sflag:s18], $0x80  }
0x19: {  	[sflag:s18] =	ssyncset.done $0x0  }
0x1a: {  	s4 =	simm.s32 $0x100;
	s21 =	rddreg [dreg:$0x6];
	[sflag:s18] =	ssyncadd.s32 $0xFFFFFF80  }
0x1b: {  	[tilespmem:s4], [sflag:$0x5] =	stream.linear.gather [hbm4b:s21+s2], $0x80, $0x38;
	[tilespmem:$0x18C00] =	vst v63  }
0x1c: {  	_ =	swait.ge [sflag:s18], $0x80  }
0x1d: {  	[sflag:s18] =	ssyncset.done $0x0  }
0x1e: {  	s23 =	simm.s32 $0x180;
	s22 =	rddreg [dreg:$0x7];
	[sflag:s18] =	ssyncadd.s32 $0xFFFFFF80  }
0x1f: {  	[tilespmem:s23], [sflag:$0x5] =	stream.linear.gather [hbm4b:s22+s2], $0x80, $0x38;
	[tilespmem:$0x18C00] =	vst v63  }
0x20: {  	_ =	swait.ge [sflag:s18], $0x80  }
0x21: {  	[sflag:s18] =	ssyncset.done $0x0  }
0x22: {  	s25 =	simm.s32 $0x400;
	s24 =	rddreg [dreg:$0x8];
	[sflag:s18] =	ssyncadd.s32 $0xFFFFFF80  }
0x23: {  	[tilespmem:s25], [sflag:$0x5] =	stream.linear.gather [hbm4b:s24+s2], $0x400, $0x38;
	[tilespmem:$0x18C00] =	vst v63  }
0x24: {  	_ =	swait.ge [sflag:s18], $0x400  }
0x25: {  	[sflag:s18] =	ssyncset.done $0x0  }
0x26: {  	s28 =	simm.s32 $0xC00;
	s29 =	simm.s32 $0x500;
	[sflag:s18] =	ssyncadd.s32 $0xFFFFFC00  }
0x27: {  	[tilespmem:s28], [sflag:$0x1] =	stream.indirect.gather [hbm4b:s6+s19], $0x80, s25, s19, $0xb8;
	[tilespmem:$0x18C00] =	vst v63  }
0x28: {  	s30 =	simm.s32 $0x4C00;
	p0 =	por $0x0, $0x0;
	s24 =	simm.s32 $0x0  }
0x29: {  	[tilespmem:s30], [sflag:$0x1] =	stream.indirect.gather [hbm4b:s6+s19], $0x80, s29, s19, $0xb8;
	[tilespmem:$0x18C00] =	vst v63  }
.LBB2_2:
0x2a: {  	s3 =	rddreg [dreg:$0x3]  }
0x2b: {  	s8 =	sadd.s32 s3, s24  }
0x2c: {  	p1 =	slt.s32 s8, $0x3FE;
	s3 =	smov.u32 s8  }
0x2d: {  	s3 =	simm.s32 @!p1 $0x3FE  }
0x2e: {  	s1 =	smov.u32 s24;
	s24 =	sadd.s32 $0x1, s24;
	s3 =	sshll.u32 s3, $0x7  }
0x2f: {  	s11 =	sand.u32 $0x1, s24;
	s3 =	sadd.s32 $0x80, s3  }
0x30: {  	s12 =	sshll.u32 s11, $0x9;
	s14 =	sadd.s32 s9, s3  }
0x31: {  	[tilespmem:s12], [sflag:$0x3] =	stream.linear.gather [hbm4b:s14+s2], $0x80, $0x38;
	[tilespmem:$0x18C00] =	vst v63  }
0x32: {  	s5 =	sor.u32 $0x80, s12;
	s15 =	sadd.s32 s3, s10  }
0x33: {  	[tilespmem:s5], [sflag:$0x3] =	stream.linear.gather [hbm4b:s15+s2], $0x80, $0x38;
	[tilespmem:$0x18C00] =	vst v63  }
0x34: {  	s17 =	sadd.s32 s3, s13;
	s15 =	sor.u32 $0x100, s12  }
0x35: {  	[tilespmem:s15], [sflag:$0x3] =	stream.linear.gather [hbm4b:s17+s2], $0x80, $0x38;
	[tilespmem:$0x18C00] =	vst v63  }
0x36: {  	s11 =	sshll.u32 s11, $0xA;
	s18 =	sadd.s32 s3, s16;
	s12 =	sor.u32 $0x180, s12  }
0x37: {  	[tilespmem:s12], [sflag:$0x3] =	stream.linear.gather [hbm4b:s18+s2], $0x80, $0x38;
	[tilespmem:$0x18C00] =	vst v63  }
0x38: {  	s20 =	sshll.u32 s1, $0xA;
	s3 =	sadd.s32 s7, s3;
	s12 =	sadd.s32 $0x400, s11  }
0x39: {  	[tilespmem:s12], [sflag:$0x3] =	stream.linear.gather [hbm4b:s3+s2], $0x400, $0x38;
	[tilespmem:$0x18C00] =	vst v63  }
0x3a: {  	s3 =	sand.u32 $0x400, s20  }
0x3b: {  	s4 =	simm.s32 $0x8C00;
	s21 =	sadd.s32 $0x480, s3  }
0x3c: {  	[tilespmem:s4], [sflag:$0x2] =	stream.indirect.gather [hbm4b:s6+s19], $0x80, s21, s19, $0xb8;
	[tilespmem:$0x18C00] =	vst v63  }
0x3d: {  	s22 =	simm.s32 $0xCC00;
	s3 =	sadd.s32 $0x580, s3  }
0x3e: {  	[tilespmem:s22], [sflag:$0x2] =	stream.indirect.gather [hbm4b:s6+s19], $0x80, s3, s19, $0xb8;
	[tilespmem:$0x18C00] =	vst v63  }
0x3f: {  	s3 =	simm.s32 $0x1;
	_ =	swait.ge [sflag:s26], $0x4000  }
0x40: {  	s3 =	simm.s32 @!p0 $0x0;
	[sflag:s26] =	ssyncset.done $0x0  }
0x41: {  	s22 =	sshll.u32 s3, $0x9;
	[sflag:s26] =	ssyncadd.s32 $0xFFFFC000  }
0x42: {  	s3 =	sadd.s32 $0xFFFFFFFC, s22;
	_ =	swait.ge [sflag:s26], $0x4000  }
0x43: {  	p1 =	seq.s32 s1, $0x0;
	s23 =	sadd.s32 $0x7, s3;
	[sflag:s26] =	ssyncset.done $0x0  }
0x44: {  	s14 =	simm.s32 @!p1 $0x4;
	v0 =	vmov s23;
	[sflag:s26] =	ssyncadd.s32 $0xFFFFC000  }
0x45: {  	_ =	swait.ge @!p1 [sflag:s14], $0x4000  }
0x46: {  	v1 =	vor.u32 $0x100, v0;
	[sflag:s14] =	ssyncset.done @!p1 $0x0  }
0x47: {  	s29 =	simm.s32 $0xD00;
	[sflag:s14] =	ssyncadd.s32 @!p1 $0xFFFFC000  }
0x48: {  	v2 =	vld [tilespmem:s29+$0x80]  }
0x49: {  	s28 =	simm.s32 $0x4D00;
	v7 =	vld.idx.msk [tilespmem:v0+s2+$0x0], $0xffff  }
0x4a: {  	v0 =	vld [tilespmem:s28+$0x80]  }
0x4b: {  	v6 =	vld.idx.msk [tilespmem:v1+s2+$0x0], $0xffff;
	_ =	sdelay $0x4  }
0x4c: {  	s4 =	sadd.s32 $0x5, s3;
	v2 =	vmul.bf16 v7, v2;
	v0 =	vmul.bf16 v6, v0  }
0x4d: {  	v4 =	vmov s4  }
0x4e: {  	v5 =	vor.u32 $0x100, v4;
	v0 =	vadd.bf16 v0, v2;
	_ =	sdelay $0x1  }
0x4f: {  	s25 =	sadd.s32 $0x4, s3;
	v2 =	vunpack.i.u.bf16.f32 v0;
	v0 =	vunpack.i.l.bf16.f32 v0  }
0x50: {  	v1 =	vmov s25;
	v0 =	vadd.f32 v0, v2  }
0x51: {  	s14 =	simm.s32 $0x10D00;
	v16 =	vld.idx.msk [tilespmem:v4+s2+$0x0], $0xffff;
	v3 =	vor.u32 $0x100, v1  }
0x52: {  	v15 =	vld.idx.msk [tilespmem:v5+s2+$0x0], $0xffff;
	[tilespmem:s14+$0x80] =	vst v0  }
0x53: {  	v0 =	vld [tilespmem:s29+$0x90]  }
0x54: {  	v2 =	vld [tilespmem:s28+$0x90]  }
0x55: {  	v19 =	vld.idx.msk [tilespmem:v1+s2+$0x0], $0xffff  }
0x56: {  	s5 =	sadd.s32 $0x6, s3;
	v18 =	vld.idx.msk [tilespmem:v3+s2+$0x0], $0xffff  }
0x57: {  	v1 =	vmov s5;
	v3 =	vld [tilespmem:s29+$0xFFFFFF00]  }
0x58: {  	v5 =	vld [tilespmem:s28+$0xFFFFFF00];
	v4 =	vor.u32 $0x100, v1  }
0x59: {  	v8 =	vld [tilespmem:s29+$0xFFFFFF80];
	v0 =	vmul.bf16 v7, v0;
	v2 =	vmul.bf16 v6, v2  }
0x5a: {  	v9 =	vld [tilespmem:s28+$0xFFFFFF80]  }
0x5b: {  	v0 =	vadd.bf16 v2, v0  }
0x5c: {  	v2 =	vmul.bf16 v19, v3  }
0x5d: {  	v14 =	vld.idx.msk [tilespmem:v4+s2+$0x0], $0xffff;
	v3 =	vmul.bf16 v18, v5;
	v4 =	vunpack.i.u.bf16.f32 v0;
	v0 =	vunpack.i.l.bf16.f32 v0  }
0x5e: {  	v17 =	vld.idx.msk [tilespmem:v1+s2+$0x0], $0xffff;
	v0 =	vadd.f32 v0, v4  }
0x5f: {  	v1 =	vmul.bf16 v16, v8;
	v5 =	vld [tilespmem:s28+$0x0];
	v2 =	vadd.bf16 v3, v2;
	v3 =	vmul.bf16 v15, v9  }
0x60: {  	v4 =	vld [tilespmem:s29+$0x0];
	[tilespmem:s14+$0x90] =	vst v0  }
0x61: {  	v0 =	vadd.bf16 v3, v1;
	v1 =	vunpack.i.u.bf16.f32 v2;
	v2 =	vunpack.i.l.bf16.f32 v2;
	v3 =	vld [tilespmem:s29+$0xA0]  }
0x62: {  	v1 =	vadd.f32 v2, v1;
	v2 =	vld [tilespmem:s28+$0xA0]  }
0x63: {  	v8 =	vunpack.i.u.bf16.f32 v0;
	v0 =	vunpack.i.l.bf16.f32 v0  }
0x64: {  	v0 =	vadd.f32 v0, v8;
	[tilespmem:s14+$0xFFFFFF00] =	vst v1  }
0x65: {  	v1 =	vmul.bf16 v17, v4;
	v4 =	vmul.bf16 v14, v5;
	v5 =	vld [tilespmem:s29+$0xFFFFFF10]  }
0x66: {  	[tilespmem:s14+$0xFFFFFF80] =	vst v0;
	v0 =	vld [tilespmem:s28+$0xFFFFFF10]  }
0x67: {  	v1 =	vadd.bf16 v4, v1;
	v4 =	vld [tilespmem:s29+$0xFFFFFF90];
	v3 =	vmul.bf16 v7, v3;
	v2 =	vmul.bf16 v6, v2  }
0x68: {  	v8 =	vld [tilespmem:s28+$0xFFFFFF90]  }
0x69: {  	v9 =	vunpack.i.u.bf16.f32 v1;
	v1 =	vunpack.i.l.bf16.f32 v1;
	v2 =	vadd.bf16 v2, v3  }
0x6a: {  	v1 =	vadd.f32 v1, v9;
	v3 =	vmul.bf16 v19, v5  }
0x6b: {  	v0 =	vmul.bf16 v18, v0;
	v5 =	vunpack.i.u.bf16.f32 v2;
	v2 =	vunpack.i.l.bf16.f32 v2  }
0x6c: {  	[tilespmem:s14+$0x0] =	vst v1;
	v1 =	vadd.f32 v2, v5  }
0x6d: {  	v2 =	vld [tilespmem:s29+$0x10];
	v4 =	vmul.bf16 v16, v4;
	v5 =	vmul.bf16 v15, v8;
	v0 =	vadd.bf16 v0, v3  }
0x6e: {  	v3 =	vld [tilespmem:s28+$0x10];
	[tilespmem:s14+$0xA0] =	vst v1  }
0x6f: {  	v1 =	vadd.bf16 v5, v4;
	v4 =	vunpack.i.u.bf16.f32 v0;
	v0 =	vunpack.i.l.bf16.f32 v0;
	v5 =	vld [tilespmem:s29+$0xB0]  }
0x70: {  	v0 =	vadd.f32 v0, v4;
	v4 =	vld [tilespmem:s28+$0xB0]  }
0x71: {  	v8 =	vunpack.i.u.bf16.f32 v1;
	v1 =	vunpack.i.l.bf16.f32 v1  }
0x72: {  	v1 =	vadd.f32 v1, v8;
	[tilespmem:s14+$0xFFFFFF10] =	vst v0  }
0x73: {  	v0 =	vmul.bf16 v17, v2;
	v2 =	vmul.bf16 v14, v3;
	v3 =	vld [tilespmem:s29+$0xFFFFFF20]  }
0x74: {  	[tilespmem:s14+$0xFFFFFF90] =	vst v1;
	v1 =	vld [tilespmem:s28+$0xFFFFFF20]  }
0x75: {  	v0 =	vadd.bf16 v2, v0;
	v2 =	vld [tilespmem:s29+$0xFFFFFFA0];
	v5 =	vmul.bf16 v7, v5;
	v4 =	vmul.bf16 v6, v4  }
0x76: {  	v8 =	vld [tilespmem:s28+$0xFFFFFFA0]  }
0x77: {  	v9 =	vunpack.i.u.bf16.f32 v0;
	v0 =	vunpack.i.l.bf16.f32 v0;
	v4 =	vadd.bf16 v4, v5  }
0x78: {  	v0 =	vadd.f32 v0, v9;
	v3 =	vmul.bf16 v19, v3  }
0x79: {  	v1 =	vmul.bf16 v18, v1;
	v5 =	vunpack.i.u.bf16.f32 v4;
	v4 =	vunpack.i.l.bf16.f32 v4  }
0x7a: {  	[tilespmem:s14+$0x10] =	vst v0;
	v0 =	vadd.f32 v4, v5  }
0x7b: {  	v2 =	vmul.bf16 v16, v2;
	v4 =	vld [tilespmem:s29+$0x20];
	v1 =	vadd.bf16 v1, v3;
	v3 =	vmul.bf16 v15, v8  }
0x7c: {  	v5 =	vld [tilespmem:s28+$0x20];
	[tilespmem:s14+$0xB0] =	vst v0  }
0x7d: {  	v0 =	vunpack.i.u.bf16.f32 v1;
	v2 =	vadd.bf16 v3, v2;
	v1 =	vunpack.i.l.bf16.f32 v1;
	v3 =	vld [tilespmem:s29+$0xC0]  }
0x7e: {  	v8 =	vld [tilespmem:s28+$0xC0];
	v0 =	vadd.f32 v1, v0  }
0x7f: {  	s15 =	sadd.s32 $0x0, s22;
	v1 =	vunpack.i.u.bf16.f32 v2;
	v2 =	vunpack.i.l.bf16.f32 v2  }
0x80: {  	s18 =	sadd.s32 $0x7, s15;
	v1 =	vadd.f32 v2, v1;
	[tilespmem:s14+$0xFFFFFF20] =	vst v0  }
0x81: {  	v0 =	vmul.bf16 v17, v4;
	v2 =	vmul.bf16 v14, v5;
	v5 =	vmov s18;
	v4 =	vld [tilespmem:s29+$0xFFFFFF30]  }
0x82: {  	v9 =	vld [tilespmem:s28+$0xFFFFFF30];
	[tilespmem:s14+$0xFFFFFFA0] =	vst v1;
	v1 =	vor.u32 $0x100, v5  }
0x83: {  	s1 =	sadd.s32 $0x6, s15;
	v0 =	vadd.bf16 v2, v0;
	v2 =	vmul.bf16 v7, v3;
	v3 =	vmul.bf16 v6, v8;
	v8 =	vld [tilespmem:s29+$0xFFFFFFB0]  }
0x84: {  	s17 =	simm.s32 $0xF00;
	v13 =	vmov s1;
	v10 =	vld [tilespmem:s28+$0xFFFFFFB0]  }
0x85: {  	v11 =	vunpack.i.u.bf16.f32 v0;
	v0 =	vunpack.i.l.bf16.f32 v0;
	v2 =	vadd.bf16 v3, v2;
	v3 =	vld [tilespmem:s17+$0x80]  }
0x86: {  	s20 =	sadd.s32 $0x4, s15;
	v24 =	vor.u32 $0x100, v13;
	v0 =	vadd.f32 v0, v11;
	v20 =	vld.idx.msk [tilespmem:v5+s2+$0x0], $0xffff  }
0x87: {  	v5 =	vmov s20;
	s20 =	simm.s32 $0x4F00;
	v11 =	vunpack.i.u.bf16.f32 v2;
	v2 =	vunpack.i.l.bf16.f32 v2;
	v21 =	vld.idx.msk [tilespmem:v1+s2+$0x0], $0xffff  }
0x88: {  	[tilespmem:s14+$0x20] =	vst v0;
	v1 =	vadd.f32 v2, v11;
	v11 =	vld [tilespmem:s20+$0x80]  }
0x89: {  	v23 =	vld [tilespmem:s29+$0x30]  }
0x8a: {  	s21 =	sadd.s32 $0x5, s15;
	v25 =	vld [tilespmem:s28+$0x30]  }
0x8b: {  	v12 =	vmov s21;
	v0 =	vor.u32 $0x100, v5;
	[tilespmem:s14+$0xC0] =	vst v1;
	v1 =	vld.idx.msk [tilespmem:v24+s2+$0x0], $0xffff  }
0x8c: {  	v22 =	vor.u32 $0x100, v12;
	v26 =	vld [tilespmem:s29+$0xD0]  }
0x8d: {  	v8 =	vmul.bf16 v16, v8;
	v10 =	vmul.bf16 v15, v10;
	v27 =	vld [tilespmem:s28+$0xD0]  }
0x8e: {  	v3 =	vmul.bf16 v20, v3;
	v5 =	vld.idx.msk [tilespmem:v5+s2+$0x0], $0xffff;
	v11 =	vmul.bf16 v21, v11  }
0x8f: {  	v8 =	vadd.bf16 v10, v8;
	v10 =	vld [tilespmem:s17+$0xFFFFFF80]  }
0x90: {  	v2 =	vld.idx.msk [tilespmem:v0+s2+$0x0], $0xffff;
	v23 =	vmul.bf16 v17, v23;
	v11 =	vadd.bf16 v11, v3  }
0x91: {  	v0 =	vld.idx.msk [tilespmem:v22+s2+$0x0], $0xffff;
	v25 =	vmul.bf16 v14, v25;
	v22 =	vmul.bf16 v7, v26  }
0x92: {  	v3 =	vld.idx.msk [tilespmem:v12+s2+$0x0], $0xffff;
	v24 =	vmul.bf16 v6, v27;
	v12 =	vunpack.i.u.bf16.f32 v11;
	v11 =	vunpack.i.l.bf16.f32 v11  }
0x93: {  	v23 =	vadd.bf16 v25, v23;
	v25 =	vld [tilespmem:s20+$0xFFFFFF80];
	v11 =	vadd.f32 v11, v12  }
0x94: {  	s15 =	simm.s32 $0x10F00;
	v9 =	vmul.bf16 v18, v9;
	v26 =	vmul.bf16 v19, v4;
	v4 =	vld.idx.msk [tilespmem:v13+s2+$0x0], $0xffff;
	v12 =	vadd.bf16 v24, v22  }
0x95: {  	v13 =	vld [tilespmem:s17+$0xFFFFFF00];
	[tilespmem:s15+$0x80] =	vst v11  }
0x96: {  	v9 =	vadd.bf16 v9, v26;
	v11 =	vunpack.i.u.bf16.f32 v12;
	v12 =	vunpack.i.l.bf16.f32 v12;
	v24 =	vld [tilespmem:s17+$0x90]  }
0x97: {  	v11 =	vadd.f32 v12, v11;
	v12 =	vld [tilespmem:s20+$0x90]  }
0x98: {  	v27 =	vld [tilespmem:s17+$0x0];
	v26 =	vunpack.i.u.bf16.f32 v9;
	v9 =	vunpack.i.l.bf16.f32 v9  }
0x99: {  	v22 =	vld [tilespmem:s20+$0xFFFFFF00];
	v9 =	vadd.f32 v9, v26;
	[tilespmem:s14+$0xD0] =	vst v11  }
0x9a: {  	v11 =	vunpack.i.u.bf16.f32 v8;
	v8 =	vunpack.i.l.bf16.f32 v8;
	v26 =	vld [tilespmem:s29+$0xE0]  }
0x9b: {  	[tilespmem:s14+$0xFFFFFF30] =	vst v9;
	v9 =	vunpack.i.l.bf16.f32 v23;
	v8 =	vadd.f32 v8, v11;
	v11 =	vunpack.i.u.bf16.f32 v23;
	v23 =	vld [tilespmem:s20+$0x0]  }
0x9c: {  	v29 =	vld [tilespmem:s28+$0xE0];
	v24 =	vmul.bf16 v20, v24;
	v12 =	vmul.bf16 v21, v12  }
0x9d: {  	v10 =	vmul.bf16 v3, v10;
	v9 =	vadd.f32 v9, v11;
	v11 =	vld [tilespmem:s29+$0xFFFFFF40]  }
0x9e: {  	[tilespmem:s14+$0xFFFFFFB0] =	vst v8;
	v8 =	vmul.bf16 v5, v13;
	v13 =	vmul.bf16 v2, v22;
	v22 =	vld [tilespmem:s28+$0xFFFFFF40];
	v12 =	vadd.bf16 v12, v24  }
0x9f: {  	v27 =	vmul.bf16 v4, v27;
	[tilespmem:s14+$0x30] =	vst v9;
	v9 =	vld [tilespmem:s28+$0xFFFFFFC0];
	v24 =	vmul.bf16 v0, v25  }
0xa0: {  	v25 =	vld [tilespmem:s29+$0xFFFFFFC0];
	v8 =	vadd.bf16 v13, v8;
	v13 =	vunpack.i.u.bf16.f32 v12;
	v12 =	vunpack.i.l.bf16.f32 v12  }
0xa1: {  	v28 =	vld [tilespmem:s28+$0x40];
	v23 =	vmul.bf16 v1, v23;
	v26 =	vmul.bf16 v7, v26;
	v12 =	vadd.f32 v12, v13  }
0xa2: {  	v42 =	vmul.bf16 v6, v29;
	v10 =	vadd.bf16 v24, v10;
	v24 =	vld [tilespmem:s29+$0x40];
	v11 =	vmul.bf16 v19, v11  }
0xa3: {  	v13 =	vunpack.i.u.bf16.f32 v8;
	v8 =	vunpack.i.l.bf16.f32 v8;
	v22 =	vmul.bf16 v18, v22;
	[tilespmem:s15+$0x90] =	vst v12  }
0xa4: {  	v26 =	vadd.bf16 v42, v26;
	v30 =	vunpack.i.u.bf16.f32 v10;
	v8 =	vadd.f32 v8, v13;
	v13 =	vld [tilespmem:s17+$0xA0]  }
0xa5: {  	v10 =	vunpack.i.l.bf16.f32 v10;
	v12 =	vadd.bf16 v23, v27;
	v23 =	vmul.bf16 v16, v25;
	v25 =	vld [tilespmem:s20+$0xA0]  }
0xa6: {  	v9 =	vmul.bf16 v15, v9;
	v10 =	vadd.f32 v10, v30;
	v11 =	vadd.bf16 v22, v11;
	[tilespmem:s15+$0xFFFFFF00] =	vst v8  }
0xa7: {  	v27 =	vmul.bf16 v14, v28;
	v8 =	vunpack.i.u.bf16.f32 v12;
	v24 =	vmul.bf16 v17, v24;
	v22 =	vld [tilespmem:s17+$0xFFFFFF10]  }
0xa8: {  	v12 =	vunpack.i.l.bf16.f32 v12;
	[tilespmem:s15+$0xFFFFFF80] =	vst v10;
	v10 =	vld [tilespmem:s20+$0xFFFFFF10];
	v9 =	vadd.bf16 v9, v23;
	v23 =	vunpack.i.u.bf16.f32 v11  }
0xa9: {  	v11 =	vunpack.i.l.bf16.f32 v11;
	v8 =	vadd.f32 v12, v8;
	v12 =	vadd.bf16 v27, v24;
	v24 =	vld [tilespmem:s17+$0xFFFFFF90]  }
0xaa: {  	s1 =	simm.s32 $0x1100;
	v11 =	vadd.f32 v11, v23;
	v27 =	vld [tilespmem:s20+$0xFFFFFF90];
	v13 =	vmul.bf16 v20, v13;
	v25 =	vmul.bf16 v21, v25  }
0xab: {  	v35 =	vld [tilespmem:s1+$0x80];
	[tilespmem:s15+$0x0] =	vst v8;
	v8 =	vunpack.i.u.bf16.f32 v9;
	v9 =	vunpack.i.l.bf16.f32 v9;
	v23 =	vunpack.i.u.bf16.f32 v12  }
0xac: {  	v43 =	vld [tilespmem:s17+$0x10];
	v12 =	vunpack.i.l.bf16.f32 v12;
	v8 =	vadd.f32 v9, v8;
	v13 =	vadd.bf16 v25, v13  }
0xad: {  	[tilespmem:s14+$0xFFFFFF40] =	vst v11;
	v22 =	vmul.bf16 v5, v22;
	v10 =	vmul.bf16 v2, v10;
	v12 =	vadd.f32 v12, v23;
	v25 =	vld [tilespmem:s20+$0x10]  }
0xae: {  	v9 =	vld [tilespmem:s29+$0xFFFFFF50];
	v24 =	vmul.bf16 v3, v24;
	v11 =	vunpack.i.u.bf16.f32 v13;
	v13 =	vunpack.i.l.bf16.f32 v13  }
0xaf: {  	v44 =	vld [tilespmem:s28+$0xFFFFFF50];
	[tilespmem:s14+$0xFFFFFFC0] =	vst v8;
	v8 =	vmul.bf16 v0, v27;
	v10 =	vadd.bf16 v10, v22;
	v11 =	vadd.f32 v13, v11  }
0xb0: {  	v23 =	vld [tilespmem:s29+$0xFFFFFFD0];
	[tilespmem:s14+$0x40] =	vst v12;
	v13 =	vunpack.i.u.bf16.f32 v26;
	v26 =	vunpack.i.l.bf16.f32 v26  }
0xb1: {  	v22 =	vld [tilespmem:s28+$0xFFFFFFD0];
	v8 =	vadd.bf16 v8, v24;
	v12 =	vunpack.i.u.bf16.f32 v10;
	v10 =	vunpack.i.l.bf16.f32 v10;
	[tilespmem:s15+$0xA0] =	vst v11  }
0xb2: {  	v10 =	vadd.f32 v10, v12;
	v11 =	vadd.f32 v26, v13;
	v24 =	vmul.bf16 v1, v25;
	v25 =	vld [tilespmem:s17+$0xB0]  }
0xb3: {  	v13 =	vmul.bf16 v4, v43;
	v26 =	vunpack.i.u.bf16.f32 v8;
	v8 =	vunpack.i.l.bf16.f32 v8;
	v27 =	vld [tilespmem:s20+$0xB0]  }
0xb4: {  	v9 =	vmul.bf16 v19, v9;
	v8 =	vadd.f32 v8, v26;
	v26 =	vmul.bf16 v18, v44;
	[tilespmem:s14+$0xE0] =	vst v11;
	v11 =	vld [tilespmem:s29+$0x50]  }
0xb5: {  	[tilespmem:s15+$0xFFFFFF10] =	vst v10;
	v13 =	vadd.bf16 v24, v13;
	v24 =	vld [tilespmem:s28+$0x50]  }
0xb6: {  	v10 =	vmul.bf16 v16, v23;
	v23 =	vld [tilespmem:s17+$0xFFFFFF20];
	[tilespmem:s15+$0xFFFFFF90] =	vst v8;
	v8 =	vadd.bf16 v26, v9  }
0xb7: {  	v12 =	vld [tilespmem:s29+$0xF0];
	v45 =	vunpack.i.u.bf16.f32 v13;
	v13 =	vunpack.i.l.bf16.f32 v13  }
0xb8: {  	v22 =	vmul.bf16 v15, v22;
	v48 =	vld [tilespmem:s28+$0xF0];
	v13 =	vadd.f32 v13, v45;
	v46 =	vunpack.i.u.bf16.f32 v8  }
0xb9: {  	s23 =	sadd.s32 $0x4, s22;
	v9 =	vld [tilespmem:s20+$0xFFFFFF20];
	v8 =	vunpack.i.l.bf16.f32 v8;
	v25 =	vmul.bf16 v20, v25;
	v26 =	vmul.bf16 v21, v27  }
0xba: {  	s21 =	sadd.s32 $0x5, s23;
	v10 =	vadd.bf16 v22, v10;
	v27 =	vld [tilespmem:s17+$0xFFFFFFA0];
	v8 =	vadd.f32 v8, v46  }
0xbb: {  	v37 =	vmov s21;
	v11 =	vmul.bf16 v17, v11;
	[tilespmem:s15+$0x10] =	vst v13;
	v13 =	vld [tilespmem:s20+$0xFFFFFFA0];
	v25 =	vadd.bf16 v26, v25  }
0xbc: {  	v24 =	vmul.bf16 v14, v24;
	v22 =	vld [tilespmem:s17+$0x20];
	[tilespmem:s14+$0xFFFFFF50] =	vst v8;
	v8 =	vunpack.i.l.bf16.f32 v10;
	v7 =	vmul.bf16 v7, v12  }
0xbd: {  	v26 =	vld [tilespmem:s20+$0x20];
	v6 =	vmul.bf16 v6, v48;
	v47 =	vunpack.i.u.bf16.f32 v25;
	v25 =	vunpack.i.l.bf16.f32 v25  }
0xbe: {  	v60 =	vld [tilespmem:s1+$0xFFFFFF00];
	v11 =	vadd.bf16 v24, v11;
	v24 =	vunpack.i.u.bf16.f32 v10;
	v25 =	vadd.f32 v25, v47  }
0xbf: {  	s21 =	simm.s32 $0x5100;
	v9 =	vmul.bf16 v2, v9;
	v10 =	vmul.bf16 v5, v23;
	v23 =	vld [tilespmem:s29+$0xFFFFFF60];
	v8 =	vadd.f32 v8, v24  }
0xc0: {  	v62 =	vld [tilespmem:s21+$0xFFFFFF00];
	v6 =	vadd.bf16 v6, v7;
	v49 =	vunpack.i.u.bf16.f32 v11;
	v11 =	vunpack.i.l.bf16.f32 v11;
	[tilespmem:s15+$0xB0] =	vst v25  }
0xc1: {  	v9 =	vadd.bf16 v9, v10;
	v10 =	vmul.bf16 v0, v13;
	v25 =	vmul.bf16 v3, v27;
	v13 =	vld [tilespmem:s17+$0xC0]  }
0xc2: {  	v11 =	vadd.f32 v11, v49;
	[tilespmem:s14+$0xFFFFFFD0] =	vst v8;
	v22 =	vmul.bf16 v4, v22;
	v26 =	vmul.bf16 v1, v26;
	v8 =	vld [tilespmem:s20+$0xC0]  }
0xc3: {  	v24 =	vld [tilespmem:s28+$0xFFFFFF60];
	v27 =	vunpack.i.u.bf16.f32 v9;
	v9 =	vunpack.i.l.bf16.f32 v9;
	v10 =	vadd.bf16 v10, v25  }
0xc4: {  	[tilespmem:s14+$0x50] =	vst v11;
	v9 =	vadd.f32 v9, v27;
	v7 =	vmul.bf16 v19, v23;
	v23 =	vld [tilespmem:s21+$0x80];
	v11 =	vadd.bf16 v26, v22  }
0xc5: {  	v25 =	vld [tilespmem:s29+$0xFFFFFFE0];
	v22 =	vunpack.i.u.bf16.f32 v10;
	v10 =	vunpack.i.l.bf16.f32 v10  }
0xc6: {  	v26 =	vld [tilespmem:s28+$0xFFFFFFE0];
	[tilespmem:s15+$0xFFFFFF20] =	vst v9;
	v9 =	vunpack.i.l.bf16.f32 v11;
	v10 =	vadd.f32 v10, v22  }
0xc7: {  	s25 =	sadd.s32 $0x7, s23;
	v27 =	vld [tilespmem:s29+$0x60];
	v22 =	vunpack.i.u.bf16.f32 v11;
	v13 =	vmul.bf16 v20, v13;
	v8 =	vmul.bf16 v21, v8  }
0xc8: {  	v50 =	vld [tilespmem:s28+$0x60];
	v9 =	vadd.f32 v9, v22;
	v22 =	vmov s25  }
0xc9: {  	v11 =	vld [tilespmem:s17+$0xFFFFFF30];
	v8 =	vadd.bf16 v8, v13;
	v13 =	vor.u32 $0x100, v22  }
0xca: {  	[tilespmem:s15+$0xFFFFFFA0] =	vst v10;
	v10 =	vld [tilespmem:s20+$0xFFFFFF30]  }
0xcb: {  	v51 =	vld [tilespmem:s17+$0xFFFFFFB0];
	[tilespmem:s15+$0x20] =	vst v9;
	v9 =	vunpack.i.u.bf16.f32 v8;
	v8 =	vunpack.i.l.bf16.f32 v8  }
0xcc: {  	v32 =	vld [tilespmem:s17+$0x30];
	v8 =	vadd.f32 v8, v9  }
0xcd: {  	s18 =	sadd.s32 $0x4, s23;
	v9 =	vld.idx.msk [tilespmem:v22+s2+$0x0], $0xffff  }
0xce: {  	v34 =	vmov s18;
	[tilespmem:s15+$0xC0] =	vst v8;
	v12 =	vld.idx.msk [tilespmem:v13+s2+$0x0], $0xffff  }
0xcf: {  	v25 =	vmul.bf16 v16, v25;
	v26 =	vmul.bf16 v15, v26;
	v22 =	vor.u32 $0x100, v37;
	v52 =	vld [tilespmem:s17+$0xD0]  }
0xd0: {  	v36 =	vor.u32 $0x100, v34;
	v27 =	vmul.bf16 v17, v27;
	v28 =	vmul.bf16 v14, v50;
	v39 =	vld [tilespmem:s20+$0xD0]  }
0xd1: {  	s3 =	sadd.s32 $0x6, s23;
	v40 =	vunpack.i.l.bf16.f32 v6;
	v33 =	vld [tilespmem:s20+$0x30];
	v41 =	vmul.bf16 v5, v11;
	v55 =	vmul.bf16 v2, v10  }
0xd2: {  	v63 =	vld [tilespmem:s1+$0xFFFFFF80];
	v8 =	vmov s3;
	v13 =	vmul.bf16 v18, v24;
	v30 =	vmul.bf16 v3, v51  }
0xd3: {  	v31 =	vld [tilespmem:s20+$0xFFFFFFB0];
	v24 =	vunpack.i.u.bf16.f32 v6;
	v57 =	vmul.bf16 v9, v35;
	v23 =	vmul.bf16 v12, v23  }
0xd4: {  	v38 =	vor.u32 $0x100, v8;
	v53 =	vadd.bf16 v13, v7;
	v7 =	vld.idx.msk [tilespmem:v22+s2+$0x0], $0xffff;
	v22 =	vadd.f32 v40, v24  }
0xd5: {  	v11 =	vld.idx.msk [tilespmem:v34+s2+$0x0], $0xffff;
	v24 =	vmul.bf16 v20, v52;
	v54 =	vmul.bf16 v21, v39;
	v23 =	vadd.bf16 v23, v57  }
0xd6: {  	v10 =	vld.idx.msk [tilespmem:v37+s2+$0x0], $0xffff;
	v32 =	vmul.bf16 v4, v32;
	v33 =	vmul.bf16 v1, v33  }
0xd7: {  	v6 =	vld.idx.msk [tilespmem:v36+s2+$0x0], $0xffff;
	v24 =	vadd.bf16 v54, v24;
	v43 =	vunpack.i.u.bf16.f32 v23;
	v23 =	vunpack.i.l.bf16.f32 v23  }
0xd8: {  	v56 =	vunpack.i.u.bf16.f32 v53;
	v58 =	vunpack.i.l.bf16.f32 v53;
	v53 =	vld [tilespmem:s1+$0x0];
	v23 =	vadd.f32 v23, v43  }
0xd9: {  	s18 =	simm.s32 $0x11100;
	v47 =	vadd.bf16 v33, v32;
	v8 =	vld.idx.msk [tilespmem:v8+s2+$0x0], $0xffff;
	v61 =	vunpack.i.u.bf16.f32 v24;
	v24 =	vunpack.i.l.bf16.f32 v24  }
0xda: {  	v31 =	vmul.bf16 v0, v31;
	v13 =	vld.idx.msk [tilespmem:v38+s2+$0x0], $0xffff;
	v24 =	vadd.f32 v24, v61;
	[tilespmem:s18+$0x80] =	vst v23  }
0xdb: {  	v27 =	vadd.bf16 v28, v27;
	v59 =	vadd.bf16 v55, v41;
	v50 =	vunpack.i.u.bf16.f32 v47;
	v49 =	vld [tilespmem:s1+$0x90]  }
0xdc: {  	v28 =	vunpack.i.l.bf16.f32 v47;
	[tilespmem:s15+$0xD0] =	vst v24;
	v24 =	vadd.bf16 v26, v25;
	v26 =	vadd.bf16 v31, v30;
	v51 =	vld [tilespmem:s21+$0x90]  }
0xdd: {  	v46 =	vunpack.i.l.bf16.f32 v59;
	v28 =	vadd.f32 v28, v50;
	v25 =	vunpack.i.u.bf16.f32 v59;
	v45 =	vld [tilespmem:s17+$0xE0]  }
0xde: {  	v23 =	vld [tilespmem:s20+$0xE0];
	v25 =	vadd.f32 v46, v25;
	v48 =	vunpack.i.u.bf16.f32 v26;
	v26 =	vunpack.i.l.bf16.f32 v26  }
0xdf: {  	v29 =	vadd.f32 v58, v56;
	v58 =	vmul.bf16 v10, v63;
	v54 =	vld [tilespmem:s21+$0x0];
	[tilespmem:s15+$0x30] =	vst v28;
	v26 =	vadd.f32 v26, v48  }
0xe0: {  	v63 =	vld [tilespmem:s20+$0x40];
	v32 =	vmul.bf16 v8, v53;
	v52 =	vunpack.i.u.bf16.f32 v24;
	v24 =	vunpack.i.l.bf16.f32 v24;
	[tilespmem:s15+$0xFFFFFF30] =	vst v25  }
0xe1: {  	v44 =	vld [tilespmem:s21+$0xFFFFFF80];
	v25 =	vunpack.i.u.bf16.f32 v27;
	[tilespmem:s15+$0xFFFFFFB0] =	vst v26;
	v26 =	vmul.bf16 v6, v62;
	v31 =	vmul.bf16 v9, v49  }
0xe2: {  	v27 =	vunpack.i.l.bf16.f32 v27;
	v55 =	vld [tilespmem:s17+$0xFFFFFF40];
	v33 =	vmul.bf16 v12, v51;
	v30 =	vmul.bf16 v20, v45  }
0xe3: {  	v56 =	vmul.bf16 v21, v23;
	v23 =	vadd.f32 v27, v25;
	v25 =	vmul.bf16 v11, v60  }
0xe4: {  	v46 =	vmul.bf16 v13, v54;
	v24 =	vadd.f32 v24, v52;
	v27 =	vld [tilespmem:s20+$0xFFFFFF40];
	v31 =	vadd.bf16 v33, v31  }
0xe5: {  	[tilespmem:s14+$0xFFFFFF60] =	vst v29;
	v29 =	vmul.bf16 v1, v63;
	v57 =	vld [tilespmem:s17+$0xFFFFFFC0];
	v30 =	vadd.bf16 v56, v30;
	v25 =	vadd.bf16 v26, v25  }
0xe6: {  	v59 =	vld [tilespmem:s20+$0xFFFFFFC0];
	v26 =	vmul.bf16 v7, v44;
	v42 =	vunpack.i.u.bf16.f32 v31;
	v31 =	vunpack.i.l.bf16.f32 v31  }
0xe7: {  	v28 =	vadd.bf16 v46, v32;
	v60 =	vld [tilespmem:s17+$0x40];
	v35 =	vmul.bf16 v5, v55;
	v31 =	vadd.f32 v31, v42  }
0xe8: {  	v43 =	vld [tilespmem:s29+$0xFFFFFF70];
	v61 =	vunpack.i.u.bf16.f32 v30;
	v30 =	vunpack.i.l.bf16.f32 v30;
	v26 =	vadd.bf16 v26, v58  }
0xe9: {  	v45 =	vld [tilespmem:s28+$0xFFFFFF70];
	v62 =	vunpack.i.u.bf16.f32 v25;
	v25 =	vunpack.i.l.bf16.f32 v25;
	v30 =	vadd.f32 v30, v61;
	[tilespmem:s18+$0x90] =	vst v31  }
0xea: {  	v25 =	vadd.f32 v25, v62;
	v27 =	vmul.bf16 v2, v27;
	v49 =	vmul.bf16 v3, v57;
	v50 =	vld [tilespmem:s1+$0xA0]  }
0xeb: {  	v34 =	vmul.bf16 v0, v59;
	v44 =	vunpack.i.u.bf16.f32 v26;
	v26 =	vunpack.i.l.bf16.f32 v26;
	[tilespmem:s15+$0xE0] =	vst v30;
	v51 =	vld [tilespmem:s21+$0xA0]  }
0xec: {  	v52 =	vunpack.i.u.bf16.f32 v28;
	v26 =	vadd.f32 v26, v44;
	[tilespmem:s18+$0xFFFFFF00] =	vst v25;
	v25 =	vmul.bf16 v4, v60;
	v47 =	vld [tilespmem:s17+$0xF0]  }
0xed: {  	v28 =	vunpack.i.l.bf16.f32 v28;
	v27 =	vadd.bf16 v27, v35;
	v32 =	vadd.bf16 v34, v49;
	v48 =	vld [tilespmem:s20+$0xF0]  }
0xee: {  	v19 =	vmul.bf16 v19, v43;
	v53 =	vld [tilespmem:s1+$0xFFFFFF10];
	[tilespmem:s18+$0xFFFFFF80] =	vst v26;
	v26 =	vadd.f32 v28, v52;
	v25 =	vadd.bf16 v29, v25  }
0xef: {  	v54 =	vld [tilespmem:s21+$0xFFFFFF10];
	v55 =	vunpack.i.u.bf16.f32 v27;
	v27 =	vunpack.i.l.bf16.f32 v27;
	v56 =	vunpack.i.u.bf16.f32 v32  }
0xf0: {  	v58 =	vunpack.i.l.bf16.f32 v32;
	v57 =	vld [tilespmem:s1+$0xFFFFFF90];
	v27 =	vadd.f32 v27, v55;
	v61 =	vunpack.i.u.bf16.f32 v25  }
0xf1: {  	[tilespmem:s18+$0x0] =	vst v26;
	v26 =	vld [tilespmem:s21+$0xFFFFFF90];
	v25 =	vunpack.i.l.bf16.f32 v25;
	v60 =	vmul.bf16 v9, v50;
	v33 =	vmul.bf16 v12, v51  }
0xf2: {  	v18 =	vmul.bf16 v18, v45;
	[tilespmem:s15+$0xFFFFFF40] =	vst v27;
	v27 =	vadd.f32 v58, v56;
	v25 =	vadd.f32 v25, v61  }
0xf3: {  	v59 =	vld [tilespmem:s1+$0x10];
	v20 =	vmul.bf16 v20, v47;
	v21 =	vmul.bf16 v21, v48;
	v32 =	vadd.bf16 v33, v60  }
0xf4: {  	v62 =	vmul.bf16 v11, v53;
	v63 =	vld [tilespmem:s17+$0xFFFFFF50];
	[tilespmem:s15+$0xFFFFFFC0] =	vst v27;
	v27 =	vmul.bf16 v6, v54  }
0xf5: {  	v41 =	vld [tilespmem:s20+$0xFFFFFF50];
	[tilespmem:s15+$0x40] =	vst v25;
	v20 =	vadd.bf16 v21, v20;
	v25 =	vmul.bf16 v10, v57;
	v42 =	vunpack.i.u.bf16.f32 v32  }
0xf6: {  	v21 =	vld [tilespmem:s21+$0x10];
	v32 =	vunpack.i.l.bf16.f32 v32;
	v26 =	vmul.bf16 v7, v26;
	v27 =	vadd.bf16 v27, v62  }
0xf7: {  	v43 =	vld [tilespmem:s17+$0xFFFFFFD0];
	v40 =	vunpack.i.u.bf16.f32 v20;
	v20 =	vunpack.i.l.bf16.f32 v20;
	v28 =	vadd.f32 v32, v42  }
0xf8: {  	v18 =	vadd.bf16 v18, v19;
	v45 =	vld [tilespmem:s17+$0x50];
	v46 =	vmul.bf16 v8, v59;
	v20 =	vadd.f32 v20, v40  }
0xf9: {  	v25 =	vadd.bf16 v26, v25;
	v26 =	vld [tilespmem:s20+$0x50];
	v19 =	vunpack.i.u.bf16.f32 v27;
	v27 =	vunpack.i.l.bf16.f32 v27;
	[tilespmem:s18+$0xA0] =	vst v28  }
0xfa: {  	[tilespmem:s14+$0xFFFFFFE0] =	vst v24;
	v24 =	vmul.bf16 v5, v63;
	v19 =	vadd.f32 v27, v19;
	v27 =	vmul.bf16 v2, v41;
	v28 =	vld [tilespmem:s1+$0xB0]  }
0xfb: {  	v21 =	vmul.bf16 v13, v21;
	v47 =	vunpack.i.u.bf16.f32 v25;
	v25 =	vunpack.i.l.bf16.f32 v25;
	v48 =	vld [tilespmem:s21+$0xB0]  }
0xfc: {  	v44 =	vld [tilespmem:s20+$0xFFFFFFD0];
	v25 =	vadd.f32 v25, v47;
	v24 =	vadd.bf16 v27, v24  }
0xfd: {  	v50 =	vld [tilespmem:s29+$0xFFFFFFF0];
	v51 =	vmul.bf16 v3, v43;
	v29 =	vmul.bf16 v4, v45;
	[tilespmem:s18+$0xFFFFFF10] =	vst v19;
	v21 =	vadd.bf16 v21, v46  }
0xfe: {  	v53 =	vld [tilespmem:s1+$0xFFFFFF20];
	v26 =	vmul.bf16 v1, v26;
	[tilespmem:s18+$0xFFFFFF90] =	vst v25;
	v25 =	vunpack.i.u.bf16.f32 v18;
	v55 =	vunpack.i.u.bf16.f32 v24  }
0xff: {  	v27 =	vld [tilespmem:s21+$0xFFFFFF20];
	v24 =	vunpack.i.l.bf16.f32 v24;
	v49 =	vunpack.i.u.bf16.f32 v21;
	v21 =	vunpack.i.l.bf16.f32 v21  }
0x100: {  	v52 =	vld [tilespmem:s28+$0xFFFFFFF0];
	v19 =	vadd.f32 v21, v49;
	v28 =	vmul.bf16 v9, v28;
	v30 =	vmul.bf16 v12, v48  }
0x101: {  	v18 =	vunpack.i.l.bf16.f32 v18;
	v54 =	vld [tilespmem:s1+$0xFFFFFFA0];
	v24 =	vadd.f32 v24, v55;
	v21 =	vmul.bf16 v0, v44  }
0x102: {  	v33 =	vmul.bf16 v16, v50;
	v18 =	vadd.f32 v18, v25;
	[tilespmem:s18+$0x10] =	vst v19;
	v19 =	vld [tilespmem:s21+$0xFFFFFFA0];
	v28 =	vadd.bf16 v30, v28  }
0x103: {  	v26 =	vadd.bf16 v26, v29;
	v21 =	vadd.bf16 v21, v51;
	v32 =	vmul.bf16 v11, v53;
	v57 =	vld [tilespmem:s1+$0x20]  }
0x104: {  	[tilespmem:s14+$0x60] =	vst v23;
	v27 =	vmul.bf16 v6, v27;
	v23 =	vld [tilespmem:s21+$0x20];
	v59 =	vunpack.i.u.bf16.f32 v28;
	v28 =	vunpack.i.l.bf16.f32 v28  }
0x105: {  	v60 =	vld [tilespmem:s29+$0x70];
	v56 =	vunpack.i.u.bf16.f32 v21;
	v21 =	vunpack.i.l.bf16.f32 v21;
	v28 =	vadd.f32 v28, v59  }
0x106: {  	v61 =	vld [tilespmem:s28+$0x70];
	[tilespmem:s15+$0xFFFFFF50] =	vst v24;
	v58 =	vunpack.i.u.bf16.f32 v26;
	v24 =	vadd.bf16 v27, v32;
	v21 =	vadd.f32 v21, v56  }
0x107: {  	v26 =	vunpack.i.l.bf16.f32 v26;
	v34 =	vmul.bf16 v10, v54;
	v27 =	vld [tilespmem:s17+$0xFFFFFF60];
	v19 =	vmul.bf16 v7, v19;
	[tilespmem:s18+$0xB0] =	vst v28  }
0x108: {  	v63 =	vld [tilespmem:s20+$0xFFFFFF60];
	v26 =	vadd.f32 v26, v58;
	v16 =	vunpack.i.u.bf16.f32 v24;
	[tilespmem:s15+$0xFFFFFFD0] =	vst v21;
	v21 =	vunpack.i.l.bf16.f32 v24  }
0x109: {  	[tilespmem:s14+$0xF0] =	vst v22;
	v62 =	vmul.bf16 v8, v57;
	v25 =	vmul.bf16 v13, v23;
	v23 =	vld [tilespmem:s1+$0xC0];
	v22 =	vadd.bf16 v19, v34  }
0x10a: {  	v31 =	vmul.bf16 v15, v52;
	[tilespmem:s15+$0xF0] =	vst v20;
	v24 =	vld [tilespmem:s21+$0xC0];
	v16 =	vadd.f32 v21, v16;
	v19 =	vmul.bf16 v17, v60  }
0x10b: {  	[tilespmem:s15+$0x50] =	vst v26;
	v20 =	vld [tilespmem:s17+$0xFFFFFFE0];
	v15 =	vunpack.i.u.bf16.f32 v22;
	v17 =	vunpack.i.l.bf16.f32 v22;
	v22 =	vadd.bf16 v25, v62  }
0x10c: {  	v21 =	vmul.bf16 v5, v27;
	[tilespmem:s18+$0xFFFFFF20] =	vst v16;
	v16 =	vld [tilespmem:s20+$0x60];
	v25 =	vadd.f32 v17, v15  }
0x10d: {  	s30 =	simm.s32 $0x1100;
	[tilespmem:s14+$0xFFFFFF70] =	vst v18;
	v17 =	vld [tilespmem:s20+$0xFFFFFFE0];
	v18 =	vunpack.i.u.bf16.f32 v22;
	v26 =	vunpack.i.l.bf16.f32 v22;
	v22 =	vmul.bf16 v2, v63  }
0x10e: {  	s3 =	simm.s32 $0x8;
	s28 =	simm.s32 $0x11100;
	s29 =	simm.s32 $0x5100;
	v14 =	vmul.bf16 v14, v61;
	v15 =	vld [tilespmem:s17+$0x60];
	v26 =	vadd.f32 v26, v18;
	v18 =	vadd.bf16 v31, v33  }
.LBB2_3:
0x10f: {  	s23 =	sadd.s32 s3, s22;
	v27 =	vld [tilespmem:s1+$0xFFFFFF30];
	[tilespmem:s18+$0xFFFFFFA0] =	vst v25;
	v23 =	vmul.bf16 v9, v23;
	v24 =	vmul.bf16 v12, v24;
	v21 =	vadd.bf16 v22, v21  }
0x110: {  	s25 =	sadd.s32 $0x4, s23;
	s4 =	sadd.s32 $0x5, s23;
	s5 =	sadd.s32 $0x7, s23;
	v22 =	vld [tilespmem:s21+$0xFFFFFF30];
	[tilespmem:s18+$0x20] =	vst v26;
	v20 =	vmul.bf16 v3, v20;
	v25 =	vunpack.i.u.bf16.f32 v18;
	v26 =	vadd.bf16 v14, v19;
	v14 =	vmovc v1  }
0x111: {  	s23 =	sadd.s32 $0x6, s23;
	v1 =	vmovc v13;
	v28 =	vmov s25;
	v19 =	vmov s5;
	v29 =	vld [tilespmem:s1+$0xFFFFFFB0];
	v23 =	vadd.bf16 v24, v23  }
0x112: {  	v24 =	vmov s4;
	v30 =	vmov s23;
	v13 =	vor.u32 $0x100, v28;
	v31 =	vld [tilespmem:s21+$0xFFFFFFB0]  }
0x113: {  	v32 =	vor.u32 $0x100, v24;
	v33 =	vld [tilespmem:s1+$0x30];
	v34 =	vunpack.i.u.bf16.f32 v23;
	v23 =	vunpack.i.l.bf16.f32 v23  }
0x114: {  	v35 =	vor.u32 $0x100, v30;
	v36 =	vor.u32 $0x100, v19;
	s1 =	sadd.s32 $0x200, s1;
	v37 =	vld [tilespmem:s21+$0x30];
	v23 =	vadd.f32 v23, v34  }
0x115: {  	v38 =	vunpack.i.u.bf16.f32 v21;
	v27 =	vmul.bf16 v11, v27;
	v34 =	vld [tilespmem:s1+$0x80];
	v22 =	vmul.bf16 v6, v22  }
0x116: {  	v17 =	vmul.bf16 v0, v17;
	v19 =	vld.idx.msk [tilespmem:v19+s2+$0x0], $0xffff;
	v29 =	vmul.bf16 v10, v29;
	[tilespmem:s18+$0xC0] =	vst v23;
	v23 =	vunpack.i.l.bf16.f32 v21  }
0x117: {  	v15 =	vmul.bf16 v4, v15;
	v21 =	vadd.bf16 v22, v27;
	v22 =	vmul.bf16 v7, v31;
	v27 =	vld [tilespmem:s30+$0xD0]  }
0x118: {  	s3 =	sadd.s32 $0x4, s3;
	v17 =	vadd.bf16 v17, v20;
	v16 =	vmul.bf16 v14, v16;
	v31 =	vmul.bf16 v8, v33;
	v33 =	vld [tilespmem:s21+$0xD0]  }
0x119: {  	p2 =	slt.u32 s3, $0x7C;
	s21 =	sadd.s32 $0x200, s21;
	v20 =	vld.idx.msk [tilespmem:v36+s2+$0x0], $0xffff;
	v36 =	vunpack.i.u.bf16.f32 v21;
	v22 =	vadd.bf16 v22, v29;
	v29 =	vmul.bf16 v1, v37  }
0x11a: {  	v40 =	vunpack.i.u.bf16.f32 v17;
	v16 =	vadd.bf16 v16, v15;
	v39 =	vunpack.i.l.bf16.f32 v21;
	v37 =	vld [tilespmem:s21+$0x80]  }
0x11b: {  	v21 =	vld.idx.msk [tilespmem:v13+s2+$0x0], $0xffff;
	v13 =	vunpack.i.u.bf16.f32 v22;
	v22 =	vunpack.i.l.bf16.f32 v22;
	v29 =	vadd.bf16 v29, v31  }
0x11c: {  	v31 =	vadd.f32 v39, v36;
	v36 =	vunpack.i.l.bf16.f32 v17;
	v15 =	vld.idx.msk [tilespmem:v32+s2+$0x0], $0xffff;
	v32 =	vadd.f32 v22, v13  }
0x11d: {  	v27 =	vmul.bf16 v9, v27;
	v13 =	vld.idx.msk [tilespmem:v35+s2+$0x0], $0xffff;
	v35 =	vunpack.i.u.bf16.f32 v29;
	v33 =	vmul.bf16 v12, v33  }
0x11e: {  	v22 =	vld.idx.msk [tilespmem:v28+s2+$0x0], $0xffff;
	[tilespmem:s18+$0xFFFFFF30] =	vst v31;
	v28 =	vunpack.i.l.bf16.f32 v29;
	v29 =	vunpack.i.u.bf16.f32 v16;
	v31 =	vunpack.i.l.bf16.f32 v16  }
0x11f: {  	v17 =	vld.idx.msk [tilespmem:v24+s2+$0x0], $0xffff;
	v24 =	vmul.bf16 v19, v34;
	v34 =	vmul.bf16 v20, v37;
	v27 =	vadd.bf16 v33, v27  }
0x120: {  	v18 =	vunpack.i.l.bf16.f32 v18;
	v23 =	vadd.f32 v23, v38;
	v28 =	vadd.f32 v28, v35;
	v16 =	vld.idx.msk [tilespmem:v30+s2+$0x0], $0xffff;
	[tilespmem:s18+$0xFFFFFFB0] =	vst v32  }
0x121: {  	v30 =	vld [tilespmem:s1+$0xFFFFFF00];
	v24 =	vadd.bf16 v34, v24;
	v32 =	vunpack.i.u.bf16.f32 v27;
	v27 =	vunpack.i.l.bf16.f32 v27  }
0x122: {  	v33 =	vld [tilespmem:s21+$0xFFFFFF00];
	[tilespmem:s18+$0x30] =	vst v28;
	v27 =	vadd.f32 v27, v32;
	v28 =	vadd.f32 v36, v40;
	v32 =	vunpack.i.u.bf16.f32 v26  }
0x123: {  	v34 =	vld [tilespmem:s1+$0xFFFFFF80];
	v35 =	vunpack.i.u.bf16.f32 v24;
	v24 =	vunpack.i.l.bf16.f32 v24;
	[tilespmem:s15+$0xFFFFFF60] =	vst v23;
	v23 =	vadd.f32 v31, v29  }
0x124: {  	v18 =	vadd.f32 v18, v25;
	v25 =	vunpack.i.l.bf16.f32 v26;
	v29 =	vld [tilespmem:s21+$0xFFFFFF80];
	v24 =	vadd.f32 v24, v35;
	[tilespmem:s18+$0xD0] =	vst v27  }
0x125: {  	v25 =	vadd.f32 v25, v32;
	s18 =	sadd.s32 $0x200, s18;
	v26 =	vld [tilespmem:s30+$0xE0];
	[tilespmem:s15+$0xFFFFFFE0] =	vst v28  }
0x126: {  	v27 =	vmul.bf16 v22, v30;
	[tilespmem:s18+$0x80] =	vst v24;
	v24 =	vld [tilespmem:s29+$0xE0]  }
0x127: {  	v28 =	vmul.bf16 v21, v33;
	v30 =	vld [tilespmem:s1+$0x90];
	[tilespmem:s15+$0x60] =	vst v23  }
0x128: {  	v23 =	vmul.bf16 v17, v34;
	v31 =	vld [tilespmem:s21+$0x90];
	[tilespmem:s14+$0xFFFFFFF0] =	vst v18  }
0x129: {  	v18 =	vadd.bf16 v28, v27;
	v27 =	vmul.bf16 v15, v29;
	v28 =	vld [tilespmem:s1+$0x0];
	[tilespmem:s14+$0x70] =	vst v25;
	s14 =	smov.u32 s15;
	s15 =	smov.u32 s28;
	s28 =	smov.u32 s18  }
0x12a: {  	v25 =	vld [tilespmem:s21+$0x0]  }
0x12b: {  	v26 =	vmul.bf16 v9, v26;
	v23 =	vadd.bf16 v27, v23;
	v27 =	vld [tilespmem:s30+$0xFFFFFF40];
	v24 =	vmul.bf16 v12, v24  }
0x12c: {  	v29 =	vunpack.i.u.bf16.f32 v18;
	v18 =	vunpack.i.l.bf16.f32 v18;
	v32 =	vld [tilespmem:s29+$0xFFFFFF40]  }
0x12d: {  	v30 =	vmul.bf16 v19, v30;
	v31 =	vmul.bf16 v20, v31;
	v33 =	vld [tilespmem:s30+$0xFFFFFFC0];
	v24 =	vadd.bf16 v24, v26  }
0x12e: {  	v26 =	vunpack.i.u.bf16.f32 v23;
	v23 =	vunpack.i.l.bf16.f32 v23;
	v28 =	vmul.bf16 v16, v28;
	v34 =	vld [tilespmem:s29+$0xFFFFFFC0]  }
0x12f: {  	v30 =	vadd.bf16 v31, v30;
	v31 =	vld [tilespmem:s30+$0x40];
	v35 =	vunpack.i.u.bf16.f32 v24;
	v24 =	vunpack.i.l.bf16.f32 v24  }
0x130: {  	v18 =	vadd.f32 v18, v29;
	v25 =	vmul.bf16 v13, v25;
	v29 =	vld [tilespmem:s29+$0x40];
	v24 =	vadd.f32 v24, v35  }
0x131: {  	v23 =	vadd.f32 v23, v26;
	v26 =	vunpack.i.u.bf16.f32 v30;
	v30 =	vunpack.i.l.bf16.f32 v30;
	v35 =	vld [tilespmem:s17+$0xFFFFFF70]  }
0x132: {  	v27 =	vmul.bf16 v11, v27;
	v25 =	vadd.bf16 v25, v28;
	v26 =	vadd.f32 v30, v26;
	[tilespmem:s15+$0xE0] =	vst v24;
	v24 =	vld [tilespmem:s20+$0xFFFFFF70]  }
0x133: {  	v28 =	vmul.bf16 v10, v33;
	[tilespmem:s18+$0xFFFFFF00] =	vst v18;
	v18 =	vmul.bf16 v6, v32;
	v30 =	vld [tilespmem:s30+$0xF0]  }
0x134: {  	v32 =	vunpack.i.u.bf16.f32 v25;
	v25 =	vunpack.i.l.bf16.f32 v25;
	[tilespmem:s18+$0x90] =	vst v26;
	v26 =	vmul.bf16 v7, v34;
	v33 =	vld [tilespmem:s29+$0xF0]  }
0x135: {  	v31 =	vmul.bf16 v8, v31;
	[tilespmem:s18+$0xFFFFFF80] =	vst v23;
	v23 =	vadd.f32 v25, v32;
	v25 =	vld [tilespmem:s1+$0xA0];
	v29 =	vmul.bf16 v1, v29  }
0x136: {  	v18 =	vadd.bf16 v18, v27;
	v32 =	vld [tilespmem:s21+$0xA0];
	v26 =	vadd.bf16 v26, v28;
	v27 =	vmul.bf16 v5, v35;
	v5 =	vmovc v11  }
0x137: {  	v28 =	vld [tilespmem:s1+$0xFFFFFF10];
	[tilespmem:s18+$0x0] =	vst v23;
	v23 =	vadd.bf16 v29, v31;
	v24 =	vmul.bf16 v2, v24;
	v2 =	vmovc v6;
	v6 =	vmov v21  }
0x138: {  	v11 =	vmovc v22;
	v29 =	vunpack.i.u.bf16.f32 v18;
	v18 =	vunpack.i.l.bf16.f32 v18;
	v21 =	vld [tilespmem:s21+$0xFFFFFF10];
	v31 =	vunpack.i.u.bf16.f32 v26  }
0x139: {  	v26 =	vunpack.i.l.bf16.f32 v26;
	v30 =	vmul.bf16 v9, v30;
	v9 =	vmovc v19;
	v22 =	vld [tilespmem:s1+$0xFFFFFF90];
	v33 =	vmul.bf16 v12, v33;
	v12 =	vmovc v20  }
0x13a: {  	v18 =	vadd.f32 v18, v29;
	v20 =	vunpack.i.u.bf16.f32 v23;
	v23 =	vunpack.i.l.bf16.f32 v23;
	v19 =	vld [tilespmem:s21+$0xFFFFFF90]  }
0x13b: {  	v25 =	vmul.bf16 v9, v25;
	v29 =	vld [tilespmem:s1+$0x10];
	v32 =	vmul.bf16 v12, v32;
	v30 =	vadd.bf16 v33, v30  }
0x13c: {  	v20 =	vadd.f32 v23, v20;
	v28 =	vmul.bf16 v11, v28;
	v33 =	vld [tilespmem:s21+$0x10];
	[tilespmem:s15+$0xFFFFFF40] =	vst v18;
	v18 =	vadd.f32 v26, v31  }
0x13d: {  	v23 =	vadd.bf16 v32, v25;
	v25 =	vld [tilespmem:s30+$0xFFFFFF50];
	v26 =	vunpack.i.u.bf16.f32 v30;
	v30 =	vunpack.i.l.bf16.f32 v30  }
0x13e: {  	v21 =	vmul.bf16 v6, v21;
	v22 =	vmul.bf16 v17, v22;
	v31 =	vld [tilespmem:s29+$0xFFFFFF50];
	[tilespmem:s15+$0xFFFFFFC0] =	vst v18;
	v18 =	vadd.f32 v30, v26  }
0x13f: {  	v19 =	vmul.bf16 v15, v19;
	v26 =	vunpack.i.u.bf16.f32 v23;
	v23 =	vunpack.i.l.bf16.f32 v23;
	v30 =	vld [tilespmem:s30+$0xFFFFFFD0];
	[tilespmem:s15+$0x40] =	vst v20  }
0x140: {  	v20 =	vadd.bf16 v21, v28;
	v21 =	vmul.bf16 v16, v29;
	v23 =	vadd.f32 v23, v26;
	v26 =	vld [tilespmem:s29+$0xFFFFFFD0];
	[tilespmem:s15+$0xF0] =	vst v18  }
0x141: {  	v24 =	vadd.bf16 v24, v27;
	v18 =	vadd.bf16 v19, v22;
	v19 =	vmul.bf16 v13, v33;
	v22 =	vld [tilespmem:s30+$0x50]  }
0x142: {  	v27 =	vunpack.i.u.bf16.f32 v20;
	v20 =	vunpack.i.l.bf16.f32 v20;
	[tilespmem:s18+$0xA0] =	vst v23;
	v23 =	vmul.bf16 v5, v25;
	v25 =	vld [tilespmem:s29+$0x50]  }
0x143: {  	v28 =	vunpack.i.u.bf16.f32 v18;
	v18 =	vunpack.i.l.bf16.f32 v18;
	v19 =	vadd.bf16 v19, v21;
	v21 =	vld [tilespmem:s1+$0xB0]  }
0x144: {  	v20 =	vadd.f32 v20, v27;
	v18 =	vadd.f32 v18, v28;
	v27 =	vld [tilespmem:s21+$0xB0];
	v28 =	vmul.bf16 v2, v31  }
0x145: {  	v30 =	vmul.bf16 v10, v30;
	v29 =	vunpack.i.u.bf16.f32 v19;
	v19 =	vunpack.i.l.bf16.f32 v19;
	v31 =	vld [tilespmem:s17+$0xFFFFFFF0]  }
0x146: {  	[tilespmem:s18+$0xFFFFFF10] =	vst v20;
	v19 =	vadd.f32 v19, v29;
	v20 =	vmul.bf16 v7, v26;
	v22 =	vmul.bf16 v8, v22;
	v26 =	vld [tilespmem:s20+$0xFFFFFFF0]  }
0x147: {  	v29 =	vld [tilespmem:s1+$0xFFFFFF20];
	[tilespmem:s18+$0xFFFFFF90] =	vst v18;
	v18 =	vadd.bf16 v28, v23;
	v23 =	vmul.bf16 v1, v25;
	v25 =	vunpack.i.u.bf16.f32 v24  }
0x148: {  	v28 =	vld [tilespmem:s21+$0xFFFFFF20];
	[tilespmem:s18+$0x10] =	vst v19;
	v19 =	vadd.bf16 v20, v30;
	v20 =	vunpack.i.l.bf16.f32 v24  }
0x149: {  	v21 =	vmul.bf16 v9, v21;
	v24 =	vld [tilespmem:s1+$0xFFFFFFA0];
	v27 =	vmul.bf16 v12, v27;
	v22 =	vadd.bf16 v23, v22  }
0x14a: {  	v30 =	vunpack.i.u.bf16.f32 v18;
	v18 =	vunpack.i.l.bf16.f32 v18;
	v23 =	vld [tilespmem:s21+$0xFFFFFFA0];
	v32 =	vunpack.i.u.bf16.f32 v19  }
0x14b: {  	v19 =	vunpack.i.l.bf16.f32 v19;
	v33 =	vld [tilespmem:s1+$0x20];
	v21 =	vadd.bf16 v27, v21;
	v27 =	vunpack.i.u.bf16.f32 v22  }
0x14c: {  	v18 =	vadd.f32 v18, v30;
	v22 =	vunpack.i.l.bf16.f32 v22;
	v29 =	vmul.bf16 v11, v29;
	v34 =	vld [tilespmem:s21+$0x20]  }
0x14d: {  	v28 =	vmul.bf16 v6, v28;
	v30 =	vunpack.i.u.bf16.f32 v21;
	v21 =	vunpack.i.l.bf16.f32 v21;
	v35 =	vld [tilespmem:s17+$0x70];
	s17 =	smov.u32 s30;
	s30 =	smov.u32 s1  }
0x14e: {  	v24 =	vmul.bf16 v17, v24;
	v21 =	vadd.f32 v21, v30;
	[tilespmem:s15+$0xFFFFFF50] =	vst v18;
	v18 =	vadd.f32 v19, v32;
	v30 =	vld [tilespmem:s20+$0x70];
	s20 =	smov.u32 s29;
	s29 =	smov.u32 s21  }
0x14f: {  	v22 =	vadd.f32 v22, v27;
	v19 =	vadd.bf16 v28, v29;
	v23 =	vmul.bf16 v15, v23;
	v28 =	vld [tilespmem:s17+$0xFFFFFF60]  }
0x150: {  	v31 =	vmul.bf16 v3, v31;
	v27 =	vmul.bf16 v16, v33;
	[tilespmem:s18+$0xB0] =	vst v21;
	v29 =	vld [tilespmem:s20+$0xFFFFFF60];
	v21 =	vadd.f32 v20, v25  }
0x151: {  	v3 =	vmovc v10;
	v25 =	vunpack.i.u.bf16.f32 v19;
	v20 =	vadd.bf16 v23, v24;
	v32 =	vmul.bf16 v13, v34;
	v23 =	vld [tilespmem:s1+$0xC0];
	[tilespmem:s15+$0xFFFFFFD0] =	vst v18  }
.Ltmp0:
0x152: {  	v33 =	vmul.bf16 v0, v26;
	v0 =	vmovc v7;
	v18 =	vunpack.i.l.bf16.f32 v19;
	v24 =	vld [tilespmem:s21+$0xC0];
	[tilespmem:s15+$0x50] =	vst v22;
	v19 =	vmul.bf16 v4, v35;
	(pc) =	sbr.rel @p2 .LBB2_3-.Ltmp0, $4  }
0x153: {  	v10 =	vmovc v17;
	v7 =	vmovc v15;
	v34 =	vunpack.i.u.bf16.f32 v20;
	v22 =	vunpack.i.l.bf16.f32 v20;
	v26 =	vadd.bf16 v32, v27;
	v20 =	vld [tilespmem:s17+$0xFFFFFFE0];
	[tilespmem:s14+$0xFFFFFF70] =	vst v21  }
0x154: {  	v18 =	vadd.f32 v18, v25;
	v4 =	vmovc v8;
	v25 =	vadd.f32 v22, v34;
	v21 =	vmul.bf16 v5, v28;
	v17 =	vld [tilespmem:s20+$0xFFFFFFE0]  }
0x155: {  	v8 =	vmovc v16;
	v27 =	vunpack.i.u.bf16.f32 v26;
	v26 =	vunpack.i.l.bf16.f32 v26;
	v22 =	vmul.bf16 v2, v29;
	v15 =	vld [tilespmem:s17+$0x60]  }
0x156: {  	v14 =	vmul.bf16 v14, v30;
	[tilespmem:s18+$0xFFFFFF20] =	vst v18;
	v26 =	vadd.f32 v26, v27;
	v16 =	vld [tilespmem:s20+$0x60];
	v18 =	vadd.bf16 v33, v31  }
0x157: {  	v27 =	vld [tilespmem:s1+$0xFFFFFF30]  }
0x158: {  	[tilespmem:s18+$0xFFFFFFA0] =	vst v25;
	v39 =	vld [tilespmem:s21+$0xFFFFFF30]  }
0x159: {  	v28 =	vld [tilespmem:s1+$0xFFFFFFB0]  }
0x15a: {  	v29 =	vld [tilespmem:s21+$0xFFFFFFB0];
	[tilespmem:s18+$0x20] =	vst v26  }
0x15b: {  	v26 =	vld [tilespmem:s1+$0x30]  }
0x15c: {  	v30 =	vld [tilespmem:s21+$0x30];
	_ =	sdelay $0x1  }
0x15d: {  	v27 =	vmul.bf16 v11, v27;
	v25 =	vmul.bf16 v6, v39;
	_ =	sdelay $0x1  }
0x15e: {  	v40 =	vmul.bf16 v10, v28;
	v41 =	vmul.bf16 v7, v29;
	v25 =	vadd.bf16 v25, v27  }
0x15f: {  	v26 =	vmul.bf16 v8, v26;
	v43 =	vmul.bf16 v13, v30  }
0x160: {  	v27 =	vadd.bf16 v41, v40;
	v42 =	vunpack.i.u.bf16.f32 v25;
	v25 =	vunpack.i.l.bf16.f32 v25  }
0x161: {  	v25 =	vadd.f32 v25, v42  }
0x162: {  	v26 =	vadd.bf16 v43, v26;
	v44 =	vunpack.i.u.bf16.f32 v27;
	v27 =	vunpack.i.l.bf16.f32 v27  }
0x163: {  	v27 =	vadd.f32 v27, v44;
	[tilespmem:s18+$0xFFFFFF30] =	vst v25  }
0x164: {  	v45 =	vunpack.i.u.bf16.f32 v26;
	v26 =	vunpack.i.l.bf16.f32 v26;
	v25 =	vld [tilespmem:s30+$0xFFFFFF40]  }
0x165: {  	v47 =	vadd.f32 v26, v45;
	[tilespmem:s18+$0xFFFFFFB0] =	vst v27;
	v46 =	vld [tilespmem:s29+$0xFFFFFF40]  }
0x166: {  	v23 =	vmul.bf16 v9, v23;
	v24 =	vmul.bf16 v12, v24;
	v48 =	vld [tilespmem:s30+$0xFFFFFFC0]  }
0x167: {  	v49 =	vld [tilespmem:s29+$0xFFFFFFC0];
	[tilespmem:s18+$0x30] =	vst v47  }
0x168: {  	v23 =	vadd.bf16 v24, v23;
	v24 =	vld [tilespmem:s30+$0x40]  }
0x169: {  	v51 =	vld [tilespmem:s29+$0x40]  }
0x16a: {  	v50 =	vunpack.i.u.bf16.f32 v23;
	v23 =	vunpack.i.l.bf16.f32 v23  }
0x16b: {  	v23 =	vadd.f32 v23, v50;
	v25 =	vmul.bf16 v11, v25;
	v27 =	vmul.bf16 v6, v46;
	_ =	sdelay $0x1  }
0x16c: {  	[tilespmem:s18+$0xC0] =	vst v23;
	v26 =	vmul.bf16 v10, v48;
	v28 =	vmul.bf16 v7, v49;
	v25 =	vadd.bf16 v27, v25  }
0x16d: {  	v23 =	vld [tilespmem:s30+$0xD0];
	v24 =	vmul.bf16 v8, v24;
	v29 =	vmul.bf16 v13, v51  }
0x16e: {  	v52 =	vld [tilespmem:s21+$0xD0];
	v26 =	vadd.bf16 v28, v26;
	v53 =	vunpack.i.u.bf16.f32 v25;
	v25 =	vunpack.i.l.bf16.f32 v25  }
0x16f: {  	v25 =	vadd.f32 v25, v53  }
0x170: {  	v24 =	vadd.bf16 v29, v24;
	v54 =	vunpack.i.u.bf16.f32 v26;
	v26 =	vunpack.i.l.bf16.f32 v26  }
0x171: {  	v55 =	vadd.f32 v26, v54;
	[tilespmem:s28+$0xFFFFFF40] =	vst v25  }
0x172: {  	v58 =	vunpack.i.u.bf16.f32 v24;
	v24 =	vunpack.i.l.bf16.f32 v24;
	v57 =	vld [tilespmem:s30+$0xFFFFFF50]  }
0x173: {  	v23 =	vmul.bf16 v9, v23;
	v56 =	vmul.bf16 v12, v52;
	v24 =	vadd.f32 v24, v58;
	v59 =	vld [tilespmem:s29+$0xFFFFFF50];
	[tilespmem:s28+$0xFFFFFFC0] =	vst v55  }
0x174: {  	v25 =	vld [tilespmem:s30+$0xFFFFFFD0]  }
0x175: {  	v23 =	vadd.bf16 v56, v23;
	v60 =	vld [tilespmem:s29+$0xFFFFFFD0];
	[tilespmem:s28+$0x40] =	vst v24  }
0x176: {  	v24 =	vld [tilespmem:s30+$0x50]  }
0x177: {  	v61 =	vunpack.i.u.bf16.f32 v23;
	v23 =	vunpack.i.l.bf16.f32 v23;
	v62 =	vld [tilespmem:s29+$0x50]  }
0x178: {  	v21 =	vadd.bf16 v22, v21;
	v23 =	vadd.f32 v23, v61  }
0x179: {  	v27 =	vmul.bf16 v11, v57;
	v29 =	vmul.bf16 v6, v59  }
0x17a: {  	v35 =	vunpack.i.u.bf16.f32 v21;
	v21 =	vunpack.i.l.bf16.f32 v21;
	[tilespmem:s18+$0xD0] =	vst v23  }
0x17b: {  	v63 =	vld [tilespmem:s30+$0xE0];
	v32 =	vmul.bf16 v10, v25;
	v33 =	vmul.bf16 v7, v60;
	v34 =	vadd.bf16 v29, v27  }
0x17c: {  	v21 =	vadd.f32 v21, v35;
	v36 =	vld [tilespmem:s29+$0xE0];
	v24 =	vmul.bf16 v8, v24;
	v28 =	vmul.bf16 v13, v62  }
0x17d: {  	v23 =	vadd.bf16 v33, v32;
	v37 =	vunpack.i.u.bf16.f32 v34;
	v26 =	vunpack.i.l.bf16.f32 v34  }
0x17e: {  	v25 =	vadd.f32 v26, v37  }
0x17f: {  	[tilespmem:s15+$0xFFFFFF60] =	vst v21;
	v24 =	vadd.bf16 v28, v24;
	v38 =	vunpack.i.u.bf16.f32 v23;
	v23 =	vunpack.i.l.bf16.f32 v23  }
0x180: {  	v43 =	vld [tilespmem:s17+$0xFFFFFF70];
	v22 =	vmul.bf16 v9, v63;
	v23 =	vadd.f32 v23, v38;
	[tilespmem:s28+$0xFFFFFF50] =	vst v25  }
0x181: {  	v39 =	vmul.bf16 v12, v36;
	v41 =	vunpack.i.u.bf16.f32 v24;
	v24 =	vunpack.i.l.bf16.f32 v24;
	v40 =	vld [tilespmem:s30+$0xFFFFFF60]  }
0x182: {  	v20 =	vmul.bf16 v3, v20;
	v17 =	vmul.bf16 v0, v17;
	v21 =	vadd.f32 v24, v41;
	v42 =	vld [tilespmem:s29+$0xFFFFFF60];
	[tilespmem:s28+$0xFFFFFFD0] =	vst v23  }
0x183: {  	v15 =	vmul.bf16 v4, v15;
	v16 =	vmul.bf16 v1, v16;
	v22 =	vadd.bf16 v39, v22;
	v44 =	vld [tilespmem:s30+$0xFFFFFFE0]  }
0x184: {  	v17 =	vadd.bf16 v17, v20;
	[tilespmem:s28+$0x50] =	vst v21;
	v47 =	vld [tilespmem:s29+$0xFFFFFFE0]  }
0x185: {  	v15 =	vadd.bf16 v16, v15;
	v46 =	vunpack.i.u.bf16.f32 v22;
	v22 =	vunpack.i.l.bf16.f32 v22;
	v50 =	vld [tilespmem:s30+$0x60]  }
0x186: {  	v48 =	vunpack.i.u.bf16.f32 v17;
	v17 =	vunpack.i.l.bf16.f32 v17;
	v49 =	vadd.f32 v22, v46;
	v53 =	vld [tilespmem:s29+$0x60]  }
0x187: {  	v14 =	vadd.bf16 v14, v19;
	v17 =	vadd.f32 v17, v48;
	v54 =	vunpack.i.u.bf16.f32 v15  }
0x188: {  	v15 =	vunpack.i.l.bf16.f32 v15;
	v55 =	vld [tilespmem:s20+$0xFFFFFF70];
	[tilespmem:s28+$0xE0] =	vst v49;
	v51 =	vmul.bf16 v11, v40;
	v52 =	vmul.bf16 v6, v42  }
0x189: {  	v45 =	vunpack.i.u.bf16.f32 v18;
	v5 =	vmul.bf16 v5, v43;
	v15 =	vadd.f32 v15, v54;
	v57 =	vld [tilespmem:s30+$0xF0]  }
0x18a: {  	[tilespmem:s15+$0xFFFFFFE0] =	vst v17;
	v58 =	vld [tilespmem:s29+$0xF0];
	v59 =	vmul.bf16 v10, v44;
	v60 =	vmul.bf16 v7, v47;
	v24 =	vadd.bf16 v52, v51  }
0x18b: {  	v56 =	vunpack.i.l.bf16.f32 v18;
	[tilespmem:s15+$0x60] =	vst v15;
	v15 =	vld [tilespmem:s20+$0xFFFFFFF0];
	v22 =	vmul.bf16 v8, v50;
	v30 =	vmul.bf16 v13, v53  }
0x18c: {  	v31 =	vld [tilespmem:s17+$0x70];
	v19 =	vadd.bf16 v60, v59;
	v63 =	vunpack.i.u.bf16.f32 v24;
	v24 =	vunpack.i.l.bf16.f32 v24  }
0x18d: {  	v18 =	vadd.f32 v56, v45;
	v61 =	vunpack.i.u.bf16.f32 v14;
	v62 =	vld [tilespmem:s17+$0xFFFFFFF0];
	v24 =	vadd.f32 v24, v63  }
0x18e: {  	v32 =	vld [tilespmem:s20+$0x70];
	v20 =	vadd.bf16 v30, v22;
	v33 =	vunpack.i.u.bf16.f32 v19;
	v19 =	vunpack.i.l.bf16.f32 v19  }
0x18f: {  	v9 =	vmul.bf16 v9, v57;
	v12 =	vmul.bf16 v12, v58;
	v34 =	vadd.f32 v19, v33;
	[tilespmem:s28+$0xFFFFFF60] =	vst v24  }
0x190: {  	v2 =	vmul.bf16 v2, v55;
	v35 =	vunpack.i.u.bf16.f32 v20;
	v36 =	vunpack.i.l.bf16.f32 v20;
	v37 =	vld [tilespmem:s30+$0xFFFFFF70]  }
0x191: {  	v14 =	vunpack.i.l.bf16.f32 v14;
	v9 =	vadd.bf16 v12, v9;
	v12 =	vadd.f32 v36, v35;
	[tilespmem:s28+$0xFFFFFFE0] =	vst v34;
	v38 =	vld [tilespmem:s29+$0xFFFFFF70]  }
0x192: {  	v0 =	vmul.bf16 v0, v15;
	v2 =	vadd.bf16 v2, v5;
	v3 =	vmul.bf16 v3, v62;
	v5 =	vld [tilespmem:s30+$0xFFFFFFF0]  }
0x193: {  	v14 =	vadd.f32 v14, v61;
	v4 =	vmul.bf16 v4, v31;
	v1 =	vmul.bf16 v1, v32;
	[tilespmem:s28+$0x60] =	vst v12;
	v12 =	vld [tilespmem:s29+$0xFFFFFFF0]  }
0x194: {  	v39 =	vunpack.i.u.bf16.f32 v2;
	v2 =	vunpack.i.l.bf16.f32 v2;
	v0 =	vadd.bf16 v0, v3;
	v40 =	vld [tilespmem:s30+$0x70]  }
0x195: {  	v1 =	vadd.bf16 v1, v4;
	v15 =	vunpack.i.u.bf16.f32 v9;
	v9 =	vunpack.i.l.bf16.f32 v9;
	v3 =	vld [tilespmem:s29+$0x70]  }
0x196: {  	v2 =	vadd.f32 v2, v39;
	v4 =	vadd.f32 v9, v15  }
0x197: {  	v9 =	vunpack.i.u.bf16.f32 v0;
	v0 =	vunpack.i.l.bf16.f32 v0;
	v15 =	vunpack.i.u.bf16.f32 v1  }
0x198: {  	v0 =	vadd.f32 v0, v9;
	v9 =	vmul.bf16 v11, v37;
	v6 =	vmul.bf16 v6, v38  }
0x199: {  	[tilespmem:s14+$0xFFFFFFF0] =	vst v18;
	v1 =	vunpack.i.l.bf16.f32 v1;
	v5 =	vmul.bf16 v10, v5;
	v7 =	vmul.bf16 v7, v12  }
0x19a: {  	[tilespmem:s14+$0x70] =	vst v14;
	v6 =	vadd.bf16 v6, v9;
	v8 =	vmul.bf16 v8, v40;
	v3 =	vmul.bf16 v13, v3  }
0x19b: {  	v1 =	vadd.f32 v1, v15;
	[tilespmem:s28+$0xF0] =	vst v4;
	v4 =	vadd.bf16 v7, v5  }
0x19c: {  	[tilespmem:s15+$0xFFFFFF70] =	vst v2;
	v2 =	vunpack.i.u.bf16.f32 v6;
	v5 =	vunpack.i.l.bf16.f32 v6;
	v3 =	vadd.bf16 v3, v8  }
0x19d: {  	[tilespmem:s15+$0xFFFFFFF0] =	vst v0;
	v0 =	vadd.f32 v5, v2;
	v2 =	vunpack.i.u.bf16.f32 v4;
	v4 =	vunpack.i.l.bf16.f32 v4  }
0x19e: {  	[tilespmem:s15+$0x70] =	vst v1;
	v1 =	vunpack.i.u.bf16.f32 v3;
	v2 =	vadd.f32 v4, v2;
	v3 =	vunpack.i.l.bf16.f32 v3  }
0x19f: {  	[tilespmem:s28+$0xFFFFFF70] =	vst v0;
	v0 =	vadd.f32 v3, v1  }
0x1a0: {  	s8 =	sshll.u32 s8, $0xC;
	s17 =	rddreg [dreg:$0x1];
	[tilespmem:s28+$0xFFFFFFF0] =	vst v2  }
0x1a1: {  	s3 =	simm.s32 $0x10C00;
	s1 =	sadd.s32 s17, s8;
	[tilespmem:s28+$0x70] =	vst v0  }
0x1a2: {  	[hbm4b:s1+s2] =	stream.linear.scatter [tilespmem:s3], [sflag:$0x4], $0x4000, $0x38;
	[tilespmem:$0x18C00] =	vst v63  }
0x1a3: {  	_ =	swait.ge [sflag:s31], $0x80  }
0x1a4: {  	[sflag:s31] =	ssyncset.done $0x0  }
0x1a5: {  	[sflag:s31] =	ssyncadd.s32 $0xFFFFFF80  }
0x1a6: {  	_ =	swait.ge [sflag:s31], $0x80  }
0x1a7: {  	[sflag:s31] =	ssyncset.done $0x0  }
0x1a8: {  	[sflag:s31] =	ssyncadd.s32 $0xFFFFFF80  }
0x1a9: {  	_ =	swait.ge [sflag:s31], $0x80  }
0x1aa: {  	[sflag:s31] =	ssyncset.done $0x0  }
0x1ab: {  	[sflag:s31] =	ssyncadd.s32 $0xFFFFFF80  }
0x1ac: {  	_ =	swait.ge [sflag:s31], $0x80  }
0x1ad: {  	[sflag:s31] =	ssyncset.done $0x0  }
0x1ae: {  	[sflag:s31] =	ssyncadd.s32 $0xFFFFFF80  }
0x1af: {  	_ =	swait.ge [sflag:s31], $0x400  }
0x1b0: {  	[sflag:s31] =	ssyncset.done $0x0  }
0x1b1: {  	s18 =	simm.s32 $0xC00;
	[sflag:s31] =	ssyncadd.s32 $0xFFFFFC00  }
0x1b2: {  	[tilespmem:s18], [sflag:$0x1] =	stream.indirect.gather [hbm4b:s6+s19], $0x80, s12, s19, $0xb8;
	[tilespmem:$0x18C00] =	vst v63  }
0x1b3: {  	s21 =	simm.s32 $0x4C00;
	s20 =	sadd.s32 $0x500, s11  }
0x1b4: {  	[tilespmem:s21], [sflag:$0x1] =	stream.indirect.gather [hbm4b:s6+s19], $0x80, s20, s19, $0xb8;
	[tilespmem:$0x18C00] =	vst v63  }
0x1b5: {  	_ =	swait.ge [sflag:s0], $0x4000  }
0x1b6: {  	[sflag:s0] =	ssyncset.done $0x0  }
0x1b7: {  	[sflag:s0] =	ssyncadd.s32 $0xFFFFC000  }
0x1b8: {  	s23 =	sadd.s32 $0xFFFFFFFC, s22;
	_ =	swait.ge [sflag:s0], $0x4000  }
0x1b9: {  	s25 =	sadd.s32 $0x87, s23;
	[sflag:s0] =	ssyncset.done $0x0  }
0x1ba: {  	s4 =	simm.s32 @!p1 $0x4;
	v0 =	vmov s25;
	[sflag:s0] =	ssyncadd.s32 $0xFFFFC000  }
0x1bb: {  	s28 =	sadd.s32 $0x84, s23;
	v2 =	vor.u32 $0x100, v0;
	_ =	swait.ge @!p1 [sflag:s4], $0x4000  }
0x1bc: {  	s29 =	sadd.s32 $0x85, s23;
	v4 =	vmov s28;
	[sflag:s4] =	ssyncset.done @!p1 $0x0  }
0x1bd: {  	s30 =	sadd.s32 $0x86, s23;
	v5 =	vmov s29;
	s1 =	simm.s32 $0x0;
	v3 =	vor.u32 $0x100, v4;
	[sflag:s4] =	ssyncadd.s32 @!p1 $0xFFFFC000  }
0x1be: {  	v6 =	vmov s30;
	v7 =	vor.u32 $0x100, v5;
	v8 =	vld [tilespmem:s1+$0x8DF0]  }
0x1bf: {  	v9 =	vor.u32 $0x100, v6;
	v1 =	vld.idx.msk [tilespmem:v0+s2+$0x0], $0xffff  }
0x1c0: {  	v0 =	vld.idx.msk [tilespmem:v2+s2+$0x0], $0xffff  }
0x1c1: {  	v10 =	vld [tilespmem:s1+$0xCDF0]  }
0x1c2: {  	v11 =	vld.idx.msk [tilespmem:v3+s2+$0x0], $0xffff  }
0x1c3: {  	v3 =	vld.idx.msk [tilespmem:v7+s2+$0x0], $0xffff  }
0x1c4: {  	v2 =	vld.idx.msk [tilespmem:v9+s2+$0x0], $0xffff  }
0x1c5: {  	v4 =	vld.idx.msk [tilespmem:v4+s2+$0x0], $0xffff  }
0x1c6: {  	v7 =	vld [tilespmem:s1+$0x8C00]  }
0x1c7: {  	v9 =	vld [tilespmem:s1+$0xCC00]  }
0x1c8: {  	v12 =	vld [tilespmem:s1+$0x8C10]  }
0x1c9: {  	v13 =	vld [tilespmem:s1+$0xCC10]  }
0x1ca: {  	v14 =	vld [tilespmem:s1+$0x8C20]  }
0x1cb: {  	v15 =	vld [tilespmem:s1+$0xCC20]  }
0x1cc: {  	v41 =	vld [tilespmem:s1+$0x8C30]  }
0x1cd: {  	v42 =	vld [tilespmem:s1+$0xCC30]  }
0x1ce: {  	v45 =	vld [tilespmem:s1+$0xCC50]  }
0x1cf: {  	v47 =	vld [tilespmem:s1+$0x8C60]  }
0x1d0: {  	v5 =	vld.idx.msk [tilespmem:v5+s2+$0x0], $0xffff  }
0x1d1: {  	v53 =	vld [tilespmem:s1+$0xCC80]  }
0x1d2: {  	v56 =	vld [tilespmem:s1+$0xCC90]  }
0x1d3: {  	v58 =	vld [tilespmem:s1+$0x8CA0];
	v8 =	vmul.bf16 v1, v8  }
0x1d4: {  	v59 =	vld [tilespmem:s1+$0xCCA0];
	v10 =	vmul.bf16 v0, v10;
	v7 =	vmul.bf16 v4, v7  }
0x1d5: {  	v60 =	vld [tilespmem:s1+$0x8CB0];
	v9 =	vmul.bf16 v11, v9;
	v12 =	vmul.bf16 v4, v12  }
0x1d6: {  	v61 =	vld [tilespmem:s1+$0xCCB0];
	v13 =	vmul.bf16 v11, v13;
	v14 =	vmul.bf16 v4, v14  }
0x1d7: {  	v29 =	vld [tilespmem:s1+$0x8CD0];
	v15 =	vmul.bf16 v11, v15;
	v16 =	vmul.bf16 v4, v41  }
0x1d8: {  	v31 =	vld [tilespmem:s1+$0xCCD0];
	v17 =	vmul.bf16 v11, v42;
	v52 =	vmul.bf16 v11, v45  }
0x1d9: {  	v33 =	vld [tilespmem:s1+$0x8CE0];
	v55 =	vmul.bf16 v4, v47;
	v20 =	vmul.bf16 v3, v53  }
0x1da: {  	v51 =	vld [tilespmem:s1+$0x8C80];
	v19 =	vmul.bf16 v3, v56;
	v23 =	vmul.bf16 v5, v58  }
0x1db: {  	v43 =	vld [tilespmem:s1+$0x8C40];
	v32 =	vmul.bf16 v3, v59;
	v18 =	vmul.bf16 v5, v60  }
0x1dc: {  	v50 =	vld [tilespmem:s1+$0xCC70];
	v21 =	vmul.bf16 v3, v61;
	v22 =	vmul.bf16 v5, v29;
	v8 =	vadd.bf16 v10, v8  }
0x1dd: {  	v40 =	vmul.bf16 v3, v31;
	v45 =	vld [tilespmem:s1+$0xCD10];
	v7 =	vadd.bf16 v9, v7;
	v12 =	vadd.bf16 v13, v12  }
0x1de: {  	v42 =	vmul.bf16 v5, v33;
	v10 =	vld [tilespmem:s1+$0xCC40];
	v14 =	vadd.bf16 v15, v14;
	v16 =	vadd.bf16 v17, v16  }
0x1df: {  	v9 =	vld [tilespmem:s1+$0x8C50];
	v17 =	vmul.bf16 v5, v51;
	v18 =	vadd.bf16 v21, v18;
	v44 =	vunpack.i.u.bf16.f32 v8  }
0x1e0: {  	v13 =	vld [tilespmem:s1+$0xCC60];
	v46 =	vunpack.i.u.bf16.f32 v7;
	v7 =	vunpack.i.l.bf16.f32 v7;
	v8 =	vunpack.i.l.bf16.f32 v8  }
0x1e1: {  	v15 =	vld [tilespmem:s1+$0x8C70];
	v48 =	vunpack.i.u.bf16.f32 v12;
	v49 =	vunpack.i.u.bf16.f32 v14;
	v14 =	vunpack.i.l.bf16.f32 v14  }
0x1e2: {  	v6 =	vld.idx.msk [tilespmem:v6+s2+$0x0], $0xffff;
	v54 =	vunpack.i.u.bf16.f32 v16;
	v16 =	vunpack.i.l.bf16.f32 v16;
	v7 =	vadd.f32 v7, v46  }
0x1e3: {  	v56 =	vld [tilespmem:s1+$0xCD50];
	v39 =	vunpack.i.u.bf16.f32 v18;
	v18 =	vunpack.i.l.bf16.f32 v18;
	v8 =	vadd.f32 v8, v44  }
0x1e4: {  	v38 =	vld [tilespmem:s1+$0x8D00];
	v53 =	vmul.bf16 v2, v45;
	[tilespmem:s1+$0x14C00] =	vst v7;
	v7 =	vunpack.i.l.bf16.f32 v12;
	v12 =	vmul.bf16 v4, v43  }
0x1e5: {  	v47 =	vld [tilespmem:s1+$0xCD20];
	v16 =	vadd.f32 v16, v54;
	v10 =	vmul.bf16 v11, v10;
	v9 =	vmul.bf16 v4, v9  }
0x1e6: {  	v18 =	vadd.f32 v18, v39;
	v13 =	vmul.bf16 v11, v13;
	v4 =	vmul.bf16 v4, v15  }
0x1e7: {  	v63 =	vld [tilespmem:s1+$0xCCC0];
	v11 =	vmul.bf16 v11, v50;
	v7 =	vadd.f32 v7, v48;
	v10 =	vadd.bf16 v10, v12  }
0x1e8: {  	v34 =	vld [tilespmem:s1+$0xCCE0];
	v60 =	vmul.bf16 v2, v56;
	v12 =	vadd.f32 v14, v49;
	v9 =	vadd.bf16 v52, v9  }
0x1e9: {  	v37 =	vld [tilespmem:s1+$0xCCF0];
	v48 =	vmul.bf16 v6, v38;
	v13 =	vadd.bf16 v13, v55;
	v4 =	vadd.bf16 v11, v4  }
0x1ea: {  	v43 =	vld [tilespmem:s1+$0x8D10];
	v55 =	vmul.bf16 v2, v47;
	v57 =	vunpack.i.u.bf16.f32 v10;
	v10 =	vunpack.i.l.bf16.f32 v10  }
0x1eb: {  	v14 =	vld [tilespmem:s1+$0x8C90];
	v15 =	vunpack.i.u.bf16.f32 v9;
	v9 =	vunpack.i.l.bf16.f32 v9;
	v62 =	vunpack.i.u.bf16.f32 v13  }
0x1ec: {  	v11 =	vld [tilespmem:s1+$0x8CC0];
	v13 =	vunpack.i.l.bf16.f32 v13;
	v28 =	vunpack.i.u.bf16.f32 v4;
	v10 =	vadd.f32 v10, v57  }
0x1ed: {  	v35 =	vld [tilespmem:s1+$0x8CF0];
	v4 =	vunpack.i.l.bf16.f32 v4;
	v9 =	vadd.f32 v9, v15;
	v15 =	vadd.bf16 v20, v17  }
0x1ee: {  	v52 =	vld [tilespmem:s1+$0x8D40];
	v13 =	vadd.f32 v13, v62;
	v17 =	vmul.bf16 v3, v63;
	v20 =	vmul.bf16 v3, v34  }
0x1ef: {  	v41 =	vld [tilespmem:s1+$0xCD00];
	v4 =	vadd.f32 v4, v28;
	v3 =	vmul.bf16 v3, v37;
	v51 =	vmul.bf16 v6, v43  }
0x1f0: {  	v14 =	vmul.bf16 v5, v14;
	v30 =	vunpack.i.u.bf16.f32 v15;
	v15 =	vunpack.i.l.bf16.f32 v15  }
0x1f1: {  	[tilespmem:s1+$0x14C30] =	vst v16;
	v11 =	vmul.bf16 v5, v11;
	v16 =	vadd.bf16 v53, v51;
	v15 =	vadd.f32 v15, v30  }
0x1f2: {  	v5 =	vmul.bf16 v5, v35;
	v14 =	vadd.bf16 v19, v14;
	v19 =	vadd.bf16 v32, v23  }
0x1f3: {  	v57 =	vmul.bf16 v6, v52;
	v11 =	vadd.bf16 v17, v11;
	v17 =	vadd.bf16 v40, v22  }
0x1f4: {  	[tilespmem:s1+$0x14DF0] =	vst v8;
	v3 =	vadd.bf16 v3, v5;
	v5 =	vmul.bf16 v2, v41;
	v36 =	vunpack.i.u.bf16.f32 v14  }
0x1f5: {  	v46 =	vld [tilespmem:s1+$0x8D20];
	[tilespmem:s1+$0x14C80] =	vst v15;
	v14 =	vunpack.i.l.bf16.f32 v14;
	v15 =	vunpack.i.u.bf16.f32 v19;
	v19 =	vunpack.i.l.bf16.f32 v19  }
0x1f6: {  	v50 =	vld [tilespmem:s1+$0xCD30];
	[tilespmem:s1+$0x14C10] =	vst v7;
	v44 =	vunpack.i.u.bf16.f32 v11;
	v11 =	vunpack.i.l.bf16.f32 v11;
	v8 =	vunpack.i.u.bf16.f32 v17  }
0x1f7: {  	v49 =	vld [tilespmem:s1+$0x8D30];
	[tilespmem:s1+$0x14C40] =	vst v10;
	v10 =	vunpack.i.u.bf16.f32 v3;
	v15 =	vadd.f32 v19, v15;
	v19 =	vadd.bf16 v20, v42  }
0x1f8: {  	[tilespmem:s1+$0x14C20] =	vst v12;
	v5 =	vadd.bf16 v5, v48;
	v7 =	vadd.f32 v11, v44;
	v11 =	vunpack.i.l.bf16.f32 v17  }
0x1f9: {  	v54 =	vld [tilespmem:s1+$0xCD40];
	[tilespmem:s1+$0x14C50] =	vst v9;
	v8 =	vadd.f32 v11, v8;
	v12 =	vunpack.i.u.bf16.f32 v19;
	v11 =	vunpack.i.l.bf16.f32 v19  }
0x1fa: {  	[tilespmem:s1+$0x14C60] =	vst v13;
	v3 =	vunpack.i.l.bf16.f32 v3;
	v14 =	vadd.f32 v14, v36;
	v9 =	vadd.f32 v11, v12;
	v12 =	vld [tilespmem:s1+$0x8D50]  }
0x1fb: {  	v58 =	vld [tilespmem:s1+$0x8D70];
	[tilespmem:s1+$0x14C70] =	vst v4;
	v3 =	vadd.f32 v3, v10;
	v13 =	vunpack.i.u.bf16.f32 v5;
	v11 =	vmul.bf16 v6, v46  }
0x1fc: {  	v10 =	vld [tilespmem:s1+$0x8D60];
	v4 =	vunpack.i.l.bf16.f32 v5;
	v5 =	vmul.bf16 v6, v49;
	[tilespmem:s1+$0x14C90] =	vst v14;
	v14 =	vmul.bf16 v2, v50  }
0x1fd: {  	v63 =	vld [tilespmem:s1+$0x8D90];
	v4 =	vadd.f32 v4, v13;
	[tilespmem:s1+$0x14CA0] =	vst v15;
	v15 =	vunpack.i.u.bf16.f32 v16;
	v11 =	vadd.bf16 v55, v11  }
0x1fe: {  	[tilespmem:s1+$0x14CB0] =	vst v18;
	v13 =	vld [tilespmem:s1+$0xCD60];
	v16 =	vunpack.i.l.bf16.f32 v16;
	v5 =	vadd.bf16 v14, v5;
	v14 =	vmul.bf16 v2, v54  }
0x1ff: {  	[tilespmem:s1+$0x14D00] =	vst v4;
	v59 =	vunpack.i.u.bf16.f32 v11;
	v4 =	vunpack.i.l.bf16.f32 v11;
	v11 =	vmul.bf16 v6, v12;
	v12 =	vld [tilespmem:s1+$0xCD70]  }
0x200: {  	v61 =	vld [tilespmem:s1+$0x8D80];
	[tilespmem:s1+$0x14CC0] =	vst v7;
	v15 =	vadd.f32 v16, v15;
	v7 =	vunpack.i.u.bf16.f32 v5;
	v14 =	vadd.bf16 v14, v57  }
0x201: {  	v62 =	vld [tilespmem:s1+$0xCD80];
	[tilespmem:s1+$0x14CD0] =	vst v8;
	v8 =	vadd.f32 v4, v59;
	v4 =	vunpack.i.l.bf16.f32 v5;
	v5 =	vmul.bf16 v6, v10  }
0x202: {  	[tilespmem:s1+$0x14CE0] =	vst v9;
	v9 =	vunpack.i.u.bf16.f32 v14;
	v6 =	vmul.bf16 v6, v58;
	v7 =	vadd.f32 v4, v7  }
0x203: {  	[tilespmem:s1+$0x14CF0] =	vst v3;
	v4 =	vld [tilespmem:s1+$0xCD90];
	v10 =	vadd.bf16 v60, v11;
	v11 =	vmul.bf16 v2, v13;
	v13 =	vunpack.i.l.bf16.f32 v14  }
0x204: {  	v3 =	vld [tilespmem:s1+$0x8DA0];
	v9 =	vadd.f32 v13, v9;
	[tilespmem:s1+$0x14D30] =	vst v7;
	v7 =	vmul.bf16 v1, v63;
	v2 =	vmul.bf16 v2, v12  }
0x205: {  	[tilespmem:s1+$0x14D10] =	vst v15;
	v14 =	vunpack.i.u.bf16.f32 v10;
	v15 =	vadd.bf16 v11, v5;
	v13 =	vunpack.i.l.bf16.f32 v10;
	v5 =	vld [tilespmem:s1+$0xCDA0]  }
0x206: {  	[tilespmem:s1+$0x14D20] =	vst v8;
	v11 =	vmul.bf16 v1, v61;
	v12 =	vmul.bf16 v0, v62;
	v8 =	vadd.bf16 v2, v6;
	v2 =	vld [tilespmem:s1+$0x8DB0]  }
0x207: {  	s11 =	simm.s32 $0x0;
	s3 =	simm.s32 $0x0;
	[tilespmem:s1+$0x14D40] =	vst v9;
	v9 =	vadd.f32 v13, v14;
	v10 =	vunpack.i.u.bf16.f32 v15;
	v13 =	vunpack.i.l.bf16.f32 v15;
	v6 =	vld [tilespmem:s1+$0xCDB0]  }
.LBB2_5:
0x208: {  	s4 =	sadd.s32 s11, s22;
	s11 =	sadd.s32 $0x4, s11;
	v14 =	vunpack.i.u.bf16.f32 v8;
	v11 =	vadd.bf16 v12, v11;
	v4 =	vmul.bf16 v0, v4;
	v12 =	vld [tilespmem:s1+$0x8DC0]  }
0x209: {  	v8 =	vunpack.i.l.bf16.f32 v8;
	s5 =	sadd.s32 $0x84, s4;
	s12 =	sadd.s32 $0x87, s4;
	p1 =	slt.u32 s11, $0x7C;
	[tilespmem:s1+$0x14D50] =	vst v9;
	v9 =	vadd.f32 v13, v10;
	v3 =	vmul.bf16 v1, v3;
	v10 =	vld [tilespmem:s1+$0xCDC0]  }
0x20a: {  	v13 =	vmov s5;
	s5 =	sadd.s32 $0x85, s4;
	s4 =	sadd.s32 $0x86, s4;
	v15 =	vmov s12;
	v5 =	vmul.bf16 v0, v5;
	v16 =	vld [tilespmem:s1+$0x8DD0]  }
0x20b: {  	v17 =	vmov s5;
	v18 =	vmov s4;
	v19 =	vor.u32 $0x100, v15;
	[tilespmem:s1+$0x14D60] =	vst v9;
	v9 =	vld [tilespmem:s1+$0xCDD0]  }
0x20c: {  	s3 =	sadd.s32 $0x800, s3;
	v20 =	vor.u32 $0x100, v13;
	v21 =	vor.u32 $0x100, v17;
	v22 =	vor.u32 $0x100, v18;
	v23 =	vld [tilespmem:s1+$0x8DE0]  }
0x20d: {  	s12 =	sshra.s32 s3, $0x2;
	v4 =	vadd.bf16 v4, v7;
	v2 =	vmul.bf16 v1, v2;
	v6 =	vmul.bf16 v0, v6;
	v7 =	vld [tilespmem:s1+$0xCDE0]  }
0x20e: {  	v3 =	vadd.bf16 v5, v3;
	v5 =	vmul.bf16 v1, v12;
	v24 =	vld [tilespmem:s12+$0x8DF0];
	v10 =	vmul.bf16 v0, v10  }
0x20f: {  	v2 =	vadd.bf16 v6, v2;
	v12 =	vld.idx.msk [tilespmem:v15+s2+$0x0], $0xffff;
	v15 =	vunpack.i.u.bf16.f32 v11;
	v16 =	vmul.bf16 v1, v16  }
0x210: {  	v11 =	vunpack.i.l.bf16.f32 v11;
	v19 =	vld.idx.msk [tilespmem:v19+s2+$0x0], $0xffff;
	v5 =	vadd.bf16 v10, v5;
	v9 =	vmul.bf16 v0, v9  }
0x211: {  	v25 =	vunpack.i.u.bf16.f32 v4;
	v26 =	vunpack.i.l.bf16.f32 v4;
	v10 =	vld [tilespmem:s12+$0xCDF0];
	v1 =	vmul.bf16 v1, v23  }
0x212: {  	v6 =	vld.idx.msk [tilespmem:v20+s2+$0x0], $0xffff;
	v20 =	vunpack.i.u.bf16.f32 v3;
	v9 =	vadd.bf16 v9, v16;
	v0 =	vmul.bf16 v0, v7  }
0x213: {  	v7 =	vunpack.i.l.bf16.f32 v3;
	v16 =	vunpack.i.u.bf16.f32 v2;
	v4 =	vld.idx.msk [tilespmem:v21+s2+$0x0], $0xffff;
	v21 =	vunpack.i.l.bf16.f32 v2  }
0x214: {  	v23 =	vunpack.i.l.bf16.f32 v5;
	v2 =	vld.idx.msk [tilespmem:v22+s2+$0x0], $0xffff;
	v22 =	vunpack.i.u.bf16.f32 v5;
	v27 =	vadd.bf16 v0, v1  }
0x215: {  	v8 =	vadd.f32 v8, v14;
	v14 =	vunpack.i.u.bf16.f32 v9;
	v9 =	vunpack.i.l.bf16.f32 v9;
	v13 =	vld.idx.msk [tilespmem:v13+s2+$0x0], $0xffff;
	v1 =	vmovc v12  }
0x216: {  	v5 =	vld.idx.msk [tilespmem:v17+s2+$0x0], $0xffff;
	v12 =	vmul.bf16 v1, v24;
	v10 =	vmul.bf16 v19, v10;
	v17 =	vunpack.i.u.bf16.f32 v27;
	v0 =	vmovc v19  }
0x217: {  	v3 =	vld.idx.msk [tilespmem:v18+s2+$0x0], $0xffff;
	[tilespmem:s1+$0x14D70] =	vst v8;
	v8 =	vadd.f32 v11, v15;
	v11 =	vadd.f32 v26, v25;
	v15 =	vunpack.i.l.bf16.f32 v27  }
0x218: {  	v7 =	vadd.f32 v7, v20;
	v18 =	vld [tilespmem:s12+$0x8C00];
	v10 =	vadd.bf16 v10, v12  }
0x219: {  	v12 =	vld [tilespmem:s12+$0xCC00];
	[tilespmem:s1+$0x14D80] =	vst v8;
	v8 =	vadd.f32 v21, v16;
	v16 =	vadd.f32 v23, v22  }
0x21a: {  	v9 =	vadd.f32 v9, v14;
	v19 =	vld [tilespmem:s12+$0x8C10];
	v20 =	vunpack.i.u.bf16.f32 v10;
	v10 =	vunpack.i.l.bf16.f32 v10;
	[tilespmem:s1+$0x14D90] =	vst v11  }
0x21b: {  	v11 =	vld [tilespmem:s12+$0xCC10];
	v10 =	vadd.f32 v10, v20;
	[tilespmem:s1+$0x14DA0] =	vst v7;
	v7 =	vadd.f32 v15, v17  }
0x21c: {  	v14 =	vld [tilespmem:s12+$0x8C20];
	[tilespmem:s1+$0x14DB0] =	vst v8  }
0x21d: {  	v8 =	vmul.bf16 v13, v18;
	v15 =	vld [tilespmem:s12+$0xCC20];
	[tilespmem:s12+$0x14DF0] =	vst v10  }
0x21e: {  	v10 =	vmul.bf16 v6, v12;
	v12 =	vld [tilespmem:s12+$0x8C30];
	[tilespmem:s1+$0x14DC0] =	vst v16  }
0x21f: {  	v16 =	vmul.bf16 v13, v19;
	v17 =	vld [tilespmem:s12+$0xCC30];
	[tilespmem:s1+$0x14DD0] =	vst v9  }
0x220: {  	v8 =	vadd.bf16 v10, v8;
	v9 =	vmul.bf16 v6, v11;
	v10 =	vld [tilespmem:s12+$0x8C40];
	[tilespmem:s1+$0x14DE0] =	vst v7;
	s1 =	smov.u32 s12  }
0x221: {  	v7 =	vmul.bf16 v13, v14;
	v11 =	vld [tilespmem:s1+$0xCC40]  }
0x222: {  	v14 =	vunpack.i.u.bf16.f32 v8;
	v9 =	vadd.bf16 v9, v16;
	v15 =	vmul.bf16 v6, v15;
	v16 =	vld [tilespmem:s1+$0x8C50]  }
0x223: {  	v8 =	vunpack.i.l.bf16.f32 v8;
	v12 =	vmul.bf16 v13, v12;
	v18 =	vld [tilespmem:s1+$0xCC50]  }
0x224: {  	v19 =	vunpack.i.u.bf16.f32 v9;
	v7 =	vadd.bf16 v15, v7;
	v15 =	vmul.bf16 v6, v17;
	v17 =	vld [tilespmem:s1+$0x8C60]  }
0x225: {  	v8 =	vadd.f32 v8, v14;
	v9 =	vunpack.i.l.bf16.f32 v9;
	v10 =	vmul.bf16 v13, v10;
	v14 =	vld [tilespmem:s1+$0xCC60]  }
0x226: {  	v20 =	vunpack.i.u.bf16.f32 v7;
	v12 =	vadd.bf16 v15, v12;
	v11 =	vmul.bf16 v6, v11;
	v15 =	vld [tilespmem:s1+$0x8C70]  }
0x227: {  	v7 =	vunpack.i.l.bf16.f32 v7;
	[tilespmem:s1+$0x14C00] =	vst v8;
	v8 =	vadd.f32 v9, v19;
	v9 =	vmul.bf16 v13, v16;
	v16 =	vld [tilespmem:s1+$0xCC70]  }
0x228: {  	v19 =	vunpack.i.u.bf16.f32 v12;
	v10 =	vadd.bf16 v11, v10;
	v11 =	vmul.bf16 v6, v18;
	v18 =	vld [tilespmem:s1+$0x8C80]  }
0x229: {  	v7 =	vadd.f32 v7, v20;
	[tilespmem:s1+$0x14C10] =	vst v8;
	v8 =	vunpack.i.l.bf16.f32 v12;
	v12 =	vmul.bf16 v13, v17;
	v17 =	vld [tilespmem:s1+$0xCC80]  }
0x22a: {  	v20 =	vunpack.i.u.bf16.f32 v10;
	v9 =	vadd.bf16 v11, v9;
	v11 =	vmul.bf16 v6, v14;
	v14 =	vld [tilespmem:s1+$0x8C90]  }
0x22b: {  	[tilespmem:s1+$0x14C20] =	vst v7;
	v7 =	vadd.f32 v8, v19;
	v8 =	vunpack.i.l.bf16.f32 v10;
	v10 =	vmul.bf16 v13, v15;
	v13 =	vld [tilespmem:s1+$0xCC90]  }
0x22c: {  	v15 =	vunpack.i.u.bf16.f32 v9;
	v11 =	vadd.bf16 v11, v12;
	v6 =	vmul.bf16 v6, v16;
	v12 =	vld [tilespmem:s1+$0x8CA0]  }
0x22d: {  	[tilespmem:s1+$0x14C30] =	vst v7;
	v7 =	vadd.f32 v8, v20;
	v8 =	vunpack.i.l.bf16.f32 v9;
	v9 =	vmul.bf16 v5, v18;
	v16 =	vld [tilespmem:s1+$0xCCA0]  }
0x22e: {  	v18 =	vunpack.i.u.bf16.f32 v11;
	v6 =	vadd.bf16 v6, v10;
	v10 =	vmul.bf16 v4, v17;
	v17 =	vld [tilespmem:s1+$0x8CB0]  }
0x22f: {  	[tilespmem:s1+$0x14C40] =	vst v7;
	v7 =	vadd.f32 v8, v15;
	v8 =	vunpack.i.l.bf16.f32 v11;
	v11 =	vmul.bf16 v5, v14;
	v14 =	vld [tilespmem:s1+$0xCCB0]  }
0x230: {  	v15 =	vunpack.i.u.bf16.f32 v6;
	v9 =	vadd.bf16 v10, v9;
	v10 =	vmul.bf16 v4, v13;
	v13 =	vld [tilespmem:s1+$0x8CC0]  }
0x231: {  	v6 =	vunpack.i.l.bf16.f32 v6;
	[tilespmem:s1+$0x14C50] =	vst v7;
	v7 =	vadd.f32 v8, v18;
	v8 =	vmul.bf16 v5, v12;
	v12 =	vld [tilespmem:s1+$0xCCC0]  }
0x232: {  	v18 =	vunpack.i.u.bf16.f32 v9;
	v10 =	vadd.bf16 v10, v11;
	v11 =	vmul.bf16 v4, v16;
	v16 =	vld [tilespmem:s1+$0x8CD0]  }
0x233: {  	v6 =	vadd.f32 v6, v15;
	[tilespmem:s1+$0x14C60] =	vst v7;
	v7 =	vunpack.i.l.bf16.f32 v9;
	v9 =	vmul.bf16 v5, v17;
	v15 =	vld [tilespmem:s1+$0xCCD0]  }
0x234: {  	v17 =	vunpack.i.u.bf16.f32 v10;
	v8 =	vadd.bf16 v11, v8;
	v11 =	vmul.bf16 v4, v14;
	v14 =	vld [tilespmem:s1+$0x8CE0]  }
0x235: {  	[tilespmem:s1+$0x14C70] =	vst v6;
	v6 =	vadd.f32 v7, v18;
	v7 =	vunpack.i.l.bf16.f32 v10;
	v10 =	vmul.bf16 v5, v13;
	v13 =	vld [tilespmem:s1+$0xCCE0]  }
0x236: {  	v18 =	vunpack.i.u.bf16.f32 v8;
	v9 =	vadd.bf16 v11, v9;
	v11 =	vmul.bf16 v4, v12;
	v12 =	vld [tilespmem:s1+$0x8CF0]  }
0x237: {  	[tilespmem:s1+$0x14C80] =	vst v6;
	v6 =	vadd.f32 v7, v17;
	v7 =	vunpack.i.l.bf16.f32 v8;
	v8 =	vmul.bf16 v5, v16;
	v16 =	vld [tilespmem:s1+$0xCCF0]  }
0x238: {  	v17 =	vunpack.i.u.bf16.f32 v9;
	v10 =	vadd.bf16 v11, v10;
	v11 =	vmul.bf16 v4, v15;
	v15 =	vld [tilespmem:s1+$0x8D00]  }
0x239: {  	[tilespmem:s1+$0x14C90] =	vst v6;
	v6 =	vadd.f32 v7, v18;
	v7 =	vunpack.i.l.bf16.f32 v9;
	v9 =	vmul.bf16 v5, v14;
	v14 =	vld [tilespmem:s1+$0xCD00]  }
0x23a: {  	v18 =	vunpack.i.u.bf16.f32 v10;
	v8 =	vadd.bf16 v11, v8;
	v11 =	vmul.bf16 v4, v13;
	v13 =	vld [tilespmem:s1+$0x8D10]  }
0x23b: {  	[tilespmem:s1+$0x14CA0] =	vst v6;
	v6 =	vadd.f32 v7, v17;
	v7 =	vunpack.i.l.bf16.f32 v10;
	v5 =	vmul.bf16 v5, v12;
	v10 =	vld [tilespmem:s1+$0xCD10]  }
0x23c: {  	v12 =	vunpack.i.u.bf16.f32 v8;
	v9 =	vadd.bf16 v11, v9;
	v4 =	vmul.bf16 v4, v16;
	v11 =	vld [tilespmem:s1+$0x8D20]  }
0x23d: {  	[tilespmem:s1+$0x14CB0] =	vst v6;
	v6 =	vadd.f32 v7, v18;
	v7 =	vunpack.i.l.bf16.f32 v8;
	v8 =	vmul.bf16 v3, v15;
	v15 =	vld [tilespmem:s1+$0xCD20]  }
0x23e: {  	v16 =	vunpack.i.u.bf16.f32 v9;
	v4 =	vadd.bf16 v4, v5;
	v5 =	vmul.bf16 v2, v14;
	v14 =	vld [tilespmem:s1+$0x8D30]  }
0x23f: {  	[tilespmem:s1+$0x14CC0] =	vst v6;
	v6 =	vadd.f32 v7, v12;
	v7 =	vunpack.i.l.bf16.f32 v9;
	v9 =	vmul.bf16 v3, v13;
	v12 =	vld [tilespmem:s1+$0xCD30]  }
0x240: {  	v13 =	vunpack.i.u.bf16.f32 v4;
	v5 =	vadd.bf16 v5, v8;
	v8 =	vmul.bf16 v2, v10;
	v10 =	vld [tilespmem:s1+$0x8D40]  }
0x241: {  	v4 =	vunpack.i.l.bf16.f32 v4;
	[tilespmem:s1+$0x14CD0] =	vst v6;
	v6 =	vadd.f32 v7, v16;
	v7 =	vmul.bf16 v3, v11;
	v11 =	vld [tilespmem:s1+$0xCD40]  }
0x242: {  	v16 =	vunpack.i.u.bf16.f32 v5;
	v8 =	vadd.bf16 v8, v9;
	v9 =	vmul.bf16 v2, v15;
	v15 =	vld [tilespmem:s1+$0x8D50]  }
0x243: {  	v4 =	vadd.f32 v4, v13;
	v5 =	vunpack.i.l.bf16.f32 v5;
	[tilespmem:s1+$0x14CE0] =	vst v6;
	v6 =	vmul.bf16 v3, v14;
	v13 =	vld [tilespmem:s1+$0xCD50]  }
0x244: {  	v14 =	vunpack.i.u.bf16.f32 v8;
	v7 =	vadd.bf16 v9, v7;
	v9 =	vmul.bf16 v2, v12;
	v12 =	vld [tilespmem:s1+$0x8D60]  }
0x245: {  	[tilespmem:s1+$0x14CF0] =	vst v4;
	v4 =	vadd.f32 v5, v16;
	v5 =	vunpack.i.l.bf16.f32 v8;
	v8 =	vmul.bf16 v3, v10;
	v10 =	vld [tilespmem:s1+$0xCD60]  }
0x246: {  	v16 =	vunpack.i.u.bf16.f32 v7;
	v6 =	vadd.bf16 v9, v6;
	v9 =	vmul.bf16 v2, v11;
	v11 =	vld [tilespmem:s1+$0x8D70]  }
0x247: {  	[tilespmem:s1+$0x14D00] =	vst v4;
	v4 =	vadd.f32 v5, v14;
	v5 =	vunpack.i.l.bf16.f32 v7;
	v7 =	vmul.bf16 v3, v15;
	v14 =	vld [tilespmem:s1+$0xCD70]  }
0x248: {  	v15 =	vunpack.i.u.bf16.f32 v6;
	v8 =	vadd.bf16 v9, v8;
	v9 =	vmul.bf16 v2, v13;
	v13 =	vld [tilespmem:s1+$0x8D80]  }
0x249: {  	[tilespmem:s1+$0x14D10] =	vst v4;
	v4 =	vadd.f32 v5, v16;
	v5 =	vunpack.i.l.bf16.f32 v6;
	v6 =	vmul.bf16 v3, v12;
	v12 =	vld [tilespmem:s1+$0xCD80]  }
0x24a: {  	v16 =	vunpack.i.u.bf16.f32 v8;
	v7 =	vadd.bf16 v9, v7;
	v9 =	vmul.bf16 v2, v10;
	v17 =	vld [tilespmem:s1+$0x8D90]  }
.Ltmp1:
0x24b: {  	v5 =	vadd.f32 v5, v15;
	v8 =	vunpack.i.l.bf16.f32 v8;
	[tilespmem:s1+$0x14D20] =	vst v4;
	v15 =	vmul.bf16 v3, v11;
	v4 =	vld [tilespmem:s1+$0xCD90];
	(pc) =	sbr.rel @p1 .LBB2_5-.Ltmp1, $4  }
0x24c: {  	v18 =	vunpack.i.u.bf16.f32 v7;
	v6 =	vadd.bf16 v9, v6;
	v2 =	vmul.bf16 v2, v14;
	v3 =	vld [tilespmem:s1+$0x8DA0]  }
0x24d: {  	v9 =	vadd.f32 v8, v16;
	v7 =	vunpack.i.l.bf16.f32 v7;
	[tilespmem:s1+$0x14D30] =	vst v5;
	v11 =	vmul.bf16 v1, v13;
	v5 =	vld [tilespmem:s1+$0xCDA0]  }
0x24e: {  	v10 =	vunpack.i.u.bf16.f32 v6;
	v8 =	vadd.bf16 v2, v15;
	v12 =	vmul.bf16 v0, v12;
	v2 =	vld [tilespmem:s1+$0x8DB0]  }
0x24f: {  	v13 =	vunpack.i.l.bf16.f32 v6;
	[tilespmem:s1+$0x14D40] =	vst v9;
	v9 =	vadd.f32 v7, v18;
	v7 =	vmul.bf16 v1, v17;
	v6 =	vld [tilespmem:s1+$0xCDB0]  }
0x250: {  	v14 =	vld [tilespmem:s1+$0x8DC0]  }
0x251: {  	v15 =	vld [tilespmem:s1+$0xCDC0]  }
0x252: {  	v16 =	vunpack.i.u.bf16.f32 v8;
	v45 =	vld [tilespmem:s1+$0x8DD0]  }
0x253: {  	v11 =	vadd.bf16 v12, v11;
	v4 =	vmul.bf16 v0, v4;
	v46 =	vld [tilespmem:s1+$0xCDD0];
	v49 =	vunpack.i.l.bf16.f32 v8  }
0x254: {  	v10 =	vadd.f32 v13, v10;
	v47 =	vld [tilespmem:s1+$0x8DE0];
	v3 =	vmul.bf16 v1, v3;
	v8 =	vadd.f32 v49, v16  }
0x255: {  	v48 =	vld [tilespmem:s1+$0xCDE0];
	v5 =	vmul.bf16 v0, v5;
	v50 =	vunpack.i.u.bf16.f32 v11;
	v11 =	vunpack.i.l.bf16.f32 v11  }
0x256: {  	v4 =	vadd.bf16 v4, v7;
	v2 =	vmul.bf16 v1, v2;
	v56 =	vadd.f32 v11, v50  }
0x257: {  	v6 =	vmul.bf16 v0, v6;
	v3 =	vadd.bf16 v5, v3;
	v14 =	vmul.bf16 v1, v14  }
0x258: {  	v51 =	vunpack.i.u.bf16.f32 v4;
	v15 =	vmul.bf16 v0, v15;
	v12 =	vmul.bf16 v1, v45  }
0x259: {  	v4 =	vunpack.i.l.bf16.f32 v4;
	v13 =	vmul.bf16 v0, v46;
	v52 =	vmul.bf16 v1, v47  }
0x25a: {  	[tilespmem:s1+$0x14D50] =	vst v9;
	v55 =	vmul.bf16 v0, v48;
	v4 =	vadd.f32 v4, v51;
	v2 =	vadd.bf16 v6, v2  }
0x25b: {  	[tilespmem:s1+$0x14D60] =	vst v10;
	v53 =	vunpack.i.u.bf16.f32 v3;
	v3 =	vunpack.i.l.bf16.f32 v3;
	v14 =	vadd.bf16 v15, v14  }
0x25c: {  	[tilespmem:s1+$0x14D70] =	vst v8;
	v54 =	vadd.bf16 v13, v12;
	v3 =	vadd.f32 v3, v53  }
0x25d: {  	[tilespmem:s1+$0x14D80] =	vst v56;
	v0 =	vadd.bf16 v55, v52;
	v57 =	vunpack.i.u.bf16.f32 v2;
	v2 =	vunpack.i.l.bf16.f32 v2  }
0x25e: {  	[tilespmem:s1+$0x14D90] =	vst v4;
	v58 =	vunpack.i.u.bf16.f32 v14;
	v59 =	vunpack.i.l.bf16.f32 v14;
	v60 =	vadd.f32 v2, v57  }
0x25f: {  	v61 =	vunpack.i.u.bf16.f32 v54;
	v62 =	vunpack.i.l.bf16.f32 v54;
	[tilespmem:s1+$0x14DA0] =	vst v3;
	v5 =	vadd.f32 v59, v58  }
0x260: {  	v63 =	vunpack.i.u.bf16.f32 v0;
	v0 =	vunpack.i.l.bf16.f32 v0;
	v2 =	vadd.f32 v62, v61;
	[tilespmem:s1+$0x14DB0] =	vst v60  }
0x261: {  	p1 =	sne.s32 s24, $0x20;
	v0 =	vadd.f32 v0, v63;
	[tilespmem:s1+$0x14DC0] =	vst v5  }
.Ltmp2:
0x262: {  	[tilespmem:s1+$0x14DD0] =	vst v2;
	(pc) =	sbr.rel @p1 .LBB2_2-.Ltmp2, $4  }
0x263: {  	[tilespmem:s1+$0x14DE0] =	vst v0  }
0x264: {  	s1 =	rddreg [dreg:$0x9]  }
0x265: {  	s3 =	simm.s32 $0x14C00;
	p0 =	por !p0, !p0;
	s1 =	sadd.s32 s8, s1  }
0x266: {  	[hbm4b:s1+s2] =	stream.linear.scatter [tilespmem:s3], [sflag:$0x4], $0x4000, $0x38;
	[tilespmem:$0x18C00] =	vst v63  }
0x267: {  	s1 =	simm.s32 $0x4  }
0x268: {  	_ =	swait.ge [sflag:s1], $0x4000  }
0x269: {  	[sflag:s1] =	ssyncset.done $0x0  }
0x26a: {  	[sflag:s1] =	ssyncadd.s32 $0xFFFFC000  }
0x26b: {  	_ =	swait.ge [sflag:s1], $0x4000  }
0x26c: {  	[sflag:s1] =	ssyncset.done $0x0  }
0x26d: {  	[sflag:s1] =	ssyncadd.s32 $0xFFFFC000  }
0x26e: {  	_ =	swait.ge [sflag:s26], $0x4000  }
0x26f: {  	[sflag:s26] =	ssyncset.done $0x0  }
0x270: {  	[sflag:s26] =	ssyncadd.s32 $0xFFFFC000  }
0x271: {  	_ =	swait.ge [sflag:s26], $0x4000  }
0x272: {  	s3 =	rddreg [dreg:$0xb]  }
0x273: {  	s30 =	rddreg [dreg:$0xa];
	s3 =	sadd.s32 $0x1, s3  }
0x274: {  	p0 =	sne.s32 s3, s30  }
.Ltmp3:
0x275: {  	_ = 	snop;
	(pc) =	sbr.rel @p0 .LBB2_1-.Ltmp3, $3  }
0x276: {  	_ =	sdelay $0x1  }
0x277: {  	[sflag:s26] =	ssyncset.done $0x0  }
0x278: {  	[sflag:s26] =	ssyncadd.s32 $0xFFFFC000  }
0x279: {  	_ =	sfence.sel $0x180000  }
0x27a: {  	[bflag:$0x0] =	sbarrier.arrive $0xFFFF  }
0x27b: {  	_ =	strace $0x90000047  }
0x27c: {  	s0 =	stileid.u32;
	[bflag:$0x2] =	sbarrier.arrive $0xFFFF  }
0x27d: {  	p0 =	sne.s32 s0, $0x0;
	s0 =	rddreg [dreg:$0x2]  }
0x27e: {  	s0 =	sadd.s32 @!p0 $0x100000, s0  }
0x27f: {  	[sflag:s0] =	ssyncadd.tile.s32 @!p0 $0x1;
	_ =	shalt  }
.Lfunc_end2:
_tile_overlayer_lowered:
.L_overlay_start_2:
0x280: {  	(tag) =	ssettag $0x2  }
0x281: {  	s0 =	rddreg [dreg:$0x0];
	s2 =	stileid.u32  }
0x282: {  	s1 =	rddreg [dreg:$0x1];
	p0 =	sne.s32 s2, $0x0  }
0x283: {  	s3 =	rddreg [dreg:$0x2];
	[bflag:$0x3] =	sbarrier.arrive $0xFFFF;
	s2 =	simm.s32 @!p0 $0x1C05  }
0x284: {  	[timem:s3], [sflag:s2] =	dma.local @!p0 [hbm:s0], s1  }
0x285: {  	s0 =	simm.s32 @!p0 $0x5  }
0x286: {  	_ =	swait.ge @!p0 [sflag:s0], s1  }
0x287: {  	s1 =	ssub.s32 @!p0 $0x0, s1;
	[sflag:s0] =	ssyncset.done @!p0 $0x0  }
0x288: {  	[sflag:s0] =	ssyncadd.s32 @!p0 s1  }
0x289: {  	[bflag:$0x3] =	sbarrier.arrive $0xFFFF  }
0x28a: {  	_ =	shalt  }

</sc_bundles>
